<compile_context>
chip_gen: v7x
topology: tpu7x:2x2x1
jax: 0.10.2.dev20260603
libtpu: 0.0.44.dev20260713+nightly
codegen_flags: <defaults>
</compile_context>

<pallas_src>
import functools

import jax
import jax.numpy as jnp
from jax import lax
from jax.experimental import pallas as pl
from jax.experimental.pallas import tpu as pltpu
from jax.experimental.pallas import tpu_sc as plsc

N = 10000
E = 320000
H = 128
R = 16
CUTOFF = 5.0
NCLS = 128

NW = 32
CS = 80
BLK_E = 2560
E0 = 153600
E1 = E - E0
NPW = 624
NPW_LAST = N - 15 * NPW

_SC_MESH = dict(core_axis_name="c", subcore_axis_name="s")


ZG = 5


def _make_zc_body(epw):
    nchunk = epw // CS
    ngrp = nchunk // ZG

    def body(z_hbm, col2_hbm, zc_hbm, col_v, zc_v, sem):
        wid = lax.axis_index("s") * 2 + lax.axis_index("c")

        pltpu.sync_copy(col2_hbm.at[wid], col_v)

        def fire(g):
            for j in range(ZG):
                sl = pl.ds((g * ZG + j) * CS, CS)
                pltpu.async_copy(z_hbm.at[col_v.at[sl]], zc_v.at[sl], sem)

        def drain():
            for j in range(ZG):
                pltpu.make_async_copy(
                    z_hbm.at[col_v.at[pl.ds(0, CS)]], zc_v.at[pl.ds(0, CS)], sem
                ).wait()

        fire(0)

        def group(g, carry):
            @pl.when(g + 1 < ngrp)
            def _():
                fire(g + 1)

            drain()
            return carry

        lax.fori_loop(0, ngrp, group, 0)
        pltpu.sync_copy(zc_v, zc_hbm.at[wid])

    return body


@functools.cache
def _zc_kernel(epw):
    return pl.kernel(
        _make_zc_body(epw),
        out_type=jax.ShapeDtypeStruct((NW, epw), jnp.int32),
        mesh=plsc.VectorSubcoreMesh(**_SC_MESH),
        scratch_types=[
            pltpu.VMEM((epw,), jnp.int32),
            pltpu.VMEM((epw,), jnp.int32),
            pltpu.SemaphoreType.DMA,
        ],
    )


MB_GRP = 512


def _msg_body(eat_ref, dist_ref, zc_ref, wdt_ref, bd_ref, ntab_ref, msg_ref):
    be = eat_ref.shape[1]
    for j in range(be // MB_GRP):
        sl = pl.ds(j * MB_GRP, MB_GRP)
        d = dist_ref[0, 0, sl]
        c = 0.5 * (jnp.cos(jnp.pi * d / CUTOFF) + 1.0)
        c = c * (d < CUTOFF).astype(jnp.float32)
        w = (
            lax.dot_general(
                eat_ref[:, sl], wdt_ref[...], (((0,), (0,)), ((), ()))
            )
            + bd_ref[...]
        )
        ohct = (
            lax.broadcasted_iota(jnp.int32, (NCLS, MB_GRP), 0)
            == zc_ref[0, 0, sl][None, :]
        ).astype(jnp.float32) * c[None, :]
        nfc = lax.dot_general(ohct, ntab_ref[...], (((0,), (0,)), ((), ())))
        msg_ref[sl, :] = w * nfc


def _msg_call(eat, dist3, zc, wdt, bd2, ntab_pad, nedge, blk0):
    nblk = nedge // BLK_E
    zc3 = zc.reshape(nblk, 1, BLK_E)
    return pl.pallas_call(
        _msg_body,
        grid=(nblk,),
        in_specs=[
            pl.BlockSpec((R, BLK_E), lambda i: (0, i + blk0)),
            pl.BlockSpec((1, 1, BLK_E), lambda i: (i + blk0, 0, 0)),
            pl.BlockSpec((1, 1, BLK_E), lambda i: (i, 0, 0)),
            pl.BlockSpec((R, H), lambda i: (0, 0)),
            pl.BlockSpec((1, H), lambda i: (0, 0)),
            pl.BlockSpec((NCLS, H), lambda i: (0, 0)),
        ],
        out_specs=pl.BlockSpec((BLK_E, H), lambda i: (i, 0)),
        out_shape=jax.ShapeDtypeStruct((nedge, H), jnp.float32),
        compiler_params=pltpu.CompilerParams(
            dimension_semantics=("parallel",),
        ),
    )(eat, dist3, zc3, wdt, bd2, ntab_pad)


MCS = CS


def _make_scatter_body(epw):
    nmc = epw // MCS

    def body(
        msg_hbm, row3_hbm, zinit_hbm, parts_hbm,
        row_v, msg_a, msg_b, agg_sp, sem_a, sem_b,
    ):
        cid = lax.axis_index("c")
        sid = lax.axis_index("s")
        wid = sid * 2 + cid
        base = wid * epw

        nbase = sid * NPW

        @pl.when(sid < 15)
        def _():
            pltpu.sync_copy(
                zinit_hbm.at[pl.ds(nbase, NPW)], agg_sp.at[pl.ds(nbase, NPW)]
            )

        @pl.when(sid == 15)
        def _():
            pltpu.sync_copy(
                zinit_hbm.at[pl.ds(nbase, NPW_LAST)],
                agg_sp.at[pl.ds(nbase, NPW_LAST)],
            )

        pltpu.sync_copy(row3_hbm.at[wid], row_v)
        plsc.subcore_barrier()

        pltpu.async_copy(msg_hbm.at[pl.ds(base, MCS)], msg_a, sem_a)

        def scatter_from(buf, t):
            pltpu.sync_copy(buf, agg_sp.at[row_v.at[t]], add=True)

        def pair(p, carry):
            t0 = p * 2
            pltpu.make_async_copy(
                msg_hbm.at[pl.ds(base, MCS)], msg_a, sem_a
            ).wait()

            @pl.when(t0 + 1 < nmc)
            def _():
                pltpu.async_copy(
                    msg_hbm.at[pl.ds(base + (t0 + 1) * MCS, MCS)], msg_b, sem_b
                )

            scatter_from(msg_a, t0)

            @pl.when(t0 + 1 < nmc)
            def _():
                pltpu.make_async_copy(
                    msg_hbm.at[pl.ds(base, MCS)], msg_b, sem_b
                ).wait()

                @pl.when(t0 + 2 < nmc)
                def _():
                    pltpu.async_copy(
                        msg_hbm.at[pl.ds(base + (t0 + 2) * MCS, MCS)],
                        msg_a,
                        sem_a,
                    )

                scatter_from(msg_b, t0 + 1)

            return carry

        lax.fori_loop(0, (nmc + 1) // 2, pair, 0)
        plsc.subcore_barrier()

        @pl.when(sid < 15)
        def _():
            pltpu.sync_copy(
                agg_sp.at[pl.ds(nbase, NPW)], parts_hbm.at[cid, pl.ds(nbase, NPW)]
            )

        @pl.when(sid == 15)
        def _():
            pltpu.sync_copy(
                agg_sp.at[pl.ds(nbase, NPW_LAST)],
                parts_hbm.at[cid, pl.ds(nbase, NPW_LAST)],
            )

    return body


@functools.cache
def _scatter_kernel(epw):
    return pl.kernel(
        _make_scatter_body(epw),
        out_type=jax.ShapeDtypeStruct((2, N, H), jnp.float32),
        mesh=plsc.VectorSubcoreMesh(**_SC_MESH),
        scratch_types=[
            pltpu.VMEM((epw // MCS, CS), jnp.int32),
            pltpu.VMEM((MCS, H), jnp.float32),
            pltpu.VMEM((MCS, H), jnp.float32),
            pltpu.VMEM_SHARED((N, H), jnp.float32),
            pltpu.SemaphoreType.DMA,
            pltpu.SemaphoreType.DMA,
        ],
    )


def _out_body(
    z_ref, p0_ref, p1_ref, p2_ref, p3_ref, atab_ref, wcat_ref, wcbt_ref, bc_ref,
    out_ref,
):
    oh = (z_ref[...] == lax.broadcasted_iota(jnp.int32, (1, NCLS), 1)).astype(
        jnp.float32
    )
    t1 = jnp.dot(atab_ref[...], wcat_ref[...])
    agg = (p0_ref[...] + p1_ref[...]) + (p2_ref[...] + p3_ref[...])
    out_ref[...] = (
        jnp.dot(oh, t1) + jnp.dot(agg, wcbt_ref[...]) + bc_ref[...]
    )


def _out_call(z2, parts0, parts1, atab_pad, wcat, wcbt, bc2, block_n):
    grid = (N // block_n,)
    return pl.pallas_call(
        _out_body,
        grid=grid,
        in_specs=[
            pl.BlockSpec((block_n, 1), lambda i: (i, 0)),
            pl.BlockSpec((block_n, H), lambda i: (i, 0)),
            pl.BlockSpec((block_n, H), lambda i: (i, 0)),
            pl.BlockSpec((block_n, H), lambda i: (i, 0)),
            pl.BlockSpec((block_n, H), lambda i: (i, 0)),
            pl.BlockSpec((NCLS, H), lambda i: (0, 0)),
            pl.BlockSpec((H, H), lambda i: (0, 0)),
            pl.BlockSpec((H, H), lambda i: (0, 0)),
            pl.BlockSpec((1, H), lambda i: (0, 0)),
        ],
        out_specs=pl.BlockSpec((block_n, H), lambda i: (i, 0)),
        out_shape=jax.ShapeDtypeStruct((N, H), jnp.float32),
    )(
        z2, parts0[0], parts0[1], parts1[0], parts1[1],
        atab_pad, wcat, wcbt, bc2,
    )


def kernel(z, edge_index, edge_dist, edge_attr, atom_table, neigh_table, Wd, bd, Wc, bc):
    z = z.astype(jnp.int32)
    row = edge_index[0].astype(jnp.int32)
    col = edge_index[1].astype(jnp.int32)

    zc0 = _zc_kernel(E0 // NW)(z, col[:E0].reshape(NW, E0 // NW)).reshape(E0)
    zc1 = _zc_kernel(E1 // NW)(z, col[E0:].reshape(NW, E1 // NW)).reshape(E1)

    wdt = Wd.T
    bd2 = bd.reshape(1, H)
    ntab_pad = jnp.zeros((NCLS, H), jnp.float32).at[: neigh_table.shape[0]].set(neigh_table)
    eat = edge_attr.T
    dist3 = edge_dist.reshape(E // BLK_E, 1, BLK_E)
    zinit = jnp.zeros((N, H), jnp.float32)

    msg0 = _msg_call(eat, dist3, zc0, wdt, bd2, ntab_pad, E0, 0)
    parts0 = _scatter_kernel(E0 // NW)(
        msg0, row[:E0].reshape(NW, E0 // NW // CS, CS), zinit
    )
    msg1 = _msg_call(eat, dist3, zc1, wdt, bd2, ntab_pad, E1, E0 // BLK_E)
    parts1 = _scatter_kernel(E1 // NW)(
        msg1, row[E0:].reshape(NW, E1 // NW // CS, CS), zinit
    )

    z2 = z.reshape(N, 1)
    atab_pad = jnp.zeros((NCLS, H), jnp.float32).at[: atom_table.shape[0]].set(atom_table)
    wcat = Wc[:, :H].T
    wcbt = Wc[:, H:].T
    bc2 = bc.reshape(1, H)
    return _out_call(z2, parts0, parts1, atab_pad, wcat, wcbt, bc2, block_n=1000)

# --- scband reference (transcript-rebuilt; emitter-appended) ---
"""Pipeline reference for scband-node-embedding-59622736003308 (READ-ONLY COPY).

The authoritative reference and input builder live on the scoring server;
editing this copy changes nothing except your own understanding.
"""

import jax, jax.numpy as jnp
import numpy as np

N = 10000
E = 320000
H = 128
R = 16
CUTOFF = 5.0
MAXZ = 100


def cosine_cutoff(d):
    c = 0.5 * (jnp.cos(jnp.pi * d / CUTOFF) + 1.0)
    return c * (d < CUTOFF).astype(d.dtype)


def setup_inputs(seed: int = 0) -> dict:
    key = jax.random.key(seed)
    ks = jax.random.split(key, 10)
    z = jax.random.randint(ks[0], (N,), 0, MAXZ + 1, dtype=jnp.int64 if jax.config.jax_enable_x64 else jnp.int32)
    edge_index = jax.random.randint(ks[1], (2, E), 0, N, dtype=jnp.int64 if jax.config.jax_enable_x64 else jnp.int32)
    edge_dist = jax.random.uniform(ks[2], (E,), minval=0.0, maxval=CUTOFF, dtype=jnp.float32)
    edge_attr = jax.random.normal(ks[3], (E, R), dtype=jnp.float32)
    atom_table = jax.random.normal(ks[4], (MAXZ + 1, H), dtype=jnp.float32) * 0.02
    atom_table = atom_table.at[0].set(0.0)  # padding_idx=0
    neigh_table = jax.random.normal(ks[5], (MAXZ + 1, H), dtype=jnp.float32) * 0.02
    neigh_table = neigh_table.at[0].set(0.0)  # padding_idx=0
    Wd = jax.random.normal(ks[6], (H, R), dtype=jnp.float32) * (1.0 / np.sqrt(R))
    bd = jnp.zeros((H,), dtype=jnp.float32)
    Wc = jax.random.normal(ks[7], (H, 2 * H), dtype=jnp.float32) * (1.0 / np.sqrt(2 * H))
    bc = jnp.zeros((H,), dtype=jnp.float32)
    return {
        "z": z,
        "edge_index": edge_index,
        "edge_dist": edge_dist,
        "edge_attr": edge_attr,
        "atom_table": atom_table,
        "neigh_table": neigh_table,
        "Wd": Wd,
        "bd": bd,
        "Wc": Wc,
        "bc": bc,
    }


def reference(z, edge_index, edge_dist, edge_attr, atom_table, neigh_table, Wd, bd, Wc, bc):
    row, col = edge_index[0], edge_index[1]
    x = jnp.take(atom_table, z, axis=0)                     # (N, H) embedding gather
    C = cosine_cutoff(edge_dist)                            # (E,)
    W = (edge_attr @ Wd.T + bd) * C[:, None]                # (E, H)
    neighbor_feat = jnp.take(neigh_table, z, axis=0)        # (N, H)
    msg = W * jnp.take(neighbor_feat, col, axis=0)          # (E, H) edge gather
    neighbor_agg = jnp.zeros_like(x).at[row].add(msg)       # scatter-add (index_add_)
    out = jnp.concatenate([x, neighbor_agg], axis=-1) @ Wc.T + bc
    return out

if __name__ == "__main__":
    import jax
    _d = setup_inputs()
    print(jax.jit(kernel)(*tuple(_d.values())))

</pallas_src>

<mosaic_0001>
#map = affine_map<(d0, d1) -> (0)>
#map1 = affine_map<(d0, d1) -> (0, 0)>
module attributes {stable_mosaic.version = 14 : i64} {
  func.func @body(%arg0: i32, %arg1: i32, %arg2: memref<10000xi32, #tpu.memory_space<hbm>>, %arg3: memref<32x4800xi32, #tpu.memory_space<hbm>>, %arg4: memref<32x4800xi32, #tpu.memory_space<hbm>>, %arg5: memref<4800xi32, #tpu.memory_space<vmem>>, %arg6: memref<4800xi32, #tpu.memory_space<vmem>>, %arg7: memref<!tpu.dma_semaphore, #tpu.memory_space<semaphore_mem>>) attributes {dimension_semantics = [#tpu.dimension_semantics<core_parallel>, #tpu.dimension_semantics<subcore_parallel>], iteration_bounds = array<i64: 2, 16>, scalar_prefetch = 0 : i64, scratch_operands = 3 : i64, tpu.core_type = #tpu.core_type<sc_vector_subcore>, window_params = [{transform_indices = #map}, {transform_indices = #map1}, {transform_indices = #map1}]} {
    %mul3A = arith.constant 2 : i32
    %mul3A_0 = arith.muli %arg1, %mul3A : i32
    %add3A = arith.addi %mul3A_0, %arg0 : i32
    "tpu.region"() ({
      %run_scoped3A = tpu.sem_alloc : memref<!tpu.dma_semaphore, #tpu.memory_space<semaphore_mem>>
      %dma_start3A_35 = arith.constant 0 : i32
      %dma_start3A_36 = tpu.memref_slice %arg3[%add3A, %dma_start3A_35] : memref<32x4800xi32, #tpu.memory_space<hbm>> -> memref<1x4800xi32, #tpu.memory_space<hbm>>
      %dma_start3A_37 = tpu.memref_squeeze %dma_start3A_36 : memref<1x4800xi32, #tpu.memory_space<hbm>> -> memref<4800xi32, #tpu.memory_space<hbm>>
      %dma_start3A_38 = arith.constant 0 : i32
      %dma_start3A_39 = tpu.memref_slice %arg3[%add3A, %dma_start3A_38] : memref<32x4800xi32, #tpu.memory_space<hbm>> -> memref<1x4800xi32, #tpu.memory_space<hbm>>
      %dma_start3A_40 = tpu.memref_squeeze %dma_start3A_39 : memref<1x4800xi32, #tpu.memory_space<hbm>> -> memref<4800xi32, #tpu.memory_space<hbm>>
      tpu.enqueue_dma source(%dma_start3A_40 : memref<4800xi32, #tpu.memory_space<hbm>>) target(%arg5 : memref<4800xi32, #tpu.memory_space<vmem>>) target_semaphore(%run_scoped3A : memref<!tpu.dma_semaphore, #tpu.memory_space<semaphore_mem>>)
      %dma_wait3A = arith.constant 0 : i32
      %dma_wait3A_41 = tpu.memref_slice %arg3[%add3A, %dma_wait3A] : memref<32x4800xi32, #tpu.memory_space<hbm>> -> memref<1x4800xi32, #tpu.memory_space<hbm>>
      %dma_wait3A_42 = tpu.memref_squeeze %dma_wait3A_41 : memref<1x4800xi32, #tpu.memory_space<hbm>> -> memref<4800xi32, #tpu.memory_space<hbm>>
      %dma_wait3A_43 = arith.constant 0 : i32
      %dma_wait3A_44 = tpu.memref_slice %arg3[%add3A, %dma_wait3A_43] : memref<32x4800xi32, #tpu.memory_space<hbm>> -> memref<1x4800xi32, #tpu.memory_space<hbm>>
      %dma_wait3A_45 = tpu.memref_squeeze %dma_wait3A_44 : memref<1x4800xi32, #tpu.memory_space<hbm>> -> memref<4800xi32, #tpu.memory_space<hbm>>
      tpu.wait_dma2 semaphore(%run_scoped3A : memref<!tpu.dma_semaphore, #tpu.memory_space<semaphore_mem>>) src(%dma_wait3A_45 : memref<4800xi32, #tpu.memory_space<hbm>>) dst(%arg5 : memref<4800xi32, #tpu.memory_space<vmem>>)
      tpu.yield
    }) : () -> ()
    %dma_start3A = arith.constant 0 : i32
    %dma_start3A_1 = tpu.memref_slice %arg6[%dma_start3A] : memref<4800xi32, #tpu.memory_space<vmem>> -> memref<80xi32, #tpu.memory_space<vmem>>
    %dma_start3A_2 = arith.constant 0 : i32
    %dma_start3A_3 = tpu.memref_slice %arg5[%dma_start3A_2] : memref<4800xi32, #tpu.memory_space<vmem>> -> memref<80xi32, #tpu.memory_space<vmem>>
    %dma_start3A_4 = arith.constant 0 : i32
    %dma_start3A_5 = tpu.memref_slice %arg2[%dma_start3A_4] : memref<10000xi32, #tpu.memory_space<hbm>> -> memref<10000xi32, #tpu.memory_space<hbm>>
    tpu.enqueue_indirect_dma source(%dma_start3A_5 : memref<10000xi32, #tpu.memory_space<hbm>>) target(%dma_start3A_1 : memref<80xi32, #tpu.memory_space<vmem>>) offsets(%dma_start3A_3 : memref<80xi32, #tpu.memory_space<vmem>>) semaphore(%arg7 : memref<!tpu.dma_semaphore, #tpu.memory_space<semaphore_mem>>)
    %dma_start3A_6 = arith.constant 80 : i32
    %dma_start3A_7 = tpu.memref_slice %arg6[%dma_start3A_6] : memref<4800xi32, #tpu.memory_space<vmem>> -> memref<80xi32, #tpu.memory_space<vmem>>
    %dma_start3A_8 = arith.constant 80 : i32
    %dma_start3A_9 = tpu.memref_slice %arg5[%dma_start3A_8] : memref<4800xi32, #tpu.memory_space<vmem>> -> memref<80xi32, #tpu.memory_space<vmem>>
    %dma_start3A_10 = arith.constant 0 : i32
    %dma_start3A_11 = tpu.memref_slice %arg2[%dma_start3A_10] : memref<10000xi32, #tpu.memory_space<hbm>> -> memref<10000xi32, #tpu.memory_space<hbm>>
    tpu.enqueue_indirect_dma source(%dma_start3A_11 : memref<10000xi32, #tpu.memory_space<hbm>>) target(%dma_start3A_7 : memref<80xi32, #tpu.memory_space<vmem>>) offsets(%dma_start3A_9 : memref<80xi32, #tpu.memory_space<vmem>>) semaphore(%arg7 : memref<!tpu.dma_semaphore, #tpu.memory_space<semaphore_mem>>)
    %dma_start3A_12 = arith.constant 160 : i32
    %dma_start3A_13 = tpu.memref_slice %arg6[%dma_start3A_12] : memref<4800xi32, #tpu.memory_space<vmem>> -> memref<80xi32, #tpu.memory_space<vmem>>
    %dma_start3A_14 = arith.constant 160 : i32
    %dma_start3A_15 = tpu.memref_slice %arg5[%dma_start3A_14] : memref<4800xi32, #tpu.memory_space<vmem>> -> memref<80xi32, #tpu.memory_space<vmem>>
    %dma_start3A_16 = arith.constant 0 : i32
    %dma_start3A_17 = tpu.memref_slice %arg2[%dma_start3A_16] : memref<10000xi32, #tpu.memory_space<hbm>> -> memref<10000xi32, #tpu.memory_space<hbm>>
    tpu.enqueue_indirect_dma source(%dma_start3A_17 : memref<10000xi32, #tpu.memory_space<hbm>>) target(%dma_start3A_13 : memref<80xi32, #tpu.memory_space<vmem>>) offsets(%dma_start3A_15 : memref<80xi32, #tpu.memory_space<vmem>>) semaphore(%arg7 : memref<!tpu.dma_semaphore, #tpu.memory_space<semaphore_mem>>)
    %dma_start3A_18 = arith.constant 240 : i32
    %dma_start3A_19 = tpu.memref_slice %arg6[%dma_start3A_18] : memref<4800xi32, #tpu.memory_space<vmem>> -> memref<80xi32, #tpu.memory_space<vmem>>
    %dma_start3A_20 = arith.constant 240 : i32
    %dma_start3A_21 = tpu.memref_slice %arg5[%dma_start3A_20] : memref<4800xi32, #tpu.memory_space<vmem>> -> memref<80xi32, #tpu.memory_space<vmem>>
    %dma_start3A_22 = arith.constant 0 : i32
    %dma_start3A_23 = tpu.memref_slice %arg2[%dma_start3A_22] : memref<10000xi32, #tpu.memory_space<hbm>> -> memref<10000xi32, #tpu.memory_space<hbm>>
    tpu.enqueue_indirect_dma source(%dma_start3A_23 : memref<10000xi32, #tpu.memory_space<hbm>>) target(%dma_start3A_19 : memref<80xi32, #tpu.memory_space<vmem>>) offsets(%dma_start3A_21 : memref<80xi32, #tpu.memory_space<vmem>>) semaphore(%arg7 : memref<!tpu.dma_semaphore, #tpu.memory_space<semaphore_mem>>)
    %dma_start3A_24 = arith.constant 320 : i32
    %dma_start3A_25 = tpu.memref_slice %arg6[%dma_start3A_24] : memref<4800xi32, #tpu.memory_space<vmem>> -> memref<80xi32, #tpu.memory_space<vmem>>
    %dma_start3A_26 = arith.constant 320 : i32
    %dma_start3A_27 = tpu.memref_slice %arg5[%dma_start3A_26] : memref<4800xi32, #tpu.memory_space<vmem>> -> memref<80xi32, #tpu.memory_space<vmem>>
    %dma_start3A_28 = arith.constant 0 : i32
    %dma_start3A_29 = tpu.memref_slice %arg2[%dma_start3A_28] : memref<10000xi32, #tpu.memory_space<hbm>> -> memref<10000xi32, #tpu.memory_space<hbm>>
    tpu.enqueue_indirect_dma source(%dma_start3A_29 : memref<10000xi32, #tpu.memory_space<hbm>>) target(%dma_start3A_25 : memref<80xi32, #tpu.memory_space<vmem>>) offsets(%dma_start3A_27 : memref<80xi32, #tpu.memory_space<vmem>>) semaphore(%arg7 : memref<!tpu.dma_semaphore, #tpu.memory_space<semaphore_mem>>)
    %scan3A = arith.constant 0 : i32
    %scan3A_30 = arith.constant 0 : i32
    %scan3A_31 = arith.constant 12 : i32
    %scan3A_32 = arith.addi %scan3A_30, %scan3A_31 : i32
    %scan3A_33 = arith.constant 1 : i32
    scf.for %scan3A_35 = %scan3A_30 to %scan3A_32 step %scan3A_33  : i32 {
      %add3A_36 = arith.constant 1 : i32
      %add3A_37 = arith.addi %scan3A_35, %add3A_36 : i32
      %lt3A = arith.constant 12 : i32
      %lt3A_38 = arith.cmpi slt, %add3A_37, %lt3A : i32
      %convert_element_type3A = arith.extui %lt3A_38 : i1 to i32
      %cond3A = arith.constant 0 : i32
      %cond3A_39 = arith.cmpi ne, %convert_element_type3A, %cond3A : i32
      scf.if %cond3A_39 {
        %add3A_69 = arith.constant 1 : i32
        %add3A_70 = arith.addi %scan3A_35, %add3A_69 : i32
        %mul3A_71 = arith.constant 5 : i32
        %mul3A_72 = arith.muli %add3A_70, %mul3A_71 : i32
        %add3A_73 = arith.constant 0 : i32
        %add3A_74 = arith.addi %mul3A_72, %add3A_73 : i32
        %mul3A_75 = arith.constant 80 : i32
        %mul3A_76 = arith.muli %add3A_74, %mul3A_75 : i32
        %dma_start3A_77 = tpu.memref_slice %arg6[%mul3A_76] : memref<4800xi32, #tpu.memory_space<vmem>> -> memref<80xi32, #tpu.memory_space<vmem>>
        %dma_start3A_78 = tpu.memref_slice %arg5[%mul3A_76] : memref<4800xi32, #tpu.memory_space<vmem>> -> memref<80xi32, #tpu.memory_space<vmem>>
        %dma_start3A_79 = arith.constant 0 : i32
        %dma_start3A_80 = tpu.memref_slice %arg2[%dma_start3A_79] : memref<10000xi32, #tpu.memory_space<hbm>> -> memref<10000xi32, #tpu.memory_space<hbm>>
        tpu.enqueue_indirect_dma source(%dma_start3A_80 : memref<10000xi32, #tpu.memory_space<hbm>>) target(%dma_start3A_77 : memref<80xi32, #tpu.memory_space<vmem>>) offsets(%dma_start3A_78 : memref<80xi32, #tpu.memory_space<vmem>>) semaphore(%arg7 : memref<!tpu.dma_semaphore, #tpu.memory_space<semaphore_mem>>)
        %mul3A_81 = arith.constant 5 : i32
        %mul3A_82 = arith.muli %add3A_70, %mul3A_81 : i32
        %add3A_83 = arith.constant 1 : i32
        %add3A_84 = arith.addi %mul3A_82, %add3A_83 : i32
        %mul3A_85 = arith.constant 80 : i32
        %mul3A_86 = arith.muli %add3A_84, %mul3A_85 : i32
        %dma_start3A_87 = tpu.memref_slice %arg6[%mul3A_86] : memref<4800xi32, #tpu.memory_space<vmem>> -> memref<80xi32, #tpu.memory_space<vmem>>
        %dma_start3A_88 = tpu.memref_slice %arg5[%mul3A_86] : memref<4800xi32, #tpu.memory_space<vmem>> -> memref<80xi32, #tpu.memory_space<vmem>>
        %dma_start3A_89 = arith.constant 0 : i32
        %dma_start3A_90 = tpu.memref_slice %arg2[%dma_start3A_89] : memref<10000xi32, #tpu.memory_space<hbm>> -> memref<10000xi32, #tpu.memory_space<hbm>>
        tpu.enqueue_indirect_dma source(%dma_start3A_90 : memref<10000xi32, #tpu.memory_space<hbm>>) target(%dma_start3A_87 : memref<80xi32, #tpu.memory_space<vmem>>) offsets(%dma_start3A_88 : memref<80xi32, #tpu.memory_space<vmem>>) semaphore(%arg7 : memref<!tpu.dma_semaphore, #tpu.memory_space<semaphore_mem>>)
        %mul3A_91 = arith.constant 5 : i32
        %mul3A_92 = arith.muli %add3A_70, %mul3A_91 : i32
        %add3A_93 = arith.constant 2 : i32
        %add3A_94 = arith.addi %mul3A_92, %add3A_93 : i32
        %mul3A_95 = arith.constant 80 : i32
        %mul3A_96 = arith.muli %add3A_94, %mul3A_95 : i32
        %dma_start3A_97 = tpu.memref_slice %arg6[%mul3A_96] : memref<4800xi32, #tpu.memory_space<vmem>> -> memref<80xi32, #tpu.memory_space<vmem>>
        %dma_start3A_98 = tpu.memref_slice %arg5[%mul3A_96] : memref<4800xi32, #tpu.memory_space<vmem>> -> memref<80xi32, #tpu.memory_space<vmem>>
        %dma_start3A_99 = arith.constant 0 : i32
        %dma_start3A_100 = tpu.memref_slice %arg2[%dma_start3A_99] : memref<10000xi32, #tpu.memory_space<hbm>> -> memref<10000xi32, #tpu.memory_space<hbm>>
        tpu.enqueue_indirect_dma source(%dma_start3A_100 : memref<10000xi32, #tpu.memory_space<hbm>>) target(%dma_start3A_97 : memref<80xi32, #tpu.memory_space<vmem>>) offsets(%dma_start3A_98 : memref<80xi32, #tpu.memory_space<vmem>>) semaphore(%arg7 : memref<!tpu.dma_semaphore, #tpu.memory_space<semaphore_mem>>)
        %mul3A_101 = arith.constant 5 : i32
        %mul3A_102 = arith.muli %add3A_70, %mul3A_101 : i32
        %add3A_103 = arith.constant 3 : i32
        %add3A_104 = arith.addi %mul3A_102, %add3A_103 : i32
        %mul3A_105 = arith.constant 80 : i32
        %mul3A_106 = arith.muli %add3A_104, %mul3A_105 : i32
        %dma_start3A_107 = tpu.memref_slice %arg6[%mul3A_106] : memref<4800xi32, #tpu.memory_space<vmem>> -> memref<80xi32, #tpu.memory_space<vmem>>
        %dma_start3A_108 = tpu.memref_slice %arg5[%mul3A_106] : memref<4800xi32, #tpu.memory_space<vmem>> -> memref<80xi32, #tpu.memory_space<vmem>>
        %dma_start3A_109 = arith.constant 0 : i32
        %dma_start3A_110 = tpu.memref_slice %arg2[%dma_start3A_109] : memref<10000xi32, #tpu.memory_space<hbm>> -> memref<10000xi32, #tpu.memory_space<hbm>>
        tpu.enqueue_indirect_dma source(%dma_start3A_110 : memref<10000xi32, #tpu.memory_space<hbm>>) target(%dma_start3A_107 : memref<80xi32, #tpu.memory_space<vmem>>) offsets(%dma_start3A_108 : memref<80xi32, #tpu.memory_space<vmem>>) semaphore(%arg7 : memref<!tpu.dma_semaphore, #tpu.memory_space<semaphore_mem>>)
        %mul3A_111 = arith.constant 5 : i32
        %mul3A_112 = arith.muli %add3A_70, %mul3A_111 : i32
        %add3A_113 = arith.constant 4 : i32
        %add3A_114 = arith.addi %mul3A_112, %add3A_113 : i32
        %mul3A_115 = arith.constant 80 : i32
        %mul3A_116 = arith.muli %add3A_114, %mul3A_115 : i32
        %dma_start3A_117 = tpu.memref_slice %arg6[%mul3A_116] : memref<4800xi32, #tpu.memory_space<vmem>> -> memref<80xi32, #tpu.memory_space<vmem>>
        %dma_start3A_118 = tpu.memref_slice %arg5[%mul3A_116] : memref<4800xi32, #tpu.memory_space<vmem>> -> memref<80xi32, #tpu.memory_space<vmem>>
        %dma_start3A_119 = arith.constant 0 : i32
        %dma_start3A_120 = tpu.memref_slice %arg2[%dma_start3A_119] : memref<10000xi32, #tpu.memory_space<hbm>> -> memref<10000xi32, #tpu.memory_space<hbm>>
        tpu.enqueue_indirect_dma source(%dma_start3A_120 : memref<10000xi32, #tpu.memory_space<hbm>>) target(%dma_start3A_117 : memref<80xi32, #tpu.memory_space<vmem>>) offsets(%dma_start3A_118 : memref<80xi32, #tpu.memory_space<vmem>>) semaphore(%arg7 : memref<!tpu.dma_semaphore, #tpu.memory_space<semaphore_mem>>)
      } else {
      }
      %dma_wait3A = arith.constant 0 : i32
      %dma_wait3A_40 = tpu.memref_slice %arg6[%dma_wait3A] : memref<4800xi32, #tpu.memory_space<vmem>> -> memref<80xi32, #tpu.memory_space<vmem>>
      %dma_wait3A_41 = arith.constant 0 : i32
      %dma_wait3A_42 = tpu.memref_slice %arg5[%dma_wait3A_41] : memref<4800xi32, #tpu.memory_space<vmem>> -> memref<80xi32, #tpu.memory_space<vmem>>
      %dma_wait3A_43 = arith.constant 0 : i32
      %dma_wait3A_44 = tpu.memref_slice %arg2[%dma_wait3A_43] : memref<10000xi32, #tpu.memory_space<hbm>> -> memref<10000xi32, #tpu.memory_space<hbm>>
      tpu.wait_indirect_dma semaphore(%arg7 : memref<!tpu.dma_semaphore, #tpu.memory_space<semaphore_mem>>) src(%dma_wait3A_44 : memref<10000xi32, #tpu.memory_space<hbm>>) dst(%dma_wait3A_40 : memref<80xi32, #tpu.memory_space<vmem>>)
      %dma_wait3A_45 = arith.constant 0 : i32
      %dma_wait3A_46 = tpu.memref_slice %arg6[%dma_wait3A_45] : memref<4800xi32, #tpu.memory_space<vmem>> -> memref<80xi32, #tpu.memory_space<vmem>>
      %dma_wait3A_47 = arith.constant 0 : i32
      %dma_wait3A_48 = tpu.memref_slice %arg5[%dma_wait3A_47] : memref<4800xi32, #tpu.memory_space<vmem>> -> memref<80xi32, #tpu.memory_space<vmem>>
      %dma_wait3A_49 = arith.constant 0 : i32
      %dma_wait3A_50 = tpu.memref_slice %arg2[%dma_wait3A_49] : memref<10000xi32, #tpu.memory_space<hbm>> -> memref<10000xi32, #tpu.memory_space<hbm>>
      tpu.wait_indirect_dma semaphore(%arg7 : memref<!tpu.dma_semaphore, #tpu.memory_space<semaphore_mem>>) src(%dma_wait3A_50 : memref<10000xi32, #tpu.memory_space<hbm>>) dst(%dma_wait3A_46 : memref<80xi32, #tpu.memory_space<vmem>>)
      %dma_wait3A_51 = arith.constant 0 : i32
      %dma_wait3A_52 = tpu.memref_slice %arg6[%dma_wait3A_51] : memref<4800xi32, #tpu.memory_space<vmem>> -> memref<80xi32, #tpu.memory_space<vmem>>
      %dma_wait3A_53 = arith.constant 0 : i32
      %dma_wait3A_54 = tpu.memref_slice %arg5[%dma_wait3A_53] : memref<4800xi32, #tpu.memory_space<vmem>> -> memref<80xi32, #tpu.memory_space<vmem>>
      %dma_wait3A_55 = arith.constant 0 : i32
      %dma_wait3A_56 = tpu.memref_slice %arg2[%dma_wait3A_55] : memref<10000xi32, #tpu.memory_space<hbm>> -> memref<10000xi32, #tpu.memory_space<hbm>>
      tpu.wait_indirect_dma semaphore(%arg7 : memref<!tpu.dma_semaphore, #tpu.memory_space<semaphore_mem>>) src(%dma_wait3A_56 : memref<10000xi32, #tpu.memory_space<hbm>>) dst(%dma_wait3A_52 : memref<80xi32, #tpu.memory_space<vmem>>)
      %dma_wait3A_57 = arith.constant 0 : i32
      %dma_wait3A_58 = tpu.memref_slice %arg6[%dma_wait3A_57] : memref<4800xi32, #tpu.memory_space<vmem>> -> memref<80xi32, #tpu.memory_space<vmem>>
      %dma_wait3A_59 = arith.constant 0 : i32
      %dma_wait3A_60 = tpu.memref_slice %arg5[%dma_wait3A_59] : memref<4800xi32, #tpu.memory_space<vmem>> -> memref<80xi32, #tpu.memory_space<vmem>>
      %dma_wait3A_61 = arith.constant 0 : i32
      %dma_wait3A_62 = tpu.memref_slice %arg2[%dma_wait3A_61] : memref<10000xi32, #tpu.memory_space<hbm>> -> memref<10000xi32, #tpu.memory_space<hbm>>
      tpu.wait_indirect_dma semaphore(%arg7 : memref<!tpu.dma_semaphore, #tpu.memory_space<semaphore_mem>>) src(%dma_wait3A_62 : memref<10000xi32, #tpu.memory_space<hbm>>) dst(%dma_wait3A_58 : memref<80xi32, #tpu.memory_space<vmem>>)
      %dma_wait3A_63 = arith.constant 0 : i32
      %dma_wait3A_64 = tpu.memref_slice %arg6[%dma_wait3A_63] : memref<4800xi32, #tpu.memory_space<vmem>> -> memref<80xi32, #tpu.memory_space<vmem>>
      %dma_wait3A_65 = arith.constant 0 : i32
      %dma_wait3A_66 = tpu.memref_slice %arg5[%dma_wait3A_65] : memref<4800xi32, #tpu.memory_space<vmem>> -> memref<80xi32, #tpu.memory_space<vmem>>
      %dma_wait3A_67 = arith.constant 0 : i32
      %dma_wait3A_68 = tpu.memref_slice %arg2[%dma_wait3A_67] : memref<10000xi32, #tpu.memory_space<hbm>> -> memref<10000xi32, #tpu.memory_space<hbm>>
      tpu.wait_indirect_dma semaphore(%arg7 : memref<!tpu.dma_semaphore, #tpu.memory_space<semaphore_mem>>) src(%dma_wait3A_68 : memref<10000xi32, #tpu.memory_space<hbm>>) dst(%dma_wait3A_64 : memref<80xi32, #tpu.memory_space<vmem>>)
    }
    %scan3A_34 = arith.constant 12 : i32
    "tpu.region"() ({
      %run_scoped3A = tpu.sem_alloc : memref<!tpu.dma_semaphore, #tpu.memory_space<semaphore_mem>>
      %dma_start3A_35 = arith.constant 0 : i32
      %dma_start3A_36 = tpu.memref_slice %arg4[%add3A, %dma_start3A_35] : memref<32x4800xi32, #tpu.memory_space<hbm>> -> memref<1x4800xi32, #tpu.memory_space<hbm>>
      %dma_start3A_37 = tpu.memref_squeeze %dma_start3A_36 : memref<1x4800xi32, #tpu.memory_space<hbm>> -> memref<4800xi32, #tpu.memory_space<hbm>>
      %dma_start3A_38 = arith.constant 0 : i32
      %dma_start3A_39 = tpu.memref_slice %arg4[%add3A, %dma_start3A_38] : memref<32x4800xi32, #tpu.memory_space<hbm>> -> memref<1x4800xi32, #tpu.memory_space<hbm>>
      %dma_start3A_40 = tpu.memref_squeeze %dma_start3A_39 : memref<1x4800xi32, #tpu.memory_space<hbm>> -> memref<4800xi32, #tpu.memory_space<hbm>>
      tpu.enqueue_dma source(%arg6 : memref<4800xi32, #tpu.memory_space<vmem>>) target(%dma_start3A_40 : memref<4800xi32, #tpu.memory_space<hbm>>) target_semaphore(%run_scoped3A : memref<!tpu.dma_semaphore, #tpu.memory_space<semaphore_mem>>)
      %dma_wait3A = arith.constant 0 : i32
      %dma_wait3A_41 = tpu.memref_slice %arg4[%add3A, %dma_wait3A] : memref<32x4800xi32, #tpu.memory_space<hbm>> -> memref<1x4800xi32, #tpu.memory_space<hbm>>
      %dma_wait3A_42 = tpu.memref_squeeze %dma_wait3A_41 : memref<1x4800xi32, #tpu.memory_space<hbm>> -> memref<4800xi32, #tpu.memory_space<hbm>>
      %dma_wait3A_43 = arith.constant 0 : i32
      %dma_wait3A_44 = tpu.memref_slice %arg4[%add3A, %dma_wait3A_43] : memref<32x4800xi32, #tpu.memory_space<hbm>> -> memref<1x4800xi32, #tpu.memory_space<hbm>>
      %dma_wait3A_45 = tpu.memref_squeeze %dma_wait3A_44 : memref<1x4800xi32, #tpu.memory_space<hbm>> -> memref<4800xi32, #tpu.memory_space<hbm>>
      tpu.wait_dma2 semaphore(%run_scoped3A : memref<!tpu.dma_semaphore, #tpu.memory_space<semaphore_mem>>) src(%arg6 : memref<4800xi32, #tpu.memory_space<vmem>>) dst(%dma_wait3A_45 : memref<4800xi32, #tpu.memory_space<hbm>>)
      tpu.yield
    }) : () -> ()
    return
  }
}

#map = affine_map<(d0, d1) -> (0)>
#map1 = affine_map<(d0, d1) -> (0, 0)>
module attributes {stable_mosaic.version = 14 : i64} {
  func.func @body(%arg0: i32, %arg1: i32, %arg2: memref<10000xi32, #tpu.memory_space<hbm>>, %arg3: memref<32x5200xi32, #tpu.memory_space<hbm>>, %arg4: memref<32x5200xi32, #tpu.memory_space<hbm>>, %arg5: memref<5200xi32, #tpu.memory_space<vmem>>, %arg6: memref<5200xi32, #tpu.memory_space<vmem>>, %arg7: memref<!tpu.dma_semaphore, #tpu.memory_space<semaphore_mem>>) attributes {dimension_semantics = [#tpu.dimension_semantics<core_parallel>, #tpu.dimension_semantics<subcore_parallel>], iteration_bounds = array<i64: 2, 16>, scalar_prefetch = 0 : i64, scratch_operands = 3 : i64, tpu.core_type = #tpu.core_type<sc_vector_subcore>, window_params = [{transform_indices = #map}, {transform_indices = #map1}, {transform_indices = #map1}]} {
    %mul3A = arith.constant 2 : i32
    %mul3A_0 = arith.muli %arg1, %mul3A : i32
    %add3A = arith.addi %mul3A_0, %arg0 : i32
    "tpu.region"() ({
      %run_scoped3A = tpu.sem_alloc : memref<!tpu.dma_semaphore, #tpu.memory_space<semaphore_mem>>
      %dma_start3A_35 = arith.constant 0 : i32
      %dma_start3A_36 = tpu.memref_slice %arg3[%add3A, %dma_start3A_35] : memref<32x5200xi32, #tpu.memory_space<hbm>> -> memref<1x5200xi32, #tpu.memory_space<hbm>>
      %dma_start3A_37 = tpu.memref_squeeze %dma_start3A_36 : memref<1x5200xi32, #tpu.memory_space<hbm>> -> memref<5200xi32, #tpu.memory_space<hbm>>
      %dma_start3A_38 = arith.constant 0 : i32
      %dma_start3A_39 = tpu.memref_slice %arg3[%add3A, %dma_start3A_38] : memref<32x5200xi32, #tpu.memory_space<hbm>> -> memref<1x5200xi32, #tpu.memory_space<hbm>>
      %dma_start3A_40 = tpu.memref_squeeze %dma_start3A_39 : memref<1x5200xi32, #tpu.memory_space<hbm>> -> memref<5200xi32, #tpu.memory_space<hbm>>
      tpu.enqueue_dma source(%dma_start3A_40 : memref<5200xi32, #tpu.memory_space<hbm>>) target(%arg5 : memref<5200xi32, #tpu.memory_space<vmem>>) target_semaphore(%run_scoped3A : memref<!tpu.dma_semaphore, #tpu.memory_space<semaphore_mem>>)
      %dma_wait3A = arith.constant 0 : i32
      %dma_wait3A_41 = tpu.memref_slice %arg3[%add3A, %dma_wait3A] : memref<32x5200xi32, #tpu.memory_space<hbm>> -> memref<1x5200xi32, #tpu.memory_space<hbm>>
      %dma_wait3A_42 = tpu.memref_squeeze %dma_wait3A_41 : memref<1x5200xi32, #tpu.memory_space<hbm>> -> memref<5200xi32, #tpu.memory_space<hbm>>
      %dma_wait3A_43 = arith.constant 0 : i32
      %dma_wait3A_44 = tpu.memref_slice %arg3[%add3A, %dma_wait3A_43] : memref<32x5200xi32, #tpu.memory_space<hbm>> -> memref<1x5200xi32, #tpu.memory_space<hbm>>
      %dma_wait3A_45 = tpu.memref_squeeze %dma_wait3A_44 : memref<1x5200xi32, #tpu.memory_space<hbm>> -> memref<5200xi32, #tpu.memory_space<hbm>>
      tpu.wait_dma2 semaphore(%run_scoped3A : memref<!tpu.dma_semaphore, #tpu.memory_space<semaphore_mem>>) src(%dma_wait3A_45 : memref<5200xi32, #tpu.memory_space<hbm>>) dst(%arg5 : memref<5200xi32, #tpu.memory_space<vmem>>)
      tpu.yield
    }) : () -> ()
    %dma_start3A = arith.constant 0 : i32
    %dma_start3A_1 = tpu.memref_slice %arg6[%dma_start3A] : memref<5200xi32, #tpu.memory_space<vmem>> -> memref<80xi32, #tpu.memory_space<vmem>>
    %dma_start3A_2 = arith.constant 0 : i32
    %dma_start3A_3 = tpu.memref_slice %arg5[%dma_start3A_2] : memref<5200xi32, #tpu.memory_space<vmem>> -> memref<80xi32, #tpu.memory_space<vmem>>
    %dma_start3A_4 = arith.constant 0 : i32
    %dma_start3A_5 = tpu.memref_slice %arg2[%dma_start3A_4] : memref<10000xi32, #tpu.memory_space<hbm>> -> memref<10000xi32, #tpu.memory_space<hbm>>
    tpu.enqueue_indirect_dma source(%dma_start3A_5 : memref<10000xi32, #tpu.memory_space<hbm>>) target(%dma_start3A_1 : memref<80xi32, #tpu.memory_space<vmem>>) offsets(%dma_start3A_3 : memref<80xi32, #tpu.memory_space<vmem>>) semaphore(%arg7 : memref<!tpu.dma_semaphore, #tpu.memory_space<semaphore_mem>>)
    %dma_start3A_6 = arith.constant 80 : i32
    %dma_start3A_7 = tpu.memref_slice %arg6[%dma_start3A_6] : memref<5200xi32, #tpu.memory_space<vmem>> -> memref<80xi32, #tpu.memory_space<vmem>>
    %dma_start3A_8 = arith.constant 80 : i32
    %dma_start3A_9 = tpu.memref_slice %arg5[%dma_start3A_8] : memref<5200xi32, #tpu.memory_space<vmem>> -> memref<80xi32, #tpu.memory_space<vmem>>
    %dma_start3A_10 = arith.constant 0 : i32
    %dma_start3A_11 = tpu.memref_slice %arg2[%dma_start3A_10] : memref<10000xi32, #tpu.memory_space<hbm>> -> memref<10000xi32, #tpu.memory_space<hbm>>
    tpu.enqueue_indirect_dma source(%dma_start3A_11 : memref<10000xi32, #tpu.memory_space<hbm>>) target(%dma_start3A_7 : memref<80xi32, #tpu.memory_space<vmem>>) offsets(%dma_start3A_9 : memref<80xi32, #tpu.memory_space<vmem>>) semaphore(%arg7 : memref<!tpu.dma_semaphore, #tpu.memory_space<semaphore_mem>>)
    %dma_start3A_12 = arith.constant 160 : i32
    %dma_start3A_13 = tpu.memref_slice %arg6[%dma_start3A_12] : memref<5200xi32, #tpu.memory_space<vmem>> -> memref<80xi32, #tpu.memory_space<vmem>>
    %dma_start3A_14 = arith.constant 160 : i32
    %dma_start3A_15 = tpu.memref_slice %arg5[%dma_start3A_14] : memref<5200xi32, #tpu.memory_space<vmem>> -> memref<80xi32, #tpu.memory_space<vmem>>
    %dma_start3A_16 = arith.constant 0 : i32
    %dma_start3A_17 = tpu.memref_slice %arg2[%dma_start3A_16] : memref<10000xi32, #tpu.memory_space<hbm>> -> memref<10000xi32, #tpu.memory_space<hbm>>
    tpu.enqueue_indirect_dma source(%dma_start3A_17 : memref<10000xi32, #tpu.memory_space<hbm>>) target(%dma_start3A_13 : memref<80xi32, #tpu.memory_space<vmem>>) offsets(%dma_start3A_15 : memref<80xi32, #tpu.memory_space<vmem>>) semaphore(%arg7 : memref<!tpu.dma_semaphore, #tpu.memory_space<semaphore_mem>>)
    %dma_start3A_18 = arith.constant 240 : i32
    %dma_start3A_19 = tpu.memref_slice %arg6[%dma_start3A_18] : memref<5200xi32, #tpu.memory_space<vmem>> -> memref<80xi32, #tpu.memory_space<vmem>>
    %dma_start3A_20 = arith.constant 240 : i32
    %dma_start3A_21 = tpu.memref_slice %arg5[%dma_start3A_20] : memref<5200xi32, #tpu.memory_space<vmem>> -> memref<80xi32, #tpu.memory_space<vmem>>
    %dma_start3A_22 = arith.constant 0 : i32
    %dma_start3A_23 = tpu.memref_slice %arg2[%dma_start3A_22] : memref<10000xi32, #tpu.memory_space<hbm>> -> memref<10000xi32, #tpu.memory_space<hbm>>
    tpu.enqueue_indirect_dma source(%dma_start3A_23 : memref<10000xi32, #tpu.memory_space<hbm>>) target(%dma_start3A_19 : memref<80xi32, #tpu.memory_space<vmem>>) offsets(%dma_start3A_21 : memref<80xi32, #tpu.memory_space<vmem>>) semaphore(%arg7 : memref<!tpu.dma_semaphore, #tpu.memory_space<semaphore_mem>>)
    %dma_start3A_24 = arith.constant 320 : i32
    %dma_start3A_25 = tpu.memref_slice %arg6[%dma_start3A_24] : memref<5200xi32, #tpu.memory_space<vmem>> -> memref<80xi32, #tpu.memory_space<vmem>>
    %dma_start3A_26 = arith.constant 320 : i32
    %dma_start3A_27 = tpu.memref_slice %arg5[%dma_start3A_26] : memref<5200xi32, #tpu.memory_space<vmem>> -> memref<80xi32, #tpu.memory_space<vmem>>
    %dma_start3A_28 = arith.constant 0 : i32
    %dma_start3A_29 = tpu.memref_slice %arg2[%dma_start3A_28] : memref<10000xi32, #tpu.memory_space<hbm>> -> memref<10000xi32, #tpu.memory_space<hbm>>
    tpu.enqueue_indirect_dma source(%dma_start3A_29 : memref<10000xi32, #tpu.memory_space<hbm>>) target(%dma_start3A_25 : memref<80xi32, #tpu.memory_space<vmem>>) offsets(%dma_start3A_27 : memref<80xi32, #tpu.memory_space<vmem>>) semaphore(%arg7 : memref<!tpu.dma_semaphore, #tpu.memory_space<semaphore_mem>>)
    %scan3A = arith.constant 0 : i32
    %scan3A_30 = arith.constant 0 : i32
    %scan3A_31 = arith.constant 13 : i32
    %scan3A_32 = arith.addi %scan3A_30, %scan3A_31 : i32
    %scan3A_33 = arith.constant 1 : i32
    scf.for %scan3A_35 = %scan3A_30 to %scan3A_32 step %scan3A_33  : i32 {
      %add3A_36 = arith.constant 1 : i32
      %add3A_37 = arith.addi %scan3A_35, %add3A_36 : i32
      %lt3A = arith.constant 13 : i32
      %lt3A_38 = arith.cmpi slt, %add3A_37, %lt3A : i32
      %convert_element_type3A = arith.extui %lt3A_38 : i1 to i32
      %cond3A = arith.constant 0 : i32
      %cond3A_39 = arith.cmpi ne, %convert_element_type3A, %cond3A : i32
      scf.if %cond3A_39 {
        %add3A_69 = arith.constant 1 : i32
        %add3A_70 = arith.addi %scan3A_35, %add3A_69 : i32
        %mul3A_71 = arith.constant 5 : i32
        %mul3A_72 = arith.muli %add3A_70, %mul3A_71 : i32
        %add3A_73 = arith.constant 0 : i32
        %add3A_74 = arith.addi %mul3A_72, %add3A_73 : i32
        %mul3A_75 = arith.constant 80 : i32
        %mul3A_76 = arith.muli %add3A_74, %mul3A_75 : i32
        %dma_start3A_77 = tpu.memref_slice %arg6[%mul3A_76] : memref<5200xi32, #tpu.memory_space<vmem>> -> memref<80xi32, #tpu.memory_space<vmem>>
        %dma_start3A_78 = tpu.memref_slice %arg5[%mul3A_76] : memref<5200xi32, #tpu.memory_space<vmem>> -> memref<80xi32, #tpu.memory_space<vmem>>
        %dma_start3A_79 = arith.constant 0 : i32
        %dma_start3A_80 = tpu.memref_slice %arg2[%dma_start3A_79] : memref<10000xi32, #tpu.memory_space<hbm>> -> memref<10000xi32, #tpu.memory_space<hbm>>
        tpu.enqueue_indirect_dma source(%dma_start3A_80 : memref<10000xi32, #tpu.memory_space<hbm>>) target(%dma_start3A_77 : memref<80xi32, #tpu.memory_space<vmem>>) offsets(%dma_start3A_78 : memref<80xi32, #tpu.memory_space<vmem>>) semaphore(%arg7 : memref<!tpu.dma_semaphore, #tpu.memory_space<semaphore_mem>>)
        %mul3A_81 = arith.constant 5 : i32
        %mul3A_82 = arith.muli %add3A_70, %mul3A_81 : i32
        %add3A_83 = arith.constant 1 : i32
        %add3A_84 = arith.addi %mul3A_82, %add3A_83 : i32
        %mul3A_85 = arith.constant 80 : i32
        %mul3A_86 = arith.muli %add3A_84, %mul3A_85 : i32
        %dma_start3A_87 = tpu.memref_slice %arg6[%mul3A_86] : memref<5200xi32, #tpu.memory_space<vmem>> -> memref<80xi32, #tpu.memory_space<vmem>>
        %dma_start3A_88 = tpu.memref_slice %arg5[%mul3A_86] : memref<5200xi32, #tpu.memory_space<vmem>> -> memref<80xi32, #tpu.memory_space<vmem>>
        %dma_start3A_89 = arith.constant 0 : i32
        %dma_start3A_90 = tpu.memref_slice %arg2[%dma_start3A_89] : memref<10000xi32, #tpu.memory_space<hbm>> -> memref<10000xi32, #tpu.memory_space<hbm>>
        tpu.enqueue_indirect_dma source(%dma_start3A_90 : memref<10000xi32, #tpu.memory_space<hbm>>) target(%dma_start3A_87 : memref<80xi32, #tpu.memory_space<vmem>>) offsets(%dma_start3A_88 : memref<80xi32, #tpu.memory_space<vmem>>) semaphore(%arg7 : memref<!tpu.dma_semaphore, #tpu.memory_space<semaphore_mem>>)
        %mul3A_91 = arith.constant 5 : i32
        %mul3A_92 = arith.muli %add3A_70, %mul3A_91 : i32
        %add3A_93 = arith.constant 2 : i32
        %add3A_94 = arith.addi %mul3A_92, %add3A_93 : i32
        %mul3A_95 = arith.constant 80 : i32
        %mul3A_96 = arith.muli %add3A_94, %mul3A_95 : i32
        %dma_start3A_97 = tpu.memref_slice %arg6[%mul3A_96] : memref<5200xi32, #tpu.memory_space<vmem>> -> memref<80xi32, #tpu.memory_space<vmem>>
        %dma_start3A_98 = tpu.memref_slice %arg5[%mul3A_96] : memref<5200xi32, #tpu.memory_space<vmem>> -> memref<80xi32, #tpu.memory_space<vmem>>
        %dma_start3A_99 = arith.constant 0 : i32
        %dma_start3A_100 = tpu.memref_slice %arg2[%dma_start3A_99] : memref<10000xi32, #tpu.memory_space<hbm>> -> memref<10000xi32, #tpu.memory_space<hbm>>
        tpu.enqueue_indirect_dma source(%dma_start3A_100 : memref<10000xi32, #tpu.memory_space<hbm>>) target(%dma_start3A_97 : memref<80xi32, #tpu.memory_space<vmem>>) offsets(%dma_start3A_98 : memref<80xi32, #tpu.memory_space<vmem>>) semaphore(%arg7 : memref<!tpu.dma_semaphore, #tpu.memory_space<semaphore_mem>>)
        %mul3A_101 = arith.constant 5 : i32
        %mul3A_102 = arith.muli %add3A_70, %mul3A_101 : i32
        %add3A_103 = arith.constant 3 : i32
        %add3A_104 = arith.addi %mul3A_102, %add3A_103 : i32
        %mul3A_105 = arith.constant 80 : i32
        %mul3A_106 = arith.muli %add3A_104, %mul3A_105 : i32
        %dma_start3A_107 = tpu.memref_slice %arg6[%mul3A_106] : memref<5200xi32, #tpu.memory_space<vmem>> -> memref<80xi32, #tpu.memory_space<vmem>>
        %dma_start3A_108 = tpu.memref_slice %arg5[%mul3A_106] : memref<5200xi32, #tpu.memory_space<vmem>> -> memref<80xi32, #tpu.memory_space<vmem>>
        %dma_start3A_109 = arith.constant 0 : i32
        %dma_start3A_110 = tpu.memref_slice %arg2[%dma_start3A_109] : memref<10000xi32, #tpu.memory_space<hbm>> -> memref<10000xi32, #tpu.memory_space<hbm>>
        tpu.enqueue_indirect_dma source(%dma_start3A_110 : memref<10000xi32, #tpu.memory_space<hbm>>) target(%dma_start3A_107 : memref<80xi32, #tpu.memory_space<vmem>>) offsets(%dma_start3A_108 : memref<80xi32, #tpu.memory_space<vmem>>) semaphore(%arg7 : memref<!tpu.dma_semaphore, #tpu.memory_space<semaphore_mem>>)
        %mul3A_111 = arith.constant 5 : i32
        %mul3A_112 = arith.muli %add3A_70, %mul3A_111 : i32
        %add3A_113 = arith.constant 4 : i32
        %add3A_114 = arith.addi %mul3A_112, %add3A_113 : i32
        %mul3A_115 = arith.constant 80 : i32
        %mul3A_116 = arith.muli %add3A_114, %mul3A_115 : i32
        %dma_start3A_117 = tpu.memref_slice %arg6[%mul3A_116] : memref<5200xi32, #tpu.memory_space<vmem>> -> memref<80xi32, #tpu.memory_space<vmem>>
        %dma_start3A_118 = tpu.memref_slice %arg5[%mul3A_116] : memref<5200xi32, #tpu.memory_space<vmem>> -> memref<80xi32, #tpu.memory_space<vmem>>
        %dma_start3A_119 = arith.constant 0 : i32
        %dma_start3A_120 = tpu.memref_slice %arg2[%dma_start3A_119] : memref<10000xi32, #tpu.memory_space<hbm>> -> memref<10000xi32, #tpu.memory_space<hbm>>
        tpu.enqueue_indirect_dma source(%dma_start3A_120 : memref<10000xi32, #tpu.memory_space<hbm>>) target(%dma_start3A_117 : memref<80xi32, #tpu.memory_space<vmem>>) offsets(%dma_start3A_118 : memref<80xi32, #tpu.memory_space<vmem>>) semaphore(%arg7 : memref<!tpu.dma_semaphore, #tpu.memory_space<semaphore_mem>>)
      } else {
      }
      %dma_wait3A = arith.constant 0 : i32
      %dma_wait3A_40 = tpu.memref_slice %arg6[%dma_wait3A] : memref<5200xi32, #tpu.memory_space<vmem>> -> memref<80xi32, #tpu.memory_space<vmem>>
      %dma_wait3A_41 = arith.constant 0 : i32
      %dma_wait3A_42 = tpu.memref_slice %arg5[%dma_wait3A_41] : memref<5200xi32, #tpu.memory_space<vmem>> -> memref<80xi32, #tpu.memory_space<vmem>>
      %dma_wait3A_43 = arith.constant 0 : i32
      %dma_wait3A_44 = tpu.memref_slice %arg2[%dma_wait3A_43] : memref<10000xi32, #tpu.memory_space<hbm>> -> memref<10000xi32, #tpu.memory_space<hbm>>
      tpu.wait_indirect_dma semaphore(%arg7 : memref<!tpu.dma_semaphore, #tpu.memory_space<semaphore_mem>>) src(%dma_wait3A_44 : memref<10000xi32, #tpu.memory_space<hbm>>) dst(%dma_wait3A_40 : memref<80xi32, #tpu.memory_space<vmem>>)
      %dma_wait3A_45 = arith.constant 0 : i32
      %dma_wait3A_46 = tpu.memref_slice %arg6[%dma_wait3A_45] : memref<5200xi32, #tpu.memory_space<vmem>> -> memref<80xi32, #tpu.memory_space<vmem>>
      %dma_wait3A_47 = arith.constant 0 : i32
      %dma_wait3A_48 = tpu.memref_slice %arg5[%dma_wait3A_47] : memref<5200xi32, #tpu.memory_space<vmem>> -> memref<80xi32, #tpu.memory_space<vmem>>
      %dma_wait3A_49 = arith.constant 0 : i32
      %dma_wait3A_50 = tpu.memref_slice %arg2[%dma_wait3A_49] : memref<10000xi32, #tpu.memory_space<hbm>> -> memref<10000xi32, #tpu.memory_space<hbm>>
      tpu.wait_indirect_dma semaphore(%arg7 : memref<!tpu.dma_semaphore, #tpu.memory_space<semaphore_mem>>) src(%dma_wait3A_50 : memref<10000xi32, #tpu.memory_space<hbm>>) dst(%dma_wait3A_46 : memref<80xi32, #tpu.memory_space<vmem>>)
      %dma_wait3A_51 = arith.constant 0 : i32
      %dma_wait3A_52 = tpu.memref_slice %arg6[%dma_wait3A_51] : memref<5200xi32, #tpu.memory_space<vmem>> -> memref<80xi32, #tpu.memory_space<vmem>>
      %dma_wait3A_53 = arith.constant 0 : i32
      %dma_wait3A_54 = tpu.memref_slice %arg5[%dma_wait3A_53] : memref<5200xi32, #tpu.memory_space<vmem>> -> memref<80xi32, #tpu.memory_space<vmem>>
      %dma_wait3A_55 = arith.constant 0 : i32
      %dma_wait3A_56 = tpu.memref_slice %arg2[%dma_wait3A_55] : memref<10000xi32, #tpu.memory_space<hbm>> -> memref<10000xi32, #tpu.memory_space<hbm>>
      tpu.wait_indirect_dma semaphore(%arg7 : memref<!tpu.dma_semaphore, #tpu.memory_space<semaphore_mem>>) src(%dma_wait3A_56 : memref<10000xi32, #tpu.memory_space<hbm>>) dst(%dma_wait3A_52 : memref<80xi32, #tpu.memory_space<vmem>>)
      %dma_wait3A_57 = arith.constant 0 : i32
      %dma_wait3A_58 = tpu.memref_slice %arg6[%dma_wait3A_57] : memref<5200xi32, #tpu.memory_space<vmem>> -> memref<80xi32, #tpu.memory_space<vmem>>
      %dma_wait3A_59 = arith.constant 0 : i32
      %dma_wait3A_60 = tpu.memref_slice %arg5[%dma_wait3A_59] : memref<5200xi32, #tpu.memory_space<vmem>> -> memref<80xi32, #tpu.memory_space<vmem>>
      %dma_wait3A_61 = arith.constant 0 : i32
      %dma_wait3A_62 = tpu.memref_slice %arg2[%dma_wait3A_61] : memref<10000xi32, #tpu.memory_space<hbm>> -> memref<10000xi32, #tpu.memory_space<hbm>>
      tpu.wait_indirect_dma semaphore(%arg7 : memref<!tpu.dma_semaphore, #tpu.memory_space<semaphore_mem>>) src(%dma_wait3A_62 : memref<10000xi32, #tpu.memory_space<hbm>>) dst(%dma_wait3A_58 : memref<80xi32, #tpu.memory_space<vmem>>)
      %dma_wait3A_63 = arith.constant 0 : i32
      %dma_wait3A_64 = tpu.memref_slice %arg6[%dma_wait3A_63] : memref<5200xi32, #tpu.memory_space<vmem>> -> memref<80xi32, #tpu.memory_space<vmem>>
      %dma_wait3A_65 = arith.constant 0 : i32
      %dma_wait3A_66 = tpu.memref_slice %arg5[%dma_wait3A_65] : memref<5200xi32, #tpu.memory_space<vmem>> -> memref<80xi32, #tpu.memory_space<vmem>>
      %dma_wait3A_67 = arith.constant 0 : i32
      %dma_wait3A_68 = tpu.memref_slice %arg2[%dma_wait3A_67] : memref<10000xi32, #tpu.memory_space<hbm>> -> memref<10000xi32, #tpu.memory_space<hbm>>
      tpu.wait_indirect_dma semaphore(%arg7 : memref<!tpu.dma_semaphore, #tpu.memory_space<semaphore_mem>>) src(%dma_wait3A_68 : memref<10000xi32, #tpu.memory_space<hbm>>) dst(%dma_wait3A_64 : memref<80xi32, #tpu.memory_space<vmem>>)
    }
    %scan3A_34 = arith.constant 13 : i32
    "tpu.region"() ({
      %run_scoped3A = tpu.sem_alloc : memref<!tpu.dma_semaphore, #tpu.memory_space<semaphore_mem>>
      %dma_start3A_35 = arith.constant 0 : i32
      %dma_start3A_36 = tpu.memref_slice %arg4[%add3A, %dma_start3A_35] : memref<32x5200xi32, #tpu.memory_space<hbm>> -> memref<1x5200xi32, #tpu.memory_space<hbm>>
      %dma_start3A_37 = tpu.memref_squeeze %dma_start3A_36 : memref<1x5200xi32, #tpu.memory_space<hbm>> -> memref<5200xi32, #tpu.memory_space<hbm>>
      %dma_start3A_38 = arith.constant 0 : i32
      %dma_start3A_39 = tpu.memref_slice %arg4[%add3A, %dma_start3A_38] : memref<32x5200xi32, #tpu.memory_space<hbm>> -> memref<1x5200xi32, #tpu.memory_space<hbm>>
      %dma_start3A_40 = tpu.memref_squeeze %dma_start3A_39 : memref<1x5200xi32, #tpu.memory_space<hbm>> -> memref<5200xi32, #tpu.memory_space<hbm>>
      tpu.enqueue_dma source(%arg6 : memref<5200xi32, #tpu.memory_space<vmem>>) target(%dma_start3A_40 : memref<5200xi32, #tpu.memory_space<hbm>>) target_semaphore(%run_scoped3A : memref<!tpu.dma_semaphore, #tpu.memory_space<semaphore_mem>>)
      %dma_wait3A = arith.constant 0 : i32
      %dma_wait3A_41 = tpu.memref_slice %arg4[%add3A, %dma_wait3A] : memref<32x5200xi32, #tpu.memory_space<hbm>> -> memref<1x5200xi32, #tpu.memory_space<hbm>>
      %dma_wait3A_42 = tpu.memref_squeeze %dma_wait3A_41 : memref<1x5200xi32, #tpu.memory_space<hbm>> -> memref<5200xi32, #tpu.memory_space<hbm>>
      %dma_wait3A_43 = arith.constant 0 : i32
      %dma_wait3A_44 = tpu.memref_slice %arg4[%add3A, %dma_wait3A_43] : memref<32x5200xi32, #tpu.memory_space<hbm>> -> memref<1x5200xi32, #tpu.memory_space<hbm>>
      %dma_wait3A_45 = tpu.memref_squeeze %dma_wait3A_44 : memref<1x5200xi32, #tpu.memory_space<hbm>> -> memref<5200xi32, #tpu.memory_space<hbm>>
      tpu.wait_dma2 semaphore(%run_scoped3A : memref<!tpu.dma_semaphore, #tpu.memory_space<semaphore_mem>>) src(%arg6 : memref<5200xi32, #tpu.memory_space<vmem>>) dst(%dma_wait3A_45 : memref<5200xi32, #tpu.memory_space<hbm>>)
      tpu.yield
    }) : () -> ()
    return
  }
}

#map = affine_map<(d0, d1) -> (0, 0)>
#map1 = affine_map<(d0, d1) -> (0, 0, 0)>
module attributes {stable_mosaic.version = 14 : i64} {
  func.func @body(%arg0: i32, %arg1: i32, %arg2: memref<166400x128xf32, #tpu.memory_space<hbm>>, %arg3: memref<32x65x80xi32, #tpu.memory_space<hbm>>, %arg4: memref<10000x128xf32, #tpu.memory_space<hbm>>, %arg5: memref<2x10000x128xf32, #tpu.memory_space<hbm>>, %arg6: memref<65x80xi32, #tpu.memory_space<vmem>>, %arg7: memref<80x128xf32, #tpu.memory_space<vmem>>, %arg8: memref<80x128xf32, #tpu.memory_space<vmem>>, %arg9: memref<10000x128xf32, #tpu.memory_space<vmem_shared>>, %arg10: memref<!tpu.dma_semaphore, #tpu.memory_space<semaphore_mem>>, %arg11: memref<!tpu.dma_semaphore, #tpu.memory_space<semaphore_mem>>) attributes {dimension_semantics = [#tpu.dimension_semantics<core_parallel>, #tpu.dimension_semantics<subcore_parallel>], iteration_bounds = array<i64: 2, 16>, scalar_prefetch = 0 : i64, scratch_operands = 6 : i64, tpu.core_type = #tpu.core_type<sc_vector_subcore>, window_params = [{transform_indices = #map}, {transform_indices = #map1}, {transform_indices = #map}, {transform_indices = #map1}]} {
    %mul3A = arith.constant 2 : i32
    %mul3A_0 = arith.muli %arg1, %mul3A : i32
    %add3A = arith.addi %mul3A_0, %arg0 : i32
    %mul3A_1 = arith.constant 5200 : i32
    %mul3A_2 = arith.muli %add3A, %mul3A_1 : i32
    %mul3A_3 = arith.constant 624 : i32
    %mul3A_4 = arith.muli %arg1, %mul3A_3 : i32
    %lt3A = arith.constant 15 : i32
    %lt3A_5 = arith.cmpi slt, %arg1, %lt3A : i32
    %convert_element_type3A = arith.extui %lt3A_5 : i1 to i32
    %cond3A = arith.constant 0 : i32
    %cond3A_6 = arith.cmpi ne, %convert_element_type3A, %cond3A : i32
    scf.if %cond3A_6 {
      "tpu.region"() ({
        %run_scoped3A = tpu.sem_alloc : memref<!tpu.dma_semaphore, #tpu.memory_space<semaphore_mem>>
        %dma_start3A_30 = arith.constant 0 : i32
        %dma_start3A_31 = tpu.memref_slice %arg9[%mul3A_4, %dma_start3A_30] : memref<10000x128xf32, #tpu.memory_space<vmem_shared>> -> memref<624x128xf32, #tpu.memory_space<vmem_shared>>
        %dma_start3A_32 = arith.constant 0 : i32
        %dma_start3A_33 = tpu.memref_slice %arg4[%mul3A_4, %dma_start3A_32] : memref<10000x128xf32, #tpu.memory_space<hbm>> -> memref<624x128xf32, #tpu.memory_space<hbm>>
        tpu.enqueue_dma source(%dma_start3A_33 : memref<624x128xf32, #tpu.memory_space<hbm>>) target(%dma_start3A_31 : memref<624x128xf32, #tpu.memory_space<vmem_shared>>) target_semaphore(%run_scoped3A : memref<!tpu.dma_semaphore, #tpu.memory_space<semaphore_mem>>)
        %dma_wait3A = arith.constant 0 : i32
        %dma_wait3A_34 = tpu.memref_slice %arg9[%mul3A_4, %dma_wait3A] : memref<10000x128xf32, #tpu.memory_space<vmem_shared>> -> memref<624x128xf32, #tpu.memory_space<vmem_shared>>
        %dma_wait3A_35 = arith.constant 0 : i32
        %dma_wait3A_36 = tpu.memref_slice %arg4[%mul3A_4, %dma_wait3A_35] : memref<10000x128xf32, #tpu.memory_space<hbm>> -> memref<624x128xf32, #tpu.memory_space<hbm>>
        tpu.wait_dma2 semaphore(%run_scoped3A : memref<!tpu.dma_semaphore, #tpu.memory_space<semaphore_mem>>) src(%dma_wait3A_36 : memref<624x128xf32, #tpu.memory_space<hbm>>) dst(%dma_wait3A_34 : memref<624x128xf32, #tpu.memory_space<vmem_shared>>)
        tpu.yield
      }) : () -> ()
    } else {
    }
    %eq3A = arith.constant 15 : i32
    %eq3A_7 = arith.cmpi eq, %arg1, %eq3A : i32
    %convert_element_type3A_8 = arith.extui %eq3A_7 : i1 to i32
    %cond3A_9 = arith.constant 0 : i32
    %cond3A_10 = arith.cmpi ne, %convert_element_type3A_8, %cond3A_9 : i32
    scf.if %cond3A_10 {
      "tpu.region"() ({
        %run_scoped3A = tpu.sem_alloc : memref<!tpu.dma_semaphore, #tpu.memory_space<semaphore_mem>>
        %dma_start3A_30 = arith.constant 0 : i32
        %dma_start3A_31 = tpu.memref_slice %arg9[%mul3A_4, %dma_start3A_30] : memref<10000x128xf32, #tpu.memory_space<vmem_shared>> -> memref<640x128xf32, #tpu.memory_space<vmem_shared>>
        %dma_start3A_32 = arith.constant 0 : i32
        %dma_start3A_33 = tpu.memref_slice %arg4[%mul3A_4, %dma_start3A_32] : memref<10000x128xf32, #tpu.memory_space<hbm>> -> memref<640x128xf32, #tpu.memory_space<hbm>>
        tpu.enqueue_dma source(%dma_start3A_33 : memref<640x128xf32, #tpu.memory_space<hbm>>) target(%dma_start3A_31 : memref<640x128xf32, #tpu.memory_space<vmem_shared>>) target_semaphore(%run_scoped3A : memref<!tpu.dma_semaphore, #tpu.memory_space<semaphore_mem>>)
        %dma_wait3A = arith.constant 0 : i32
        %dma_wait3A_34 = tpu.memref_slice %arg9[%mul3A_4, %dma_wait3A] : memref<10000x128xf32, #tpu.memory_space<vmem_shared>> -> memref<640x128xf32, #tpu.memory_space<vmem_shared>>
        %dma_wait3A_35 = arith.constant 0 : i32
        %dma_wait3A_36 = tpu.memref_slice %arg4[%mul3A_4, %dma_wait3A_35] : memref<10000x128xf32, #tpu.memory_space<hbm>> -> memref<640x128xf32, #tpu.memory_space<hbm>>
        tpu.wait_dma2 semaphore(%run_scoped3A : memref<!tpu.dma_semaphore, #tpu.memory_space<semaphore_mem>>) src(%dma_wait3A_36 : memref<640x128xf32, #tpu.memory_space<hbm>>) dst(%dma_wait3A_34 : memref<640x128xf32, #tpu.memory_space<vmem_shared>>)
        tpu.yield
      }) : () -> ()
    } else {
    }
    "tpu.region"() ({
      %run_scoped3A = tpu.sem_alloc : memref<!tpu.dma_semaphore, #tpu.memory_space<semaphore_mem>>
      %dma_start3A_30 = arith.constant 0 : i32
      %dma_start3A_31 = arith.constant 0 : i32
      %dma_start3A_32 = tpu.memref_slice %arg3[%add3A, %dma_start3A_30, %dma_start3A_31] : memref<32x65x80xi32, #tpu.memory_space<hbm>> -> memref<1x65x80xi32, #tpu.memory_space<hbm>>
      %dma_start3A_33 = tpu.memref_squeeze %dma_start3A_32 : memref<1x65x80xi32, #tpu.memory_space<hbm>> -> memref<65x80xi32, #tpu.memory_space<hbm>>
      %dma_start3A_34 = arith.constant 0 : i32
      %dma_start3A_35 = arith.constant 0 : i32
      %dma_start3A_36 = tpu.memref_slice %arg3[%add3A, %dma_start3A_34, %dma_start3A_35] : memref<32x65x80xi32, #tpu.memory_space<hbm>> -> memref<1x65x80xi32, #tpu.memory_space<hbm>>
      %dma_start3A_37 = tpu.memref_squeeze %dma_start3A_36 : memref<1x65x80xi32, #tpu.memory_space<hbm>> -> memref<65x80xi32, #tpu.memory_space<hbm>>
      tpu.enqueue_dma source(%dma_start3A_37 : memref<65x80xi32, #tpu.memory_space<hbm>>) target(%arg6 : memref<65x80xi32, #tpu.memory_space<vmem>>) target_semaphore(%run_scoped3A : memref<!tpu.dma_semaphore, #tpu.memory_space<semaphore_mem>>)
      %dma_wait3A = arith.constant 0 : i32
      %dma_wait3A_38 = arith.constant 0 : i32
      %dma_wait3A_39 = tpu.memref_slice %arg3[%add3A, %dma_wait3A, %dma_wait3A_38] : memref<32x65x80xi32, #tpu.memory_space<hbm>> -> memref<1x65x80xi32, #tpu.memory_space<hbm>>
      %dma_wait3A_40 = tpu.memref_squeeze %dma_wait3A_39 : memref<1x65x80xi32, #tpu.memory_space<hbm>> -> memref<65x80xi32, #tpu.memory_space<hbm>>
      %dma_wait3A_41 = arith.constant 0 : i32
      %dma_wait3A_42 = arith.constant 0 : i32
      %dma_wait3A_43 = tpu.memref_slice %arg3[%add3A, %dma_wait3A_41, %dma_wait3A_42] : memref<32x65x80xi32, #tpu.memory_space<hbm>> -> memref<1x65x80xi32, #tpu.memory_space<hbm>>
      %dma_wait3A_44 = tpu.memref_squeeze %dma_wait3A_43 : memref<1x65x80xi32, #tpu.memory_space<hbm>> -> memref<65x80xi32, #tpu.memory_space<hbm>>
      tpu.wait_dma2 semaphore(%run_scoped3A : memref<!tpu.dma_semaphore, #tpu.memory_space<semaphore_mem>>) src(%dma_wait3A_44 : memref<65x80xi32, #tpu.memory_space<hbm>>) dst(%arg6 : memref<65x80xi32, #tpu.memory_space<vmem>>)
      tpu.yield
    }) : () -> ()
    %barrier3A = arith.constant 0 : index
    tpu.barrier barrier_id(%barrier3A)
    %dma_start3A = arith.constant 0 : i32
    %dma_start3A_11 = tpu.memref_slice %arg2[%mul3A_2, %dma_start3A] : memref<166400x128xf32, #tpu.memory_space<hbm>> -> memref<80x128xf32, #tpu.memory_space<hbm>>
    %dma_start3A_12 = arith.constant 0 : i32
    %dma_start3A_13 = tpu.memref_slice %arg2[%mul3A_2, %dma_start3A_12] : memref<166400x128xf32, #tpu.memory_space<hbm>> -> memref<80x128xf32, #tpu.memory_space<hbm>>
    tpu.enqueue_dma source(%dma_start3A_13 : memref<80x128xf32, #tpu.memory_space<hbm>>) target(%arg7 : memref<80x128xf32, #tpu.memory_space<vmem>>) target_semaphore(%arg10 : memref<!tpu.dma_semaphore, #tpu.memory_space<semaphore_mem>>)
    %scan3A = arith.constant 0 : i32
    %scan3A_14 = arith.constant 0 : i32
    %scan3A_15 = arith.constant 33 : i32
    %scan3A_16 = arith.addi %scan3A_14, %scan3A_15 : i32
    %scan3A_17 = arith.constant 1 : i32
    scf.for %scan3A_30 = %scan3A_14 to %scan3A_16 step %scan3A_17  : i32 {
      %mul3A_31 = arith.constant 2 : i32
      %mul3A_32 = arith.muli %scan3A_30, %mul3A_31 : i32
      %dma_wait3A = arith.constant 0 : i32
      %dma_wait3A_33 = tpu.memref_slice %arg2[%mul3A_2, %dma_wait3A] : memref<166400x128xf32, #tpu.memory_space<hbm>> -> memref<80x128xf32, #tpu.memory_space<hbm>>
      %dma_wait3A_34 = arith.constant 0 : i32
      %dma_wait3A_35 = tpu.memref_slice %arg2[%mul3A_2, %dma_wait3A_34] : memref<166400x128xf32, #tpu.memory_space<hbm>> -> memref<80x128xf32, #tpu.memory_space<hbm>>
      tpu.wait_dma2 semaphore(%arg10 : memref<!tpu.dma_semaphore, #tpu.memory_space<semaphore_mem>>) src(%dma_wait3A_35 : memref<80x128xf32, #tpu.memory_space<hbm>>) dst(%arg7 : memref<80x128xf32, #tpu.memory_space<vmem>>)
      %add3A_36 = arith.constant 1 : i32
      %add3A_37 = arith.addi %mul3A_32, %add3A_36 : i32
      %lt3A_38 = arith.constant 65 : i32
      %lt3A_39 = arith.cmpi slt, %add3A_37, %lt3A_38 : i32
      %convert_element_type3A_40 = arith.extui %lt3A_39 : i1 to i32
      %cond3A_41 = arith.constant 0 : i32
      %cond3A_42 = arith.cmpi ne, %convert_element_type3A_40, %cond3A_41 : i32
      scf.if %cond3A_42 {
        %add3A_50 = arith.constant 1 : i32
        %add3A_51 = arith.addi %mul3A_32, %add3A_50 : i32
        %mul3A_52 = arith.constant 80 : i32
        %mul3A_53 = arith.muli %add3A_51, %mul3A_52 : i32
        %add3A_54 = arith.addi %mul3A_2, %mul3A_53 : i32
        %dma_start3A_55 = arith.constant 0 : i32
        %dma_start3A_56 = tpu.memref_slice %arg2[%add3A_54, %dma_start3A_55] : memref<166400x128xf32, #tpu.memory_space<hbm>> -> memref<80x128xf32, #tpu.memory_space<hbm>>
        %dma_start3A_57 = arith.constant 0 : i32
        %dma_start3A_58 = tpu.memref_slice %arg2[%add3A_54, %dma_start3A_57] : memref<166400x128xf32, #tpu.memory_space<hbm>> -> memref<80x128xf32, #tpu.memory_space<hbm>>
        tpu.enqueue_dma source(%dma_start3A_58 : memref<80x128xf32, #tpu.memory_space<hbm>>) target(%arg8 : memref<80x128xf32, #tpu.memory_space<vmem>>) target_semaphore(%arg11 : memref<!tpu.dma_semaphore, #tpu.memory_space<semaphore_mem>>)
      } else {
      }
      "tpu.region"() ({
        %run_scoped3A = tpu.sem_alloc : memref<!tpu.dma_semaphore, #tpu.memory_space<semaphore_mem>>
        %dma_start3A_50 = arith.constant 0 : i32
        %dma_start3A_51 = tpu.memref_slice %arg6[%mul3A_32, %dma_start3A_50] : memref<65x80xi32, #tpu.memory_space<vmem>> -> memref<1x80xi32, #tpu.memory_space<vmem>>
        %dma_start3A_52 = tpu.memref_squeeze %dma_start3A_51 : memref<1x80xi32, #tpu.memory_space<vmem>> -> memref<80xi32, #tpu.memory_space<vmem>>
        %dma_start3A_53 = arith.constant 0 : i32
        %dma_start3A_54 = arith.constant 0 : i32
        %dma_start3A_55 = tpu.memref_slice %arg9[%dma_start3A_53, %dma_start3A_54] : memref<10000x128xf32, #tpu.memory_space<vmem_shared>> -> memref<10000x128xf32, #tpu.memory_space<vmem_shared>>
        tpu.enqueue_indirect_dma source(%arg7 : memref<80x128xf32, #tpu.memory_space<vmem>>) target(%dma_start3A_55 : memref<10000x128xf32, #tpu.memory_space<vmem_shared>>) offsets(%dma_start3A_52 : memref<80xi32, #tpu.memory_space<vmem>>) semaphore(%run_scoped3A : memref<!tpu.dma_semaphore, #tpu.memory_space<semaphore_mem>>) {add = true}
        %dma_wait3A_56 = arith.constant 0 : i32
        %dma_wait3A_57 = tpu.memref_slice %arg6[%mul3A_32, %dma_wait3A_56] : memref<65x80xi32, #tpu.memory_space<vmem>> -> memref<1x80xi32, #tpu.memory_space<vmem>>
        %dma_wait3A_58 = tpu.memref_squeeze %dma_wait3A_57 : memref<1x80xi32, #tpu.memory_space<vmem>> -> memref<80xi32, #tpu.memory_space<vmem>>
        %dma_wait3A_59 = arith.constant 0 : i32
        %dma_wait3A_60 = arith.constant 0 : i32
        %dma_wait3A_61 = tpu.memref_slice %arg9[%dma_wait3A_59, %dma_wait3A_60] : memref<10000x128xf32, #tpu.memory_space<vmem_shared>> -> memref<10000x128xf32, #tpu.memory_space<vmem_shared>>
        tpu.wait_indirect_dma semaphore(%run_scoped3A : memref<!tpu.dma_semaphore, #tpu.memory_space<semaphore_mem>>) src(%arg7 : memref<80x128xf32, #tpu.memory_space<vmem>>) dst(%dma_wait3A_61 : memref<10000x128xf32, #tpu.memory_space<vmem_shared>>)
        tpu.yield
      }) : () -> ()
      %add3A_43 = arith.constant 1 : i32
      %add3A_44 = arith.addi %mul3A_32, %add3A_43 : i32
      %lt3A_45 = arith.constant 65 : i32
      %lt3A_46 = arith.cmpi slt, %add3A_44, %lt3A_45 : i32
      %convert_element_type3A_47 = arith.extui %lt3A_46 : i1 to i32
      %cond3A_48 = arith.constant 0 : i32
      %cond3A_49 = arith.cmpi ne, %convert_element_type3A_47, %cond3A_48 : i32
      scf.if %cond3A_49 {
        %dma_wait3A_50 = arith.constant 0 : i32
        %dma_wait3A_51 = tpu.memref_slice %arg2[%mul3A_2, %dma_wait3A_50] : memref<166400x128xf32, #tpu.memory_space<hbm>> -> memref<80x128xf32, #tpu.memory_space<hbm>>
        %dma_wait3A_52 = arith.constant 0 : i32
        %dma_wait3A_53 = tpu.memref_slice %arg2[%mul3A_2, %dma_wait3A_52] : memref<166400x128xf32, #tpu.memory_space<hbm>> -> memref<80x128xf32, #tpu.memory_space<hbm>>
        tpu.wait_dma2 semaphore(%arg11 : memref<!tpu.dma_semaphore, #tpu.memory_space<semaphore_mem>>) src(%dma_wait3A_53 : memref<80x128xf32, #tpu.memory_space<hbm>>) dst(%arg8 : memref<80x128xf32, #tpu.memory_space<vmem>>)
        %add3A_54 = arith.constant 2 : i32
        %add3A_55 = arith.addi %mul3A_32, %add3A_54 : i32
        %lt3A_56 = arith.constant 65 : i32
        %lt3A_57 = arith.cmpi slt, %add3A_55, %lt3A_56 : i32
        %convert_element_type3A_58 = arith.extui %lt3A_57 : i1 to i32
        %cond3A_59 = arith.constant 0 : i32
        %cond3A_60 = arith.cmpi ne, %convert_element_type3A_58, %cond3A_59 : i32
        scf.if %cond3A_60 {
          %add3A_63 = arith.constant 2 : i32
          %add3A_64 = arith.addi %mul3A_32, %add3A_63 : i32
          %mul3A_65 = arith.constant 80 : i32
          %mul3A_66 = arith.muli %add3A_64, %mul3A_65 : i32
          %add3A_67 = arith.addi %mul3A_2, %mul3A_66 : i32
          %dma_start3A_68 = arith.constant 0 : i32
          %dma_start3A_69 = tpu.memref_slice %arg2[%add3A_67, %dma_start3A_68] : memref<166400x128xf32, #tpu.memory_space<hbm>> -> memref<80x128xf32, #tpu.memory_space<hbm>>
          %dma_start3A_70 = arith.constant 0 : i32
          %dma_start3A_71 = tpu.memref_slice %arg2[%add3A_67, %dma_start3A_70] : memref<166400x128xf32, #tpu.memory_space<hbm>> -> memref<80x128xf32, #tpu.memory_space<hbm>>
          tpu.enqueue_dma source(%dma_start3A_71 : memref<80x128xf32, #tpu.memory_space<hbm>>) target(%arg7 : memref<80x128xf32, #tpu.memory_space<vmem>>) target_semaphore(%arg10 : memref<!tpu.dma_semaphore, #tpu.memory_space<semaphore_mem>>)
        } else {
        }
        %add3A_61 = arith.constant 1 : i32
        %add3A_62 = arith.addi %mul3A_32, %add3A_61 : i32
        "tpu.region"() ({
          %run_scoped3A = tpu.sem_alloc : memref<!tpu.dma_semaphore, #tpu.memory_space<semaphore_mem>>
          %dma_start3A_63 = arith.constant 0 : i32
          %dma_start3A_64 = tpu.memref_slice %arg6[%add3A_62, %dma_start3A_63] : memref<65x80xi32, #tpu.memory_space<vmem>> -> memref<1x80xi32, #tpu.memory_space<vmem>>
          %dma_start3A_65 = tpu.memref_squeeze %dma_start3A_64 : memref<1x80xi32, #tpu.memory_space<vmem>> -> memref<80xi32, #tpu.memory_space<vmem>>
          %dma_start3A_66 = arith.constant 0 : i32
          %dma_start3A_67 = arith.constant 0 : i32
          %dma_start3A_68 = tpu.memref_slice %arg9[%dma_start3A_66, %dma_start3A_67] : memref<10000x128xf32, #tpu.memory_space<vmem_shared>> -> memref<10000x128xf32, #tpu.memory_space<vmem_shared>>
          tpu.enqueue_indirect_dma source(%arg8 : memref<80x128xf32, #tpu.memory_space<vmem>>) target(%dma_start3A_68 : memref<10000x128xf32, #tpu.memory_space<vmem_shared>>) offsets(%dma_start3A_65 : memref<80xi32, #tpu.memory_space<vmem>>) semaphore(%run_scoped3A : memref<!tpu.dma_semaphore, #tpu.memory_space<semaphore_mem>>) {add = true}
          %dma_wait3A_69 = arith.constant 0 : i32
          %dma_wait3A_70 = tpu.memref_slice %arg6[%add3A_62, %dma_wait3A_69] : memref<65x80xi32, #tpu.memory_space<vmem>> -> memref<1x80xi32, #tpu.memory_space<vmem>>
          %dma_wait3A_71 = tpu.memref_squeeze %dma_wait3A_70 : memref<1x80xi32, #tpu.memory_space<vmem>> -> memref<80xi32, #tpu.memory_space<vmem>>
          %dma_wait3A_72 = arith.constant 0 : i32
          %dma_wait3A_73 = arith.constant 0 : i32
          %dma_wait3A_74 = tpu.memref_slice %arg9[%dma_wait3A_72, %dma_wait3A_73] : memref<10000x128xf32, #tpu.memory_space<vmem_shared>> -> memref<10000x128xf32, #tpu.memory_space<vmem_shared>>
          tpu.wait_indirect_dma semaphore(%run_scoped3A : memref<!tpu.dma_semaphore, #tpu.memory_space<semaphore_mem>>) src(%arg8 : memref<80x128xf32, #tpu.memory_space<vmem>>) dst(%dma_wait3A_74 : memref<10000x128xf32, #tpu.memory_space<vmem_shared>>)
          tpu.yield
        }) : () -> ()
      } else {
      }
    }
    %scan3A_18 = arith.constant 33 : i32
    %barrier3A_19 = arith.constant 0 : index
    tpu.barrier barrier_id(%barrier3A_19)
    %lt3A_20 = arith.constant 15 : i32
    %lt3A_21 = arith.cmpi slt, %arg1, %lt3A_20 : i32
    %convert_element_type3A_22 = arith.extui %lt3A_21 : i1 to i32
    %cond3A_23 = arith.constant 0 : i32
    %cond3A_24 = arith.cmpi ne, %convert_element_type3A_22, %cond3A_23 : i32
    scf.if %cond3A_24 {
      "tpu.region"() ({
        %run_scoped3A = tpu.sem_alloc : memref<!tpu.dma_semaphore, #tpu.memory_space<semaphore_mem>>
        %dma_start3A_30 = arith.constant 0 : i32
        %dma_start3A_31 = tpu.memref_slice %arg5[%arg0, %mul3A_4, %dma_start3A_30] : memref<2x10000x128xf32, #tpu.memory_space<hbm>> -> memref<1x624x128xf32, #tpu.memory_space<hbm>>
        %dma_start3A_32 = tpu.memref_squeeze %dma_start3A_31 : memref<1x624x128xf32, #tpu.memory_space<hbm>> -> memref<624x128xf32, #tpu.memory_space<hbm>>
        %dma_start3A_33 = arith.constant 0 : i32
        %dma_start3A_34 = tpu.memref_slice %arg9[%mul3A_4, %dma_start3A_33] : memref<10000x128xf32, #tpu.memory_space<vmem_shared>> -> memref<624x128xf32, #tpu.memory_space<vmem_shared>>
        tpu.enqueue_dma source(%dma_start3A_34 : memref<624x128xf32, #tpu.memory_space<vmem_shared>>) target(%dma_start3A_32 : memref<624x128xf32, #tpu.memory_space<hbm>>) target_semaphore(%run_scoped3A : memref<!tpu.dma_semaphore, #tpu.memory_space<semaphore_mem>>)
        %dma_wait3A = arith.constant 0 : i32
        %dma_wait3A_35 = tpu.memref_slice %arg5[%arg0, %mul3A_4, %dma_wait3A] : memref<2x10000x128xf32, #tpu.memory_space<hbm>> -> memref<1x624x128xf32, #tpu.memory_space<hbm>>
        %dma_wait3A_36 = tpu.memref_squeeze %dma_wait3A_35 : memref<1x624x128xf32, #tpu.memory_space<hbm>> -> memref<624x128xf32, #tpu.memory_space<hbm>>
        %dma_wait3A_37 = arith.constant 0 : i32
        %dma_wait3A_38 = tpu.memref_slice %arg9[%mul3A_4, %dma_wait3A_37] : memref<10000x128xf32, #tpu.memory_space<vmem_shared>> -> memref<624x128xf32, #tpu.memory_space<vmem_shared>>
        tpu.wait_dma2 semaphore(%run_scoped3A : memref<!tpu.dma_semaphore, #tpu.memory_space<semaphore_mem>>) src(%dma_wait3A_38 : memref<624x128xf32, #tpu.memory_space<vmem_shared>>) dst(%dma_wait3A_36 : memref<624x128xf32, #tpu.memory_space<hbm>>)
        tpu.yield
      }) : () -> ()
    } else {
    }
    %eq3A_25 = arith.constant 15 : i32
    %eq3A_26 = arith.cmpi eq, %arg1, %eq3A_25 : i32
    %convert_element_type3A_27 = arith.extui %eq3A_26 : i1 to i32
    %cond3A_28 = arith.constant 0 : i32
    %cond3A_29 = arith.cmpi ne, %convert_element_type3A_27, %cond3A_28 : i32
    scf.if %cond3A_29 {
      "tpu.region"() ({
        %run_scoped3A = tpu.sem_alloc : memref<!tpu.dma_semaphore, #tpu.memory_space<semaphore_mem>>
        %dma_start3A_30 = arith.constant 0 : i32
        %dma_start3A_31 = tpu.memref_slice %arg5[%arg0, %mul3A_4, %dma_start3A_30] : memref<2x10000x128xf32, #tpu.memory_space<hbm>> -> memref<1x640x128xf32, #tpu.memory_space<hbm>>
        %dma_start3A_32 = tpu.memref_squeeze %dma_start3A_31 : memref<1x640x128xf32, #tpu.memory_space<hbm>> -> memref<640x128xf32, #tpu.memory_space<hbm>>
        %dma_start3A_33 = arith.constant 0 : i32
        %dma_start3A_34 = tpu.memref_slice %arg9[%mul3A_4, %dma_start3A_33] : memref<10000x128xf32, #tpu.memory_space<vmem_shared>> -> memref<640x128xf32, #tpu.memory_space<vmem_shared>>
        tpu.enqueue_dma source(%dma_start3A_34 : memref<640x128xf32, #tpu.memory_space<vmem_shared>>) target(%dma_start3A_32 : memref<640x128xf32, #tpu.memory_space<hbm>>) target_semaphore(%run_scoped3A : memref<!tpu.dma_semaphore, #tpu.memory_space<semaphore_mem>>)
        %dma_wait3A = arith.constant 0 : i32
        %dma_wait3A_35 = tpu.memref_slice %arg5[%arg0, %mul3A_4, %dma_wait3A] : memref<2x10000x128xf32, #tpu.memory_space<hbm>> -> memref<1x640x128xf32, #tpu.memory_space<hbm>>
        %dma_wait3A_36 = tpu.memref_squeeze %dma_wait3A_35 : memref<1x640x128xf32, #tpu.memory_space<hbm>> -> memref<640x128xf32, #tpu.memory_space<hbm>>
        %dma_wait3A_37 = arith.constant 0 : i32
        %dma_wait3A_38 = tpu.memref_slice %arg9[%mul3A_4, %dma_wait3A_37] : memref<10000x128xf32, #tpu.memory_space<vmem_shared>> -> memref<640x128xf32, #tpu.memory_space<vmem_shared>>
        tpu.wait_dma2 semaphore(%run_scoped3A : memref<!tpu.dma_semaphore, #tpu.memory_space<semaphore_mem>>) src(%dma_wait3A_38 : memref<640x128xf32, #tpu.memory_space<vmem_shared>>) dst(%dma_wait3A_36 : memref<640x128xf32, #tpu.memory_space<hbm>>)
        tpu.yield
      }) : () -> ()
    } else {
    }
    return
  }
}

#map = affine_map<(d0, d1) -> (0, 0)>
#map1 = affine_map<(d0, d1) -> (0, 0, 0)>
module attributes {stable_mosaic.version = 14 : i64} {
  func.func @body(%arg0: i32, %arg1: i32, %arg2: memref<153600x128xf32, #tpu.memory_space<hbm>>, %arg3: memref<32x60x80xi32, #tpu.memory_space<hbm>>, %arg4: memref<10000x128xf32, #tpu.memory_space<hbm>>, %arg5: memref<2x10000x128xf32, #tpu.memory_space<hbm>>, %arg6: memref<60x80xi32, #tpu.memory_space<vmem>>, %arg7: memref<80x128xf32, #tpu.memory_space<vmem>>, %arg8: memref<80x128xf32, #tpu.memory_space<vmem>>, %arg9: memref<10000x128xf32, #tpu.memory_space<vmem_shared>>, %arg10: memref<!tpu.dma_semaphore, #tpu.memory_space<semaphore_mem>>, %arg11: memref<!tpu.dma_semaphore, #tpu.memory_space<semaphore_mem>>) attributes {dimension_semantics = [#tpu.dimension_semantics<core_parallel>, #tpu.dimension_semantics<subcore_parallel>], iteration_bounds = array<i64: 2, 16>, scalar_prefetch = 0 : i64, scratch_operands = 6 : i64, tpu.core_type = #tpu.core_type<sc_vector_subcore>, window_params = [{transform_indices = #map}, {transform_indices = #map1}, {transform_indices = #map}, {transform_indices = #map1}]} {
    %mul3A = arith.constant 2 : i32
    %mul3A_0 = arith.muli %arg1, %mul3A : i32
    %add3A = arith.addi %mul3A_0, %arg0 : i32
    %mul3A_1 = arith.constant 4800 : i32
    %mul3A_2 = arith.muli %add3A, %mul3A_1 : i32
    %mul3A_3 = arith.constant 624 : i32
    %mul3A_4 = arith.muli %arg1, %mul3A_3 : i32
    %lt3A = arith.constant 15 : i32
    %lt3A_5 = arith.cmpi slt, %arg1, %lt3A : i32
    %convert_element_type3A = arith.extui %lt3A_5 : i1 to i32
    %cond3A = arith.constant 0 : i32
    %cond3A_6 = arith.cmpi ne, %convert_element_type3A, %cond3A : i32
    scf.if %cond3A_6 {
      "tpu.region"() ({
        %run_scoped3A = tpu.sem_alloc : memref<!tpu.dma_semaphore, #tpu.memory_space<semaphore_mem>>
        %dma_start3A_30 = arith.constant 0 : i32
        %dma_start3A_31 = tpu.memref_slice %arg9[%mul3A_4, %dma_start3A_30] : memref<10000x128xf32, #tpu.memory_space<vmem_shared>> -> memref<624x128xf32, #tpu.memory_space<vmem_shared>>
        %dma_start3A_32 = arith.constant 0 : i32
        %dma_start3A_33 = tpu.memref_slice %arg4[%mul3A_4, %dma_start3A_32] : memref<10000x128xf32, #tpu.memory_space<hbm>> -> memref<624x128xf32, #tpu.memory_space<hbm>>
        tpu.enqueue_dma source(%dma_start3A_33 : memref<624x128xf32, #tpu.memory_space<hbm>>) target(%dma_start3A_31 : memref<624x128xf32, #tpu.memory_space<vmem_shared>>) target_semaphore(%run_scoped3A : memref<!tpu.dma_semaphore, #tpu.memory_space<semaphore_mem>>)
        %dma_wait3A = arith.constant 0 : i32
        %dma_wait3A_34 = tpu.memref_slice %arg9[%mul3A_4, %dma_wait3A] : memref<10000x128xf32, #tpu.memory_space<vmem_shared>> -> memref<624x128xf32, #tpu.memory_space<vmem_shared>>
        %dma_wait3A_35 = arith.constant 0 : i32
        %dma_wait3A_36 = tpu.memref_slice %arg4[%mul3A_4, %dma_wait3A_35] : memref<10000x128xf32, #tpu.memory_space<hbm>> -> memref<624x128xf32, #tpu.memory_space<hbm>>
        tpu.wait_dma2 semaphore(%run_scoped3A : memref<!tpu.dma_semaphore, #tpu.memory_space<semaphore_mem>>) src(%dma_wait3A_36 : memref<624x128xf32, #tpu.memory_space<hbm>>) dst(%dma_wait3A_34 : memref<624x128xf32, #tpu.memory_space<vmem_shared>>)
        tpu.yield
      }) : () -> ()
    } else {
    }
    %eq3A = arith.constant 15 : i32
    %eq3A_7 = arith.cmpi eq, %arg1, %eq3A : i32
    %convert_element_type3A_8 = arith.extui %eq3A_7 : i1 to i32
    %cond3A_9 = arith.constant 0 : i32
    %cond3A_10 = arith.cmpi ne, %convert_element_type3A_8, %cond3A_9 : i32
    scf.if %cond3A_10 {
      "tpu.region"() ({
        %run_scoped3A = tpu.sem_alloc : memref<!tpu.dma_semaphore, #tpu.memory_space<semaphore_mem>>
        %dma_start3A_30 = arith.constant 0 : i32
        %dma_start3A_31 = tpu.memref_slice %arg9[%mul3A_4, %dma_start3A_30] : memref<10000x128xf32, #tpu.memory_space<vmem_shared>> -> memref<640x128xf32, #tpu.memory_space<vmem_shared>>
        %dma_start3A_32 = arith.constant 0 : i32
        %dma_start3A_33 = tpu.memref_slice %arg4[%mul3A_4, %dma_start3A_32] : memref<10000x128xf32, #tpu.memory_space<hbm>> -> memref<640x128xf32, #tpu.memory_space<hbm>>
        tpu.enqueue_dma source(%dma_start3A_33 : memref<640x128xf32, #tpu.memory_space<hbm>>) target(%dma_start3A_31 : memref<640x128xf32, #tpu.memory_space<vmem_shared>>) target_semaphore(%run_scoped3A : memref<!tpu.dma_semaphore, #tpu.memory_space<semaphore_mem>>)
        %dma_wait3A = arith.constant 0 : i32
        %dma_wait3A_34 = tpu.memref_slice %arg9[%mul3A_4, %dma_wait3A] : memref<10000x128xf32, #tpu.memory_space<vmem_shared>> -> memref<640x128xf32, #tpu.memory_space<vmem_shared>>
        %dma_wait3A_35 = arith.constant 0 : i32
        %dma_wait3A_36 = tpu.memref_slice %arg4[%mul3A_4, %dma_wait3A_35] : memref<10000x128xf32, #tpu.memory_space<hbm>> -> memref<640x128xf32, #tpu.memory_space<hbm>>
        tpu.wait_dma2 semaphore(%run_scoped3A : memref<!tpu.dma_semaphore, #tpu.memory_space<semaphore_mem>>) src(%dma_wait3A_36 : memref<640x128xf32, #tpu.memory_space<hbm>>) dst(%dma_wait3A_34 : memref<640x128xf32, #tpu.memory_space<vmem_shared>>)
        tpu.yield
      }) : () -> ()
    } else {
    }
    "tpu.region"() ({
      %run_scoped3A = tpu.sem_alloc : memref<!tpu.dma_semaphore, #tpu.memory_space<semaphore_mem>>
      %dma_start3A_30 = arith.constant 0 : i32
      %dma_start3A_31 = arith.constant 0 : i32
      %dma_start3A_32 = tpu.memref_slice %arg3[%add3A, %dma_start3A_30, %dma_start3A_31] : memref<32x60x80xi32, #tpu.memory_space<hbm>> -> memref<1x60x80xi32, #tpu.memory_space<hbm>>
      %dma_start3A_33 = tpu.memref_squeeze %dma_start3A_32 : memref<1x60x80xi32, #tpu.memory_space<hbm>> -> memref<60x80xi32, #tpu.memory_space<hbm>>
      %dma_start3A_34 = arith.constant 0 : i32
      %dma_start3A_35 = arith.constant 0 : i32
      %dma_start3A_36 = tpu.memref_slice %arg3[%add3A, %dma_start3A_34, %dma_start3A_35] : memref<32x60x80xi32, #tpu.memory_space<hbm>> -> memref<1x60x80xi32, #tpu.memory_space<hbm>>
      %dma_start3A_37 = tpu.memref_squeeze %dma_start3A_36 : memref<1x60x80xi32, #tpu.memory_space<hbm>> -> memref<60x80xi32, #tpu.memory_space<hbm>>
      tpu.enqueue_dma source(%dma_start3A_37 : memref<60x80xi32, #tpu.memory_space<hbm>>) target(%arg6 : memref<60x80xi32, #tpu.memory_space<vmem>>) target_semaphore(%run_scoped3A : memref<!tpu.dma_semaphore, #tpu.memory_space<semaphore_mem>>)
      %dma_wait3A = arith.constant 0 : i32
      %dma_wait3A_38 = arith.constant 0 : i32
      %dma_wait3A_39 = tpu.memref_slice %arg3[%add3A, %dma_wait3A, %dma_wait3A_38] : memref<32x60x80xi32, #tpu.memory_space<hbm>> -> memref<1x60x80xi32, #tpu.memory_space<hbm>>
      %dma_wait3A_40 = tpu.memref_squeeze %dma_wait3A_39 : memref<1x60x80xi32, #tpu.memory_space<hbm>> -> memref<60x80xi32, #tpu.memory_space<hbm>>
      %dma_wait3A_41 = arith.constant 0 : i32
      %dma_wait3A_42 = arith.constant 0 : i32
      %dma_wait3A_43 = tpu.memref_slice %arg3[%add3A, %dma_wait3A_41, %dma_wait3A_42] : memref<32x60x80xi32, #tpu.memory_space<hbm>> -> memref<1x60x80xi32, #tpu.memory_space<hbm>>
      %dma_wait3A_44 = tpu.memref_squeeze %dma_wait3A_43 : memref<1x60x80xi32, #tpu.memory_space<hbm>> -> memref<60x80xi32, #tpu.memory_space<hbm>>
      tpu.wait_dma2 semaphore(%run_scoped3A : memref<!tpu.dma_semaphore, #tpu.memory_space<semaphore_mem>>) src(%dma_wait3A_44 : memref<60x80xi32, #tpu.memory_space<hbm>>) dst(%arg6 : memref<60x80xi32, #tpu.memory_space<vmem>>)
      tpu.yield
    }) : () -> ()
    %barrier3A = arith.constant 0 : index
    tpu.barrier barrier_id(%barrier3A)
    %dma_start3A = arith.constant 0 : i32
    %dma_start3A_11 = tpu.memref_slice %arg2[%mul3A_2, %dma_start3A] : memref<153600x128xf32, #tpu.memory_space<hbm>> -> memref<80x128xf32, #tpu.memory_space<hbm>>
    %dma_start3A_12 = arith.constant 0 : i32
    %dma_start3A_13 = tpu.memref_slice %arg2[%mul3A_2, %dma_start3A_12] : memref<153600x128xf32, #tpu.memory_space<hbm>> -> memref<80x128xf32, #tpu.memory_space<hbm>>
    tpu.enqueue_dma source(%dma_start3A_13 : memref<80x128xf32, #tpu.memory_space<hbm>>) target(%arg7 : memref<80x128xf32, #tpu.memory_space<vmem>>) target_semaphore(%arg10 : memref<!tpu.dma_semaphore, #tpu.memory_space<semaphore_mem>>)
    %scan3A = arith.constant 0 : i32
    %scan3A_14 = arith.constant 0 : i32
    %scan3A_15 = arith.constant 30 : i32
    %scan3A_16 = arith.addi %scan3A_14, %scan3A_15 : i32
    %scan3A_17 = arith.constant 1 : i32
    scf.for %scan3A_30 = %scan3A_14 to %scan3A_16 step %scan3A_17  : i32 {
      %mul3A_31 = arith.constant 2 : i32
      %mul3A_32 = arith.muli %scan3A_30, %mul3A_31 : i32
      %dma_wait3A = arith.constant 0 : i32
      %dma_wait3A_33 = tpu.memref_slice %arg2[%mul3A_2, %dma_wait3A] : memref<153600x128xf32, #tpu.memory_space<hbm>> -> memref<80x128xf32, #tpu.memory_space<hbm>>
      %dma_wait3A_34 = arith.constant 0 : i32
      %dma_wait3A_35 = tpu.memref_slice %arg2[%mul3A_2, %dma_wait3A_34] : memref<153600x128xf32, #tpu.memory_space<hbm>> -> memref<80x128xf32, #tpu.memory_space<hbm>>
      tpu.wait_dma2 semaphore(%arg10 : memref<!tpu.dma_semaphore, #tpu.memory_space<semaphore_mem>>) src(%dma_wait3A_35 : memref<80x128xf32, #tpu.memory_space<hbm>>) dst(%arg7 : memref<80x128xf32, #tpu.memory_space<vmem>>)
      %add3A_36 = arith.constant 1 : i32
      %add3A_37 = arith.addi %mul3A_32, %add3A_36 : i32
      %lt3A_38 = arith.constant 60 : i32
      %lt3A_39 = arith.cmpi slt, %add3A_37, %lt3A_38 : i32
      %convert_element_type3A_40 = arith.extui %lt3A_39 : i1 to i32
      %cond3A_41 = arith.constant 0 : i32
      %cond3A_42 = arith.cmpi ne, %convert_element_type3A_40, %cond3A_41 : i32
      scf.if %cond3A_42 {
        %add3A_50 = arith.constant 1 : i32
        %add3A_51 = arith.addi %mul3A_32, %add3A_50 : i32
        %mul3A_52 = arith.constant 80 : i32
        %mul3A_53 = arith.muli %add3A_51, %mul3A_52 : i32
        %add3A_54 = arith.addi %mul3A_2, %mul3A_53 : i32
        %dma_start3A_55 = arith.constant 0 : i32
        %dma_start3A_56 = tpu.memref_slice %arg2[%add3A_54, %dma_start3A_55] : memref<153600x128xf32, #tpu.memory_space<hbm>> -> memref<80x128xf32, #tpu.memory_space<hbm>>
        %dma_start3A_57 = arith.constant 0 : i32
        %dma_start3A_58 = tpu.memref_slice %arg2[%add3A_54, %dma_start3A_57] : memref<153600x128xf32, #tpu.memory_space<hbm>> -> memref<80x128xf32, #tpu.memory_space<hbm>>
        tpu.enqueue_dma source(%dma_start3A_58 : memref<80x128xf32, #tpu.memory_space<hbm>>) target(%arg8 : memref<80x128xf32, #tpu.memory_space<vmem>>) target_semaphore(%arg11 : memref<!tpu.dma_semaphore, #tpu.memory_space<semaphore_mem>>)
      } else {
      }
      "tpu.region"() ({
        %run_scoped3A = tpu.sem_alloc : memref<!tpu.dma_semaphore, #tpu.memory_space<semaphore_mem>>
        %dma_start3A_50 = arith.constant 0 : i32
        %dma_start3A_51 = tpu.memref_slice %arg6[%mul3A_32, %dma_start3A_50] : memref<60x80xi32, #tpu.memory_space<vmem>> -> memref<1x80xi32, #tpu.memory_space<vmem>>
        %dma_start3A_52 = tpu.memref_squeeze %dma_start3A_51 : memref<1x80xi32, #tpu.memory_space<vmem>> -> memref<80xi32, #tpu.memory_space<vmem>>
        %dma_start3A_53 = arith.constant 0 : i32
        %dma_start3A_54 = arith.constant 0 : i32
        %dma_start3A_55 = tpu.memref_slice %arg9[%dma_start3A_53, %dma_start3A_54] : memref<10000x128xf32, #tpu.memory_space<vmem_shared>> -> memref<10000x128xf32, #tpu.memory_space<vmem_shared>>
        tpu.enqueue_indirect_dma source(%arg7 : memref<80x128xf32, #tpu.memory_space<vmem>>) target(%dma_start3A_55 : memref<10000x128xf32, #tpu.memory_space<vmem_shared>>) offsets(%dma_start3A_52 : memref<80xi32, #tpu.memory_space<vmem>>) semaphore(%run_scoped3A : memref<!tpu.dma_semaphore, #tpu.memory_space<semaphore_mem>>) {add = true}
        %dma_wait3A_56 = arith.constant 0 : i32
        %dma_wait3A_57 = tpu.memref_slice %arg6[%mul3A_32, %dma_wait3A_56] : memref<60x80xi32, #tpu.memory_space<vmem>> -> memref<1x80xi32, #tpu.memory_space<vmem>>
        %dma_wait3A_58 = tpu.memref_squeeze %dma_wait3A_57 : memref<1x80xi32, #tpu.memory_space<vmem>> -> memref<80xi32, #tpu.memory_space<vmem>>
        %dma_wait3A_59 = arith.constant 0 : i32
        %dma_wait3A_60 = arith.constant 0 : i32
        %dma_wait3A_61 = tpu.memref_slice %arg9[%dma_wait3A_59, %dma_wait3A_60] : memref<10000x128xf32, #tpu.memory_space<vmem_shared>> -> memref<10000x128xf32, #tpu.memory_space<vmem_shared>>
        tpu.wait_indirect_dma semaphore(%run_scoped3A : memref<!tpu.dma_semaphore, #tpu.memory_space<semaphore_mem>>) src(%arg7 : memref<80x128xf32, #tpu.memory_space<vmem>>) dst(%dma_wait3A_61 : memref<10000x128xf32, #tpu.memory_space<vmem_shared>>)
        tpu.yield
      }) : () -> ()
      %add3A_43 = arith.constant 1 : i32
      %add3A_44 = arith.addi %mul3A_32, %add3A_43 : i32
      %lt3A_45 = arith.constant 60 : i32
      %lt3A_46 = arith.cmpi slt, %add3A_44, %lt3A_45 : i32
      %convert_element_type3A_47 = arith.extui %lt3A_46 : i1 to i32
      %cond3A_48 = arith.constant 0 : i32
      %cond3A_49 = arith.cmpi ne, %convert_element_type3A_47, %cond3A_48 : i32
      scf.if %cond3A_49 {
        %dma_wait3A_50 = arith.constant 0 : i32
        %dma_wait3A_51 = tpu.memref_slice %arg2[%mul3A_2, %dma_wait3A_50] : memref<153600x128xf32, #tpu.memory_space<hbm>> -> memref<80x128xf32, #tpu.memory_space<hbm>>
        %dma_wait3A_52 = arith.constant 0 : i32
        %dma_wait3A_53 = tpu.memref_slice %arg2[%mul3A_2, %dma_wait3A_52] : memref<153600x128xf32, #tpu.memory_space<hbm>> -> memref<80x128xf32, #tpu.memory_space<hbm>>
        tpu.wait_dma2 semaphore(%arg11 : memref<!tpu.dma_semaphore, #tpu.memory_space<semaphore_mem>>) src(%dma_wait3A_53 : memref<80x128xf32, #tpu.memory_space<hbm>>) dst(%arg8 : memref<80x128xf32, #tpu.memory_space<vmem>>)
        %add3A_54 = arith.constant 2 : i32
        %add3A_55 = arith.addi %mul3A_32, %add3A_54 : i32
        %lt3A_56 = arith.constant 60 : i32
        %lt3A_57 = arith.cmpi slt, %add3A_55, %lt3A_56 : i32
        %convert_element_type3A_58 = arith.extui %lt3A_57 : i1 to i32
        %cond3A_59 = arith.constant 0 : i32
        %cond3A_60 = arith.cmpi ne, %convert_element_type3A_58, %cond3A_59 : i32
        scf.if %cond3A_60 {
          %add3A_63 = arith.constant 2 : i32
          %add3A_64 = arith.addi %mul3A_32, %add3A_63 : i32
          %mul3A_65 = arith.constant 80 : i32
          %mul3A_66 = arith.muli %add3A_64, %mul3A_65 : i32
          %add3A_67 = arith.addi %mul3A_2, %mul3A_66 : i32
          %dma_start3A_68 = arith.constant 0 : i32
          %dma_start3A_69 = tpu.memref_slice %arg2[%add3A_67, %dma_start3A_68] : memref<153600x128xf32, #tpu.memory_space<hbm>> -> memref<80x128xf32, #tpu.memory_space<hbm>>
          %dma_start3A_70 = arith.constant 0 : i32
          %dma_start3A_71 = tpu.memref_slice %arg2[%add3A_67, %dma_start3A_70] : memref<153600x128xf32, #tpu.memory_space<hbm>> -> memref<80x128xf32, #tpu.memory_space<hbm>>
          tpu.enqueue_dma source(%dma_start3A_71 : memref<80x128xf32, #tpu.memory_space<hbm>>) target(%arg7 : memref<80x128xf32, #tpu.memory_space<vmem>>) target_semaphore(%arg10 : memref<!tpu.dma_semaphore, #tpu.memory_space<semaphore_mem>>)
        } else {
        }
        %add3A_61 = arith.constant 1 : i32
        %add3A_62 = arith.addi %mul3A_32, %add3A_61 : i32
        "tpu.region"() ({
          %run_scoped3A = tpu.sem_alloc : memref<!tpu.dma_semaphore, #tpu.memory_space<semaphore_mem>>
          %dma_start3A_63 = arith.constant 0 : i32
          %dma_start3A_64 = tpu.memref_slice %arg6[%add3A_62, %dma_start3A_63] : memref<60x80xi32, #tpu.memory_space<vmem>> -> memref<1x80xi32, #tpu.memory_space<vmem>>
          %dma_start3A_65 = tpu.memref_squeeze %dma_start3A_64 : memref<1x80xi32, #tpu.memory_space<vmem>> -> memref<80xi32, #tpu.memory_space<vmem>>
          %dma_start3A_66 = arith.constant 0 : i32
          %dma_start3A_67 = arith.constant 0 : i32
          %dma_start3A_68 = tpu.memref_slice %arg9[%dma_start3A_66, %dma_start3A_67] : memref<10000x128xf32, #tpu.memory_space<vmem_shared>> -> memref<10000x128xf32, #tpu.memory_space<vmem_shared>>
          tpu.enqueue_indirect_dma source(%arg8 : memref<80x128xf32, #tpu.memory_space<vmem>>) target(%dma_start3A_68 : memref<10000x128xf32, #tpu.memory_space<vmem_shared>>) offsets(%dma_start3A_65 : memref<80xi32, #tpu.memory_space<vmem>>) semaphore(%run_scoped3A : memref<!tpu.dma_semaphore, #tpu.memory_space<semaphore_mem>>) {add = true}
          %dma_wait3A_69 = arith.constant 0 : i32
          %dma_wait3A_70 = tpu.memref_slice %arg6[%add3A_62, %dma_wait3A_69] : memref<60x80xi32, #tpu.memory_space<vmem>> -> memref<1x80xi32, #tpu.memory_space<vmem>>
          %dma_wait3A_71 = tpu.memref_squeeze %dma_wait3A_70 : memref<1x80xi32, #tpu.memory_space<vmem>> -> memref<80xi32, #tpu.memory_space<vmem>>
          %dma_wait3A_72 = arith.constant 0 : i32
          %dma_wait3A_73 = arith.constant 0 : i32
          %dma_wait3A_74 = tpu.memref_slice %arg9[%dma_wait3A_72, %dma_wait3A_73] : memref<10000x128xf32, #tpu.memory_space<vmem_shared>> -> memref<10000x128xf32, #tpu.memory_space<vmem_shared>>
          tpu.wait_indirect_dma semaphore(%run_scoped3A : memref<!tpu.dma_semaphore, #tpu.memory_space<semaphore_mem>>) src(%arg8 : memref<80x128xf32, #tpu.memory_space<vmem>>) dst(%dma_wait3A_74 : memref<10000x128xf32, #tpu.memory_space<vmem_shared>>)
          tpu.yield
        }) : () -> ()
      } else {
      }
    }
    %scan3A_18 = arith.constant 30 : i32
    %barrier3A_19 = arith.constant 0 : index
    tpu.barrier barrier_id(%barrier3A_19)
    %lt3A_20 = arith.constant 15 : i32
    %lt3A_21 = arith.cmpi slt, %arg1, %lt3A_20 : i32
    %convert_element_type3A_22 = arith.extui %lt3A_21 : i1 to i32
    %cond3A_23 = arith.constant 0 : i32
    %cond3A_24 = arith.cmpi ne, %convert_element_type3A_22, %cond3A_23 : i32
    scf.if %cond3A_24 {
      "tpu.region"() ({
        %run_scoped3A = tpu.sem_alloc : memref<!tpu.dma_semaphore, #tpu.memory_space<semaphore_mem>>
        %dma_start3A_30 = arith.constant 0 : i32
        %dma_start3A_31 = tpu.memref_slice %arg5[%arg0, %mul3A_4, %dma_start3A_30] : memref<2x10000x128xf32, #tpu.memory_space<hbm>> -> memref<1x624x128xf32, #tpu.memory_space<hbm>>
        %dma_start3A_32 = tpu.memref_squeeze %dma_start3A_31 : memref<1x624x128xf32, #tpu.memory_space<hbm>> -> memref<624x128xf32, #tpu.memory_space<hbm>>
        %dma_start3A_33 = arith.constant 0 : i32
        %dma_start3A_34 = tpu.memref_slice %arg9[%mul3A_4, %dma_start3A_33] : memref<10000x128xf32, #tpu.memory_space<vmem_shared>> -> memref<624x128xf32, #tpu.memory_space<vmem_shared>>
        tpu.enqueue_dma source(%dma_start3A_34 : memref<624x128xf32, #tpu.memory_space<vmem_shared>>) target(%dma_start3A_32 : memref<624x128xf32, #tpu.memory_space<hbm>>) target_semaphore(%run_scoped3A : memref<!tpu.dma_semaphore, #tpu.memory_space<semaphore_mem>>)
        %dma_wait3A = arith.constant 0 : i32
        %dma_wait3A_35 = tpu.memref_slice %arg5[%arg0, %mul3A_4, %dma_wait3A] : memref<2x10000x128xf32, #tpu.memory_space<hbm>> -> memref<1x624x128xf32, #tpu.memory_space<hbm>>
        %dma_wait3A_36 = tpu.memref_squeeze %dma_wait3A_35 : memref<1x624x128xf32, #tpu.memory_space<hbm>> -> memref<624x128xf32, #tpu.memory_space<hbm>>
        %dma_wait3A_37 = arith.constant 0 : i32
        %dma_wait3A_38 = tpu.memref_slice %arg9[%mul3A_4, %dma_wait3A_37] : memref<10000x128xf32, #tpu.memory_space<vmem_shared>> -> memref<624x128xf32, #tpu.memory_space<vmem_shared>>
        tpu.wait_dma2 semaphore(%run_scoped3A : memref<!tpu.dma_semaphore, #tpu.memory_space<semaphore_mem>>) src(%dma_wait3A_38 : memref<624x128xf32, #tpu.memory_space<vmem_shared>>) dst(%dma_wait3A_36 : memref<624x128xf32, #tpu.memory_space<hbm>>)
        tpu.yield
      }) : () -> ()
    } else {
    }
    %eq3A_25 = arith.constant 15 : i32
    %eq3A_26 = arith.cmpi eq, %arg1, %eq3A_25 : i32
    %convert_element_type3A_27 = arith.extui %eq3A_26 : i1 to i32
    %cond3A_28 = arith.constant 0 : i32
    %cond3A_29 = arith.cmpi ne, %convert_element_type3A_27, %cond3A_28 : i32
    scf.if %cond3A_29 {
      "tpu.region"() ({
        %run_scoped3A = tpu.sem_alloc : memref<!tpu.dma_semaphore, #tpu.memory_space<semaphore_mem>>
        %dma_start3A_30 = arith.constant 0 : i32
        %dma_start3A_31 = tpu.memref_slice %arg5[%arg0, %mul3A_4, %dma_start3A_30] : memref<2x10000x128xf32, #tpu.memory_space<hbm>> -> memref<1x640x128xf32, #tpu.memory_space<hbm>>
        %dma_start3A_32 = tpu.memref_squeeze %dma_start3A_31 : memref<1x640x128xf32, #tpu.memory_space<hbm>> -> memref<640x128xf32, #tpu.memory_space<hbm>>
        %dma_start3A_33 = arith.constant 0 : i32
        %dma_start3A_34 = tpu.memref_slice %arg9[%mul3A_4, %dma_start3A_33] : memref<10000x128xf32, #tpu.memory_space<vmem_shared>> -> memref<640x128xf32, #tpu.memory_space<vmem_shared>>
        tpu.enqueue_dma source(%dma_start3A_34 : memref<640x128xf32, #tpu.memory_space<vmem_shared>>) target(%dma_start3A_32 : memref<640x128xf32, #tpu.memory_space<hbm>>) target_semaphore(%run_scoped3A : memref<!tpu.dma_semaphore, #tpu.memory_space<semaphore_mem>>)
        %dma_wait3A = arith.constant 0 : i32
        %dma_wait3A_35 = tpu.memref_slice %arg5[%arg0, %mul3A_4, %dma_wait3A] : memref<2x10000x128xf32, #tpu.memory_space<hbm>> -> memref<1x640x128xf32, #tpu.memory_space<hbm>>
        %dma_wait3A_36 = tpu.memref_squeeze %dma_wait3A_35 : memref<1x640x128xf32, #tpu.memory_space<hbm>> -> memref<640x128xf32, #tpu.memory_space<hbm>>
        %dma_wait3A_37 = arith.constant 0 : i32
        %dma_wait3A_38 = tpu.memref_slice %arg9[%mul3A_4, %dma_wait3A_37] : memref<10000x128xf32, #tpu.memory_space<vmem_shared>> -> memref<640x128xf32, #tpu.memory_space<vmem_shared>>
        tpu.wait_dma2 semaphore(%run_scoped3A : memref<!tpu.dma_semaphore, #tpu.memory_space<semaphore_mem>>) src(%dma_wait3A_38 : memref<640x128xf32, #tpu.memory_space<vmem_shared>>) dst(%dma_wait3A_36 : memref<640x128xf32, #tpu.memory_space<hbm>>)
        tpu.yield
      }) : () -> ()
    } else {
    }
    return
  }
}

module attributes {stable_mosaic.version = 14 : i64} {
  func.func @_msg_body(%arg0: i32, %arg1: memref<16x2560xf32, #tpu.memory_space<vmem>>, %arg2: memref<1x1x2560xf32, #tpu.memory_space<vmem>>, %arg3: memref<1x1x2560xi32, #tpu.memory_space<vmem>>, %arg4: memref<16x128xf32, #tpu.memory_space<vmem>>, %arg5: memref<1x128xf32, #tpu.memory_space<vmem>>, %arg6: memref<128x128xf32, #tpu.memory_space<vmem>>, %arg7: memref<2560x128xf32, #tpu.memory_space<vmem>>) attributes {dimension_semantics = [#tpu.dimension_semantics<parallel>], iteration_bounds = array<i64: 65>, scalar_prefetch = 0 : i64, scratch_operands = 0 : i64, tpu.core_type = #tpu.core_type<tc>, window_params = [{transform_indices = @transform_0, window_bounds = array<i64: 16, 2560>}, {transform_indices = @transform_1, window_bounds = array<i64: 1, 1, 2560>}, {transform_indices = @transform_2, window_bounds = array<i64: 1, 1, 2560>}, {pipeline_mode = #tpu.pipeline_mode<synchronous>, transform_indices = @transform_3, window_bounds = array<i64: 16, 128>}, {pipeline_mode = #tpu.pipeline_mode<synchronous>, transform_indices = @transform_4, window_bounds = array<i64: 1, 128>}, {pipeline_mode = #tpu.pipeline_mode<synchronous>, transform_indices = @transform_5, window_bounds = array<i64: 128, 128>}, {transform_indices = @transform_6, window_bounds = array<i64: 2560, 128>}]} {
    %get3A = arith.constant 0 : index
    %get3A_0 = arith.constant 0 : index
    %get3A_1 = arith.constant 0 : index
    %get3A_2 = vector.load %arg2[%get3A, %get3A_0, %get3A_1] : memref<1x1x2560xf32, #tpu.memory_space<vmem>>, vector<1x1x512xf32>
    %get3A_3 = vector.shape_cast %get3A_2 : vector<1x1x512xf32> to vector<512xf32>
    %mul3A = arith.constant 3.14159274 : f32
    %mul3A_4 = vector.broadcast %mul3A : f32 to vector<512xf32>
    %mul3A_5 = arith.mulf %mul3A_4, %get3A_3 : vector<512xf32>
    %div3A = arith.constant 5.000000e+00 : f32
    %div3A_6 = vector.broadcast %div3A : f32 to vector<512xf32>
    %div3A_7 = arith.divf %mul3A_5, %div3A_6 : vector<512xf32>
    %cos3A = math.cos %div3A_7 : vector<512xf32>
    %add3A = arith.constant 1.000000e+00 : f32
    %add3A_8 = vector.broadcast %add3A : f32 to vector<512xf32>
    %add3A_9 = arith.addf %cos3A, %add3A_8 : vector<512xf32>
    %mul3A_10 = arith.constant 5.000000e-01 : f32
    %mul3A_11 = vector.broadcast %mul3A_10 : f32 to vector<512xf32>
    %mul3A_12 = arith.mulf %mul3A_11, %add3A_9 : vector<512xf32>
    %lt3A = arith.constant 5.000000e+00 : f32
    %lt3A_13 = vector.broadcast %lt3A : f32 to vector<512xf32>
    %lt3A_14 = arith.cmpf olt, %get3A_3, %lt3A_13 : vector<512xf32>
    %convert_element_type3A = arith.extui %lt3A_14 : vector<512xi1> to vector<512xi32>
    %convert_element_type3A_15 = arith.sitofp %convert_element_type3A : vector<512xi32> to vector<512xf32>
    %mul3A_16 = arith.mulf %mul3A_12, %convert_element_type3A_15 : vector<512xf32>
    %get3A_17 = arith.constant 0 : index
    %get3A_18 = arith.constant 0 : index
    %get3A_19 = vector.load %arg1[%get3A_17, %get3A_18] : memref<16x2560xf32, #tpu.memory_space<vmem>>, vector<16x512xf32>
    %get3A_20 = arith.constant 0 : index
    %get3A_21 = arith.constant 0 : index
    %get3A_22 = vector.load %arg4[%get3A_20, %get3A_21] : memref<16x128xf32, #tpu.memory_space<vmem>>, vector<16x128xf32>
    %dot_general3A = arith.constant dense<0.000000e+00> : vector<512x128xf32>
    %dot_general3A_23 = tpu.matmul %get3A_19, %get3A_22, %dot_general3A {dimension_numbers = #tpu.dot_dimension_numbers<[0], [0], [1], [1], [0, 1, 1, 1], [], []>, transpose_lhs_hint = false} : vector<16x512xf32>, vector<16x128xf32>, vector<512x128xf32> -> vector<512x128xf32>
    %get3A_24 = arith.constant 0 : index
    %get3A_25 = arith.constant 0 : index
    %get3A_26 = vector.load %arg5[%get3A_24, %get3A_25] : memref<1x128xf32, #tpu.memory_space<vmem>>, vector<1x128xf32>
    %add3A_27 = vector.broadcast %get3A_26 : vector<1x128xf32> to vector<512x128xf32>
    %add3A_28 = arith.addf %dot_general3A_23, %add3A_27 : vector<512x128xf32>
    %iota3A = tpu.iota {dimensions = array<i32: 0>} : vector<128x512xi32>
    %get3A_29 = arith.constant 0 : index
    %get3A_30 = arith.constant 0 : index
    %get3A_31 = arith.constant 0 : index
    %get3A_32 = vector.load %arg3[%get3A_29, %get3A_30, %get3A_31] : memref<1x1x2560xi32, #tpu.memory_space<vmem>>, vector<1x1x512xi32>
    %get3A_33 = vector.shape_cast %get3A_32 : vector<1x1x512xi32> to vector<512xi32>
    %broadcast_in_dim3A = vector.shape_cast %get3A_33 : vector<512xi32> to vector<1x512xi32>
    %eq3A = vector.broadcast %broadcast_in_dim3A : vector<1x512xi32> to vector<128x512xi32>
    %eq3A_34 = arith.cmpi eq, %iota3A, %eq3A : vector<128x512xi32>
    %convert_element_type3A_35 = arith.extui %eq3A_34 : vector<128x512xi1> to vector<128x512xi32>
    %convert_element_type3A_36 = arith.sitofp %convert_element_type3A_35 : vector<128x512xi32> to vector<128x512xf32>
    %broadcast_in_dim3A_37 = vector.shape_cast %mul3A_16 : vector<512xf32> to vector<1x512xf32>
    %mul3A_38 = vector.broadcast %broadcast_in_dim3A_37 : vector<1x512xf32> to vector<128x512xf32>
    %mul3A_39 = arith.mulf %convert_element_type3A_36, %mul3A_38 : vector<128x512xf32>
    %get3A_40 = arith.constant 0 : index
    %get3A_41 = arith.constant 0 : index
    %get3A_42 = vector.load %arg6[%get3A_40, %get3A_41] : memref<128x128xf32, #tpu.memory_space<vmem>>, vector<128x128xf32>
    %dot_general3A_43 = arith.constant dense<0.000000e+00> : vector<512x128xf32>
    %dot_general3A_44 = tpu.matmul %mul3A_39, %get3A_42, %dot_general3A_43 {dimension_numbers = #tpu.dot_dimension_numbers<[0], [0], [1], [1], [0, 1, 1, 1], [], []>, transpose_lhs_hint = false} : vector<128x512xf32>, vector<128x128xf32>, vector<512x128xf32> -> vector<512x128xf32>
    %mul3A_45 = arith.mulf %add3A_28, %dot_general3A_44 : vector<512x128xf32>
    %swap3A = arith.constant 0 : index
    %swap3A_46 = arith.constant 0 : index
    %swap3A_47 = vector.load %arg7[%swap3A, %swap3A_46] : memref<2560x128xf32, #tpu.memory_space<vmem>>, vector<512x128xf32>
    tpu.vector_store %arg7[%swap3A, %swap3A_46], %mul3A_45 {strides = array<i32>} : memref<2560x128xf32, #tpu.memory_space<vmem>>, vector<512x128xf32>,
    %get3A_48 = arith.constant 0 : index
    %get3A_49 = arith.constant 0 : index
    %get3A_50 = arith.constant 512 : index
    %get3A_51 = vector.load %arg2[%get3A_48, %get3A_49, %get3A_50] : memref<1x1x2560xf32, #tpu.memory_space<vmem>>, vector<1x1x512xf32>
    %get3A_52 = vector.shape_cast %get3A_51 : vector<1x1x512xf32> to vector<512xf32>
    %mul3A_53 = arith.constant 3.14159274 : f32
    %mul3A_54 = vector.broadcast %mul3A_53 : f32 to vector<512xf32>
    %mul3A_55 = arith.mulf %mul3A_54, %get3A_52 : vector<512xf32>
    %div3A_56 = arith.constant 5.000000e+00 : f32
    %div3A_57 = vector.broadcast %div3A_56 : f32 to vector<512xf32>
    %div3A_58 = arith.divf %mul3A_55, %div3A_57 : vector<512xf32>
    %cos3A_59 = math.cos %div3A_58 : vector<512xf32>
    %add3A_60 = arith.constant 1.000000e+00 : f32
    %add3A_61 = vector.broadcast %add3A_60 : f32 to vector<512xf32>
    %add3A_62 = arith.addf %cos3A_59, %add3A_61 : vector<512xf32>
    %mul3A_63 = arith.constant 5.000000e-01 : f32
    %mul3A_64 = vector.broadcast %mul3A_63 : f32 to vector<512xf32>
    %mul3A_65 = arith.mulf %mul3A_64, %add3A_62 : vector<512xf32>
    %lt3A_66 = arith.constant 5.000000e+00 : f32
    %lt3A_67 = vector.broadcast %lt3A_66 : f32 to vector<512xf32>
    %lt3A_68 = arith.cmpf olt, %get3A_52, %lt3A_67 : vector<512xf32>
    %convert_element_type3A_69 = arith.extui %lt3A_68 : vector<512xi1> to vector<512xi32>
    %convert_element_type3A_70 = arith.sitofp %convert_element_type3A_69 : vector<512xi32> to vector<512xf32>
    %mul3A_71 = arith.mulf %mul3A_65, %convert_element_type3A_70 : vector<512xf32>
    %get3A_72 = arith.constant 0 : index
    %get3A_73 = arith.constant 512 : index
    %get3A_74 = vector.load %arg1[%get3A_72, %get3A_73] : memref<16x2560xf32, #tpu.memory_space<vmem>>, vector<16x512xf32>
    %get3A_75 = arith.constant 0 : index
    %get3A_76 = arith.constant 0 : index
    %get3A_77 = vector.load %arg4[%get3A_75, %get3A_76] : memref<16x128xf32, #tpu.memory_space<vmem>>, vector<16x128xf32>
    %dot_general3A_78 = arith.constant dense<0.000000e+00> : vector<512x128xf32>
    %dot_general3A_79 = tpu.matmul %get3A_74, %get3A_77, %dot_general3A_78 {dimension_numbers = #tpu.dot_dimension_numbers<[0], [0], [1], [1], [0, 1, 1, 1], [], []>, transpose_lhs_hint = false} : vector<16x512xf32>, vector<16x128xf32>, vector<512x128xf32> -> vector<512x128xf32>
    %get3A_80 = arith.constant 0 : index
    %get3A_81 = arith.constant 0 : index
    %get3A_82 = vector.load %arg5[%get3A_80, %get3A_81] : memref<1x128xf32, #tpu.memory_space<vmem>>, vector<1x128xf32>
    %add3A_83 = vector.broadcast %get3A_82 : vector<1x128xf32> to vector<512x128xf32>
    %add3A_84 = arith.addf %dot_general3A_79, %add3A_83 : vector<512x128xf32>
    %iota3A_85 = tpu.iota {dimensions = array<i32: 0>} : vector<128x512xi32>
    %get3A_86 = arith.constant 0 : index
    %get3A_87 = arith.constant 0 : index
    %get3A_88 = arith.constant 512 : index
    %get3A_89 = vector.load %arg3[%get3A_86, %get3A_87, %get3A_88] : memref<1x1x2560xi32, #tpu.memory_space<vmem>>, vector<1x1x512xi32>
    %get3A_90 = vector.shape_cast %get3A_89 : vector<1x1x512xi32> to vector<512xi32>
    %broadcast_in_dim3A_91 = vector.shape_cast %get3A_90 : vector<512xi32> to vector<1x512xi32>
    %eq3A_92 = vector.broadcast %broadcast_in_dim3A_91 : vector<1x512xi32> to vector<128x512xi32>
    %eq3A_93 = arith.cmpi eq, %iota3A_85, %eq3A_92 : vector<128x512xi32>
    %convert_element_type3A_94 = arith.extui %eq3A_93 : vector<128x512xi1> to vector<128x512xi32>
    %convert_element_type3A_95 = arith.sitofp %convert_element_type3A_94 : vector<128x512xi32> to vector<128x512xf32>
    %broadcast_in_dim3A_96 = vector.shape_cast %mul3A_71 : vector<512xf32> to vector<1x512xf32>
    %mul3A_97 = vector.broadcast %broadcast_in_dim3A_96 : vector<1x512xf32> to vector<128x512xf32>
    %mul3A_98 = arith.mulf %convert_element_type3A_95, %mul3A_97 : vector<128x512xf32>
    %get3A_99 = arith.constant 0 : index
    %get3A_100 = arith.constant 0 : index
    %get3A_101 = vector.load %arg6[%get3A_99, %get3A_100] : memref<128x128xf32, #tpu.memory_space<vmem>>, vector<128x128xf32>
    %dot_general3A_102 = arith.constant dense<0.000000e+00> : vector<512x128xf32>
    %dot_general3A_103 = tpu.matmul %mul3A_98, %get3A_101, %dot_general3A_102 {dimension_numbers = #tpu.dot_dimension_numbers<[0], [0], [1], [1], [0, 1, 1, 1], [], []>, transpose_lhs_hint = false} : vector<128x512xf32>, vector<128x128xf32>, vector<512x128xf32> -> vector<512x128xf32>
    %mul3A_104 = arith.mulf %add3A_84, %dot_general3A_103 : vector<512x128xf32>
    %swap3A_105 = arith.constant 512 : index
    %swap3A_106 = arith.constant 0 : index
    %swap3A_107 = vector.load %arg7[%swap3A_105, %swap3A_106] : memref<2560x128xf32, #tpu.memory_space<vmem>>, vector<512x128xf32>
    tpu.vector_store %arg7[%swap3A_105, %swap3A_106], %mul3A_104 {strides = array<i32>} : memref<2560x128xf32, #tpu.memory_space<vmem>>, vector<512x128xf32>,
    %get3A_108 = arith.constant 0 : index
    %get3A_109 = arith.constant 0 : index
    %get3A_110 = arith.constant 1024 : index
    %get3A_111 = vector.load %arg2[%get3A_108, %get3A_109, %get3A_110] : memref<1x1x2560xf32, #tpu.memory_space<vmem>>, vector<1x1x512xf32>
    %get3A_112 = vector.shape_cast %get3A_111 : vector<1x1x512xf32> to vector<512xf32>
    %mul3A_113 = arith.constant 3.14159274 : f32
    %mul3A_114 = vector.broadcast %mul3A_113 : f32 to vector<512xf32>
    %mul3A_115 = arith.mulf %mul3A_114, %get3A_112 : vector<512xf32>
    %div3A_116 = arith.constant 5.000000e+00 : f32
    %div3A_117 = vector.broadcast %div3A_116 : f32 to vector<512xf32>
    %div3A_118 = arith.divf %mul3A_115, %div3A_117 : vector<512xf32>
    %cos3A_119 = math.cos %div3A_118 : vector<512xf32>
    %add3A_120 = arith.constant 1.000000e+00 : f32
    %add3A_121 = vector.broadcast %add3A_120 : f32 to vector<512xf32>
    %add3A_122 = arith.addf %cos3A_119, %add3A_121 : vector<512xf32>
    %mul3A_123 = arith.constant 5.000000e-01 : f32
    %mul3A_124 = vector.broadcast %mul3A_123 : f32 to vector<512xf32>
    %mul3A_125 = arith.mulf %mul3A_124, %add3A_122 : vector<512xf32>
    %lt3A_126 = arith.constant 5.000000e+00 : f32
    %lt3A_127 = vector.broadcast %lt3A_126 : f32 to vector<512xf32>
    %lt3A_128 = arith.cmpf olt, %get3A_112, %lt3A_127 : vector<512xf32>
    %convert_element_type3A_129 = arith.extui %lt3A_128 : vector<512xi1> to vector<512xi32>
    %convert_element_type3A_130 = arith.sitofp %convert_element_type3A_129 : vector<512xi32> to vector<512xf32>
    %mul3A_131 = arith.mulf %mul3A_125, %convert_element_type3A_130 : vector<512xf32>
    %get3A_132 = arith.constant 0 : index
    %get3A_133 = arith.constant 1024 : index
    %get3A_134 = vector.load %arg1[%get3A_132, %get3A_133] : memref<16x2560xf32, #tpu.memory_space<vmem>>, vector<16x512xf32>
    %get3A_135 = arith.constant 0 : index
    %get3A_136 = arith.constant 0 : index
    %get3A_137 = vector.load %arg4[%get3A_135, %get3A_136] : memref<16x128xf32, #tpu.memory_space<vmem>>, vector<16x128xf32>
    %dot_general3A_138 = arith.constant dense<0.000000e+00> : vector<512x128xf32>
    %dot_general3A_139 = tpu.matmul %get3A_134, %get3A_137, %dot_general3A_138 {dimension_numbers = #tpu.dot_dimension_numbers<[0], [0], [1], [1], [0, 1, 1, 1], [], []>, transpose_lhs_hint = false} : vector<16x512xf32>, vector<16x128xf32>, vector<512x128xf32> -> vector<512x128xf32>
    %get3A_140 = arith.constant 0 : index
    %get3A_141 = arith.constant 0 : index
    %get3A_142 = vector.load %arg5[%get3A_140, %get3A_141] : memref<1x128xf32, #tpu.memory_space<vmem>>, vector<1x128xf32>
    %add3A_143 = vector.broadcast %get3A_142 : vector<1x128xf32> to vector<512x128xf32>
    %add3A_144 = arith.addf %dot_general3A_139, %add3A_143 : vector<512x128xf32>
    %iota3A_145 = tpu.iota {dimensions = array<i32: 0>} : vector<128x512xi32>
    %get3A_146 = arith.constant 0 : index
    %get3A_147 = arith.constant 0 : index
    %get3A_148 = arith.constant 1024 : index
    %get3A_149 = vector.load %arg3[%get3A_146, %get3A_147, %get3A_148] : memref<1x1x2560xi32, #tpu.memory_space<vmem>>, vector<1x1x512xi32>
    %get3A_150 = vector.shape_cast %get3A_149 : vector<1x1x512xi32> to vector<512xi32>
    %broadcast_in_dim3A_151 = vector.shape_cast %get3A_150 : vector<512xi32> to vector<1x512xi32>
    %eq3A_152 = vector.broadcast %broadcast_in_dim3A_151 : vector<1x512xi32> to vector<128x512xi32>
    %eq3A_153 = arith.cmpi eq, %iota3A_145, %eq3A_152 : vector<128x512xi32>
    %convert_element_type3A_154 = arith.extui %eq3A_153 : vector<128x512xi1> to vector<128x512xi32>
    %convert_element_type3A_155 = arith.sitofp %convert_element_type3A_154 : vector<128x512xi32> to vector<128x512xf32>
    %broadcast_in_dim3A_156 = vector.shape_cast %mul3A_131 : vector<512xf32> to vector<1x512xf32>
    %mul3A_157 = vector.broadcast %broadcast_in_dim3A_156 : vector<1x512xf32> to vector<128x512xf32>
    %mul3A_158 = arith.mulf %convert_element_type3A_155, %mul3A_157 : vector<128x512xf32>
    %get3A_159 = arith.constant 0 : index
    %get3A_160 = arith.constant 0 : index
    %get3A_161 = vector.load %arg6[%get3A_159, %get3A_160] : memref<128x128xf32, #tpu.memory_space<vmem>>, vector<128x128xf32>
    %dot_general3A_162 = arith.constant dense<0.000000e+00> : vector<512x128xf32>
    %dot_general3A_163 = tpu.matmul %mul3A_158, %get3A_161, %dot_general3A_162 {dimension_numbers = #tpu.dot_dimension_numbers<[0], [0], [1], [1], [0, 1, 1, 1], [], []>, transpose_lhs_hint = false} : vector<128x512xf32>, vector<128x128xf32>, vector<512x128xf32> -> vector<512x128xf32>
    %mul3A_164 = arith.mulf %add3A_144, %dot_general3A_163 : vector<512x128xf32>
    %swap3A_165 = arith.constant 1024 : index
    %swap3A_166 = arith.constant 0 : index
    %swap3A_167 = vector.load %arg7[%swap3A_165, %swap3A_166] : memref<2560x128xf32, #tpu.memory_space<vmem>>, vector<512x128xf32>
    tpu.vector_store %arg7[%swap3A_165, %swap3A_166], %mul3A_164 {strides = array<i32>} : memref<2560x128xf32, #tpu.memory_space<vmem>>, vector<512x128xf32>,
    %get3A_168 = arith.constant 0 : index
    %get3A_169 = arith.constant 0 : index
    %get3A_170 = arith.constant 1536 : index
    %get3A_171 = vector.load %arg2[%get3A_168, %get3A_169, %get3A_170] : memref<1x1x2560xf32, #tpu.memory_space<vmem>>, vector<1x1x512xf32>
    %get3A_172 = vector.shape_cast %get3A_171 : vector<1x1x512xf32> to vector<512xf32>
    %mul3A_173 = arith.constant 3.14159274 : f32
    %mul3A_174 = vector.broadcast %mul3A_173 : f32 to vector<512xf32>
    %mul3A_175 = arith.mulf %mul3A_174, %get3A_172 : vector<512xf32>
    %div3A_176 = arith.constant 5.000000e+00 : f32
    %div3A_177 = vector.broadcast %div3A_176 : f32 to vector<512xf32>
    %div3A_178 = arith.divf %mul3A_175, %div3A_177 : vector<512xf32>
    %cos3A_179 = math.cos %div3A_178 : vector<512xf32>
    %add3A_180 = arith.constant 1.000000e+00 : f32
    %add3A_181 = vector.broadcast %add3A_180 : f32 to vector<512xf32>
    %add3A_182 = arith.addf %cos3A_179, %add3A_181 : vector<512xf32>
    %mul3A_183 = arith.constant 5.000000e-01 : f32
    %mul3A_184 = vector.broadcast %mul3A_183 : f32 to vector<512xf32>
    %mul3A_185 = arith.mulf %mul3A_184, %add3A_182 : vector<512xf32>
    %lt3A_186 = arith.constant 5.000000e+00 : f32
    %lt3A_187 = vector.broadcast %lt3A_186 : f32 to vector<512xf32>
    %lt3A_188 = arith.cmpf olt, %get3A_172, %lt3A_187 : vector<512xf32>
    %convert_element_type3A_189 = arith.extui %lt3A_188 : vector<512xi1> to vector<512xi32>
    %convert_element_type3A_190 = arith.sitofp %convert_element_type3A_189 : vector<512xi32> to vector<512xf32>
    %mul3A_191 = arith.mulf %mul3A_185, %convert_element_type3A_190 : vector<512xf32>
    %get3A_192 = arith.constant 0 : index
    %get3A_193 = arith.constant 1536 : index
    %get3A_194 = vector.load %arg1[%get3A_192, %get3A_193] : memref<16x2560xf32, #tpu.memory_space<vmem>>, vector<16x512xf32>
    %get3A_195 = arith.constant 0 : index
    %get3A_196 = arith.constant 0 : index
    %get3A_197 = vector.load %arg4[%get3A_195, %get3A_196] : memref<16x128xf32, #tpu.memory_space<vmem>>, vector<16x128xf32>
    %dot_general3A_198 = arith.constant dense<0.000000e+00> : vector<512x128xf32>
    %dot_general3A_199 = tpu.matmul %get3A_194, %get3A_197, %dot_general3A_198 {dimension_numbers = #tpu.dot_dimension_numbers<[0], [0], [1], [1], [0, 1, 1, 1], [], []>, transpose_lhs_hint = false} : vector<16x512xf32>, vector<16x128xf32>, vector<512x128xf32> -> vector<512x128xf32>
    %get3A_200 = arith.constant 0 : index
    %get3A_201 = arith.constant 0 : index
    %get3A_202 = vector.load %arg5[%get3A_200, %get3A_201] : memref<1x128xf32, #tpu.memory_space<vmem>>, vector<1x128xf32>
    %add3A_203 = vector.broadcast %get3A_202 : vector<1x128xf32> to vector<512x128xf32>
    %add3A_204 = arith.addf %dot_general3A_199, %add3A_203 : vector<512x128xf32>
    %iota3A_205 = tpu.iota {dimensions = array<i32: 0>} : vector<128x512xi32>
    %get3A_206 = arith.constant 0 : index
    %get3A_207 = arith.constant 0 : index
    %get3A_208 = arith.constant 1536 : index
    %get3A_209 = vector.load %arg3[%get3A_206, %get3A_207, %get3A_208] : memref<1x1x2560xi32, #tpu.memory_space<vmem>>, vector<1x1x512xi32>
    %get3A_210 = vector.shape_cast %get3A_209 : vector<1x1x512xi32> to vector<512xi32>
    %broadcast_in_dim3A_211 = vector.shape_cast %get3A_210 : vector<512xi32> to vector<1x512xi32>
    %eq3A_212 = vector.broadcast %broadcast_in_dim3A_211 : vector<1x512xi32> to vector<128x512xi32>
    %eq3A_213 = arith.cmpi eq, %iota3A_205, %eq3A_212 : vector<128x512xi32>
    %convert_element_type3A_214 = arith.extui %eq3A_213 : vector<128x512xi1> to vector<128x512xi32>
    %convert_element_type3A_215 = arith.sitofp %convert_element_type3A_214 : vector<128x512xi32> to vector<128x512xf32>
    %broadcast_in_dim3A_216 = vector.shape_cast %mul3A_191 : vector<512xf32> to vector<1x512xf32>
    %mul3A_217 = vector.broadcast %broadcast_in_dim3A_216 : vector<1x512xf32> to vector<128x512xf32>
    %mul3A_218 = arith.mulf %convert_element_type3A_215, %mul3A_217 : vector<128x512xf32>
    %get3A_219 = arith.constant 0 : index
    %get3A_220 = arith.constant 0 : index
    %get3A_221 = vector.load %arg6[%get3A_219, %get3A_220] : memref<128x128xf32, #tpu.memory_space<vmem>>, vector<128x128xf32>
    %dot_general3A_222 = arith.constant dense<0.000000e+00> : vector<512x128xf32>
    %dot_general3A_223 = tpu.matmul %mul3A_218, %get3A_221, %dot_general3A_222 {dimension_numbers = #tpu.dot_dimension_numbers<[0], [0], [1], [1], [0, 1, 1, 1], [], []>, transpose_lhs_hint = false} : vector<128x512xf32>, vector<128x128xf32>, vector<512x128xf32> -> vector<512x128xf32>
    %mul3A_224 = arith.mulf %add3A_204, %dot_general3A_223 : vector<512x128xf32>
    %swap3A_225 = arith.constant 1536 : index
    %swap3A_226 = arith.constant 0 : index
    %swap3A_227 = vector.load %arg7[%swap3A_225, %swap3A_226] : memref<2560x128xf32, #tpu.memory_space<vmem>>, vector<512x128xf32>
    tpu.vector_store %arg7[%swap3A_225, %swap3A_226], %mul3A_224 {strides = array<i32>} : memref<2560x128xf32, #tpu.memory_space<vmem>>, vector<512x128xf32>,
    %get3A_228 = arith.constant 0 : index
    %get3A_229 = arith.constant 0 : index
    %get3A_230 = arith.constant 2048 : index
    %get3A_231 = vector.load %arg2[%get3A_228, %get3A_229, %get3A_230] : memref<1x1x2560xf32, #tpu.memory_space<vmem>>, vector<1x1x512xf32>
    %get3A_232 = vector.shape_cast %get3A_231 : vector<1x1x512xf32> to vector<512xf32>
    %mul3A_233 = arith.constant 3.14159274 : f32
    %mul3A_234 = vector.broadcast %mul3A_233 : f32 to vector<512xf32>
    %mul3A_235 = arith.mulf %mul3A_234, %get3A_232 : vector<512xf32>
    %div3A_236 = arith.constant 5.000000e+00 : f32
    %div3A_237 = vector.broadcast %div3A_236 : f32 to vector<512xf32>
    %div3A_238 = arith.divf %mul3A_235, %div3A_237 : vector<512xf32>
    %cos3A_239 = math.cos %div3A_238 : vector<512xf32>
    %add3A_240 = arith.constant 1.000000e+00 : f32
    %add3A_241 = vector.broadcast %add3A_240 : f32 to vector<512xf32>
    %add3A_242 = arith.addf %cos3A_239, %add3A_241 : vector<512xf32>
    %mul3A_243 = arith.constant 5.000000e-01 : f32
    %mul3A_244 = vector.broadcast %mul3A_243 : f32 to vector<512xf32>
    %mul3A_245 = arith.mulf %mul3A_244, %add3A_242 : vector<512xf32>
    %lt3A_246 = arith.constant 5.000000e+00 : f32
    %lt3A_247 = vector.broadcast %lt3A_246 : f32 to vector<512xf32>
    %lt3A_248 = arith.cmpf olt, %get3A_232, %lt3A_247 : vector<512xf32>
    %convert_element_type3A_249 = arith.extui %lt3A_248 : vector<512xi1> to vector<512xi32>
    %convert_element_type3A_250 = arith.sitofp %convert_element_type3A_249 : vector<512xi32> to vector<512xf32>
    %mul3A_251 = arith.mulf %mul3A_245, %convert_element_type3A_250 : vector<512xf32>
    %get3A_252 = arith.constant 0 : index
    %get3A_253 = arith.constant 2048 : index
    %get3A_254 = vector.load %arg1[%get3A_252, %get3A_253] : memref<16x2560xf32, #tpu.memory_space<vmem>>, vector<16x512xf32>
    %get3A_255 = arith.constant 0 : index
    %get3A_256 = arith.constant 0 : index
    %get3A_257 = vector.load %arg4[%get3A_255, %get3A_256] : memref<16x128xf32, #tpu.memory_space<vmem>>, vector<16x128xf32>
    %dot_general3A_258 = arith.constant dense<0.000000e+00> : vector<512x128xf32>
    %dot_general3A_259 = tpu.matmul %get3A_254, %get3A_257, %dot_general3A_258 {dimension_numbers = #tpu.dot_dimension_numbers<[0], [0], [1], [1], [0, 1, 1, 1], [], []>, transpose_lhs_hint = false} : vector<16x512xf32>, vector<16x128xf32>, vector<512x128xf32> -> vector<512x128xf32>
    %get3A_260 = arith.constant 0 : index
    %get3A_261 = arith.constant 0 : index
    %get3A_262 = vector.load %arg5[%get3A_260, %get3A_261] : memref<1x128xf32, #tpu.memory_space<vmem>>, vector<1x128xf32>
    %add3A_263 = vector.broadcast %get3A_262 : vector<1x128xf32> to vector<512x128xf32>
    %add3A_264 = arith.addf %dot_general3A_259, %add3A_263 : vector<512x128xf32>
    %iota3A_265 = tpu.iota {dimensions = array<i32: 0>} : vector<128x512xi32>
    %get3A_266 = arith.constant 0 : index
    %get3A_267 = arith.constant 0 : index
    %get3A_268 = arith.constant 2048 : index
    %get3A_269 = vector.load %arg3[%get3A_266, %get3A_267, %get3A_268] : memref<1x1x2560xi32, #tpu.memory_space<vmem>>, vector<1x1x512xi32>
    %get3A_270 = vector.shape_cast %get3A_269 : vector<1x1x512xi32> to vector<512xi32>
    %broadcast_in_dim3A_271 = vector.shape_cast %get3A_270 : vector<512xi32> to vector<1x512xi32>
    %eq3A_272 = vector.broadcast %broadcast_in_dim3A_271 : vector<1x512xi32> to vector<128x512xi32>
    %eq3A_273 = arith.cmpi eq, %iota3A_265, %eq3A_272 : vector<128x512xi32>
    %convert_element_type3A_274 = arith.extui %eq3A_273 : vector<128x512xi1> to vector<128x512xi32>
    %convert_element_type3A_275 = arith.sitofp %convert_element_type3A_274 : vector<128x512xi32> to vector<128x512xf32>
    %broadcast_in_dim3A_276 = vector.shape_cast %mul3A_251 : vector<512xf32> to vector<1x512xf32>
    %mul3A_277 = vector.broadcast %broadcast_in_dim3A_276 : vector<1x512xf32> to vector<128x512xf32>
    %mul3A_278 = arith.mulf %convert_element_type3A_275, %mul3A_277 : vector<128x512xf32>
    %get3A_279 = arith.constant 0 : index
    %get3A_280 = arith.constant 0 : index
    %get3A_281 = vector.load %arg6[%get3A_279, %get3A_280] : memref<128x128xf32, #tpu.memory_space<vmem>>, vector<128x128xf32>
    %dot_general3A_282 = arith.constant dense<0.000000e+00> : vector<512x128xf32>
    %dot_general3A_283 = tpu.matmul %mul3A_278, %get3A_281, %dot_general3A_282 {dimension_numbers = #tpu.dot_dimension_numbers<[0], [0], [1], [1], [0, 1, 1, 1], [], []>, transpose_lhs_hint = false} : vector<128x512xf32>, vector<128x128xf32>, vector<512x128xf32> -> vector<512x128xf32>
    %mul3A_284 = arith.mulf %add3A_264, %dot_general3A_283 : vector<512x128xf32>
    %swap3A_285 = arith.constant 2048 : index
    %swap3A_286 = arith.constant 0 : index
    %swap3A_287 = vector.load %arg7[%swap3A_285, %swap3A_286] : memref<2560x128xf32, #tpu.memory_space<vmem>>, vector<512x128xf32>
    tpu.vector_store %arg7[%swap3A_285, %swap3A_286], %mul3A_284 {strides = array<i32>} : memref<2560x128xf32, #tpu.memory_space<vmem>>, vector<512x128xf32>,
    return
  }
  func.func @transform_0(%arg0: i32) -> (i32, i32) {
    %add3A = arith.constant 60 : i32
    %add3A_0 = arith.addi %arg0, %add3A : i32
    %c0_i32 = arith.constant 0 : i32
    %c0_i32_1 = arith.constant 0 : i32
    return %c0_i32, %add3A_0 : i32, i32
  }
  func.func @transform_1(%arg0: i32) -> (i32, i32, i32) {
    %add3A = arith.constant 60 : i32
    %add3A_0 = arith.addi %arg0, %add3A : i32
    %c0_i32 = arith.constant 0 : i32
    %c0_i32_1 = arith.constant 0 : i32
    %c0_i32_2 = arith.constant 0 : i32
    return %add3A_0, %c0_i32, %c0_i32_1 : i32, i32, i32
  }
  func.func @transform_2(%arg0: i32) -> (i32, i32, i32) {
    %c0_i32 = arith.constant 0 : i32
    %c0_i32_0 = arith.constant 0 : i32
    %c0_i32_1 = arith.constant 0 : i32
    return %arg0, %c0_i32, %c0_i32_0 : i32, i32, i32
  }
  func.func @transform_3(%arg0: i32) -> (i32, i32) {
    %c0_i32 = arith.constant 0 : i32
    %c0_i32_0 = arith.constant 0 : i32
    %c0_i32_1 = arith.constant 0 : i32
    return %c0_i32, %c0_i32_0 : i32, i32
  }
  func.func @transform_4(%arg0: i32) -> (i32, i32) {
    %c0_i32 = arith.constant 0 : i32
    %c0_i32_0 = arith.constant 0 : i32
    %c0_i32_1 = arith.constant 0 : i32
    return %c0_i32, %c0_i32_0 : i32, i32
  }
  func.func @transform_5(%arg0: i32) -> (i32, i32) {
    %c0_i32 = arith.constant 0 : i32
    %c0_i32_0 = arith.constant 0 : i32
    %c0_i32_1 = arith.constant 0 : i32
    return %c0_i32, %c0_i32_0 : i32, i32
  }
  func.func @transform_6(%arg0: i32) -> (i32, i32) {
    %c0_i32 = arith.constant 0 : i32
    %c0_i32_0 = arith.constant 0 : i32
    return %arg0, %c0_i32 : i32, i32
  }
}

module attributes {stable_mosaic.version = 14 : i64} {
  func.func @_msg_body(%arg0: i32, %arg1: memref<16x2560xf32, #tpu.memory_space<vmem>>, %arg2: memref<1x1x2560xf32, #tpu.memory_space<vmem>>, %arg3: memref<1x1x2560xi32, #tpu.memory_space<vmem>>, %arg4: memref<16x128xf32, #tpu.memory_space<vmem>>, %arg5: memref<1x128xf32, #tpu.memory_space<vmem>>, %arg6: memref<128x128xf32, #tpu.memory_space<vmem>>, %arg7: memref<2560x128xf32, #tpu.memory_space<vmem>>) attributes {dimension_semantics = [#tpu.dimension_semantics<parallel>], iteration_bounds = array<i64: 60>, scalar_prefetch = 0 : i64, scratch_operands = 0 : i64, tpu.core_type = #tpu.core_type<tc>, window_params = [{transform_indices = @transform_0, window_bounds = array<i64: 16, 2560>}, {transform_indices = @transform_1, window_bounds = array<i64: 1, 1, 2560>}, {transform_indices = @transform_2, window_bounds = array<i64: 1, 1, 2560>}, {pipeline_mode = #tpu.pipeline_mode<synchronous>, transform_indices = @transform_3, window_bounds = array<i64: 16, 128>}, {pipeline_mode = #tpu.pipeline_mode<synchronous>, transform_indices = @transform_4, window_bounds = array<i64: 1, 128>}, {pipeline_mode = #tpu.pipeline_mode<synchronous>, transform_indices = @transform_5, window_bounds = array<i64: 128, 128>}, {transform_indices = @transform_6, window_bounds = array<i64: 2560, 128>}]} {
    %get3A = arith.constant 0 : index
    %get3A_0 = arith.constant 0 : index
    %get3A_1 = arith.constant 0 : index
    %get3A_2 = vector.load %arg2[%get3A, %get3A_0, %get3A_1] : memref<1x1x2560xf32, #tpu.memory_space<vmem>>, vector<1x1x512xf32>
    %get3A_3 = vector.shape_cast %get3A_2 : vector<1x1x512xf32> to vector<512xf32>
    %mul3A = arith.constant 3.14159274 : f32
    %mul3A_4 = vector.broadcast %mul3A : f32 to vector<512xf32>
    %mul3A_5 = arith.mulf %mul3A_4, %get3A_3 : vector<512xf32>
    %div3A = arith.constant 5.000000e+00 : f32
    %div3A_6 = vector.broadcast %div3A : f32 to vector<512xf32>
    %div3A_7 = arith.divf %mul3A_5, %div3A_6 : vector<512xf32>
    %cos3A = math.cos %div3A_7 : vector<512xf32>
    %add3A = arith.constant 1.000000e+00 : f32
    %add3A_8 = vector.broadcast %add3A : f32 to vector<512xf32>
    %add3A_9 = arith.addf %cos3A, %add3A_8 : vector<512xf32>
    %mul3A_10 = arith.constant 5.000000e-01 : f32
    %mul3A_11 = vector.broadcast %mul3A_10 : f32 to vector<512xf32>
    %mul3A_12 = arith.mulf %mul3A_11, %add3A_9 : vector<512xf32>
    %lt3A = arith.constant 5.000000e+00 : f32
    %lt3A_13 = vector.broadcast %lt3A : f32 to vector<512xf32>
    %lt3A_14 = arith.cmpf olt, %get3A_3, %lt3A_13 : vector<512xf32>
    %convert_element_type3A = arith.extui %lt3A_14 : vector<512xi1> to vector<512xi32>
    %convert_element_type3A_15 = arith.sitofp %convert_element_type3A : vector<512xi32> to vector<512xf32>
    %mul3A_16 = arith.mulf %mul3A_12, %convert_element_type3A_15 : vector<512xf32>
    %get3A_17 = arith.constant 0 : index
    %get3A_18 = arith.constant 0 : index
    %get3A_19 = vector.load %arg1[%get3A_17, %get3A_18] : memref<16x2560xf32, #tpu.memory_space<vmem>>, vector<16x512xf32>
    %get3A_20 = arith.constant 0 : index
    %get3A_21 = arith.constant 0 : index
    %get3A_22 = vector.load %arg4[%get3A_20, %get3A_21] : memref<16x128xf32, #tpu.memory_space<vmem>>, vector<16x128xf32>
    %dot_general3A = arith.constant dense<0.000000e+00> : vector<512x128xf32>
    %dot_general3A_23 = tpu.matmul %get3A_19, %get3A_22, %dot_general3A {dimension_numbers = #tpu.dot_dimension_numbers<[0], [0], [1], [1], [0, 1, 1, 1], [], []>, transpose_lhs_hint = false} : vector<16x512xf32>, vector<16x128xf32>, vector<512x128xf32> -> vector<512x128xf32>
    %get3A_24 = arith.constant 0 : index
    %get3A_25 = arith.constant 0 : index
    %get3A_26 = vector.load %arg5[%get3A_24, %get3A_25] : memref<1x128xf32, #tpu.memory_space<vmem>>, vector<1x128xf32>
    %add3A_27 = vector.broadcast %get3A_26 : vector<1x128xf32> to vector<512x128xf32>
    %add3A_28 = arith.addf %dot_general3A_23, %add3A_27 : vector<512x128xf32>
    %iota3A = tpu.iota {dimensions = array<i32: 0>} : vector<128x512xi32>
    %get3A_29 = arith.constant 0 : index
    %get3A_30 = arith.constant 0 : index
    %get3A_31 = arith.constant 0 : index
    %get3A_32 = vector.load %arg3[%get3A_29, %get3A_30, %get3A_31] : memref<1x1x2560xi32, #tpu.memory_space<vmem>>, vector<1x1x512xi32>
    %get3A_33 = vector.shape_cast %get3A_32 : vector<1x1x512xi32> to vector<512xi32>
    %broadcast_in_dim3A = vector.shape_cast %get3A_33 : vector<512xi32> to vector<1x512xi32>
    %eq3A = vector.broadcast %broadcast_in_dim3A : vector<1x512xi32> to vector<128x512xi32>
    %eq3A_34 = arith.cmpi eq, %iota3A, %eq3A : vector<128x512xi32>
    %convert_element_type3A_35 = arith.extui %eq3A_34 : vector<128x512xi1> to vector<128x512xi32>
    %convert_element_type3A_36 = arith.sitofp %convert_element_type3A_35 : vector<128x512xi32> to vector<128x512xf32>
    %broadcast_in_dim3A_37 = vector.shape_cast %mul3A_16 : vector<512xf32> to vector<1x512xf32>
    %mul3A_38 = vector.broadcast %broadcast_in_dim3A_37 : vector<1x512xf32> to vector<128x512xf32>
    %mul3A_39 = arith.mulf %convert_element_type3A_36, %mul3A_38 : vector<128x512xf32>
    %get3A_40 = arith.constant 0 : index
    %get3A_41 = arith.constant 0 : index
    %get3A_42 = vector.load %arg6[%get3A_40, %get3A_41] : memref<128x128xf32, #tpu.memory_space<vmem>>, vector<128x128xf32>
    %dot_general3A_43 = arith.constant dense<0.000000e+00> : vector<512x128xf32>
    %dot_general3A_44 = tpu.matmul %mul3A_39, %get3A_42, %dot_general3A_43 {dimension_numbers = #tpu.dot_dimension_numbers<[0], [0], [1], [1], [0, 1, 1, 1], [], []>, transpose_lhs_hint = false} : vector<128x512xf32>, vector<128x128xf32>, vector<512x128xf32> -> vector<512x128xf32>
    %mul3A_45 = arith.mulf %add3A_28, %dot_general3A_44 : vector<512x128xf32>
    %swap3A = arith.constant 0 : index
    %swap3A_46 = arith.constant 0 : index
    %swap3A_47 = vector.load %arg7[%swap3A, %swap3A_46] : memref<2560x128xf32, #tpu.memory_space<vmem>>, vector<512x128xf32>
    tpu.vector_store %arg7[%swap3A, %swap3A_46], %mul3A_45 {strides = array<i32>} : memref<2560x128xf32, #tpu.memory_space<vmem>>, vector<512x128xf32>,
    %get3A_48 = arith.constant 0 : index
    %get3A_49 = arith.constant 0 : index
    %get3A_50 = arith.constant 512 : index
    %get3A_51 = vector.load %arg2[%get3A_48, %get3A_49, %get3A_50] : memref<1x1x2560xf32, #tpu.memory_space<vmem>>, vector<1x1x512xf32>
    %get3A_52 = vector.shape_cast %get3A_51 : vector<1x1x512xf32> to vector<512xf32>
    %mul3A_53 = arith.constant 3.14159274 : f32
    %mul3A_54 = vector.broadcast %mul3A_53 : f32 to vector<512xf32>
    %mul3A_55 = arith.mulf %mul3A_54, %get3A_52 : vector<512xf32>
    %div3A_56 = arith.constant 5.000000e+00 : f32
    %div3A_57 = vector.broadcast %div3A_56 : f32 to vector<512xf32>
    %div3A_58 = arith.divf %mul3A_55, %div3A_57 : vector<512xf32>
    %cos3A_59 = math.cos %div3A_58 : vector<512xf32>
    %add3A_60 = arith.constant 1.000000e+00 : f32
    %add3A_61 = vector.broadcast %add3A_60 : f32 to vector<512xf32>
    %add3A_62 = arith.addf %cos3A_59, %add3A_61 : vector<512xf32>
    %mul3A_63 = arith.constant 5.000000e-01 : f32
    %mul3A_64 = vector.broadcast %mul3A_63 : f32 to vector<512xf32>
    %mul3A_65 = arith.mulf %mul3A_64, %add3A_62 : vector<512xf32>
    %lt3A_66 = arith.constant 5.000000e+00 : f32
    %lt3A_67 = vector.broadcast %lt3A_66 : f32 to vector<512xf32>
    %lt3A_68 = arith.cmpf olt, %get3A_52, %lt3A_67 : vector<512xf32>
    %convert_element_type3A_69 = arith.extui %lt3A_68 : vector<512xi1> to vector<512xi32>
    %convert_element_type3A_70 = arith.sitofp %convert_element_type3A_69 : vector<512xi32> to vector<512xf32>
    %mul3A_71 = arith.mulf %mul3A_65, %convert_element_type3A_70 : vector<512xf32>
    %get3A_72 = arith.constant 0 : index
    %get3A_73 = arith.constant 512 : index
    %get3A_74 = vector.load %arg1[%get3A_72, %get3A_73] : memref<16x2560xf32, #tpu.memory_space<vmem>>, vector<16x512xf32>
    %get3A_75 = arith.constant 0 : index
    %get3A_76 = arith.constant 0 : index
    %get3A_77 = vector.load %arg4[%get3A_75, %get3A_76] : memref<16x128xf32, #tpu.memory_space<vmem>>, vector<16x128xf32>
    %dot_general3A_78 = arith.constant dense<0.000000e+00> : vector<512x128xf32>
    %dot_general3A_79 = tpu.matmul %get3A_74, %get3A_77, %dot_general3A_78 {dimension_numbers = #tpu.dot_dimension_numbers<[0], [0], [1], [1], [0, 1, 1, 1], [], []>, transpose_lhs_hint = false} : vector<16x512xf32>, vector<16x128xf32>, vector<512x128xf32> -> vector<512x128xf32>
    %get3A_80 = arith.constant 0 : index
    %get3A_81 = arith.constant 0 : index
    %get3A_82 = vector.load %arg5[%get3A_80, %get3A_81] : memref<1x128xf32, #tpu.memory_space<vmem>>, vector<1x128xf32>
    %add3A_83 = vector.broadcast %get3A_82 : vector<1x128xf32> to vector<512x128xf32>
    %add3A_84 = arith.addf %dot_general3A_79, %add3A_83 : vector<512x128xf32>
    %iota3A_85 = tpu.iota {dimensions = array<i32: 0>} : vector<128x512xi32>
    %get3A_86 = arith.constant 0 : index
    %get3A_87 = arith.constant 0 : index
    %get3A_88 = arith.constant 512 : index
    %get3A_89 = vector.load %arg3[%get3A_86, %get3A_87, %get3A_88] : memref<1x1x2560xi32, #tpu.memory_space<vmem>>, vector<1x1x512xi32>
    %get3A_90 = vector.shape_cast %get3A_89 : vector<1x1x512xi32> to vector<512xi32>
    %broadcast_in_dim3A_91 = vector.shape_cast %get3A_90 : vector<512xi32> to vector<1x512xi32>
    %eq3A_92 = vector.broadcast %broadcast_in_dim3A_91 : vector<1x512xi32> to vector<128x512xi32>
    %eq3A_93 = arith.cmpi eq, %iota3A_85, %eq3A_92 : vector<128x512xi32>
    %convert_element_type3A_94 = arith.extui %eq3A_93 : vector<128x512xi1> to vector<128x512xi32>
    %convert_element_type3A_95 = arith.sitofp %convert_element_type3A_94 : vector<128x512xi32> to vector<128x512xf32>
    %broadcast_in_dim3A_96 = vector.shape_cast %mul3A_71 : vector<512xf32> to vector<1x512xf32>
    %mul3A_97 = vector.broadcast %broadcast_in_dim3A_96 : vector<1x512xf32> to vector<128x512xf32>
    %mul3A_98 = arith.mulf %convert_element_type3A_95, %mul3A_97 : vector<128x512xf32>
    %get3A_99 = arith.constant 0 : index
    %get3A_100 = arith.constant 0 : index
    %get3A_101 = vector.load %arg6[%get3A_99, %get3A_100] : memref<128x128xf32, #tpu.memory_space<vmem>>, vector<128x128xf32>
    %dot_general3A_102 = arith.constant dense<0.000000e+00> : vector<512x128xf32>
    %dot_general3A_103 = tpu.matmul %mul3A_98, %get3A_101, %dot_general3A_102 {dimension_numbers = #tpu.dot_dimension_numbers<[0], [0], [1], [1], [0, 1, 1, 1], [], []>, transpose_lhs_hint = false} : vector<128x512xf32>, vector<128x128xf32>, vector<512x128xf32> -> vector<512x128xf32>
    %mul3A_104 = arith.mulf %add3A_84, %dot_general3A_103 : vector<512x128xf32>
    %swap3A_105 = arith.constant 512 : index
    %swap3A_106 = arith.constant 0 : index
    %swap3A_107 = vector.load %arg7[%swap3A_105, %swap3A_106] : memref<2560x128xf32, #tpu.memory_space<vmem>>, vector<512x128xf32>
    tpu.vector_store %arg7[%swap3A_105, %swap3A_106], %mul3A_104 {strides = array<i32>} : memref<2560x128xf32, #tpu.memory_space<vmem>>, vector<512x128xf32>,
    %get3A_108 = arith.constant 0 : index
    %get3A_109 = arith.constant 0 : index
    %get3A_110 = arith.constant 1024 : index
    %get3A_111 = vector.load %arg2[%get3A_108, %get3A_109, %get3A_110] : memref<1x1x2560xf32, #tpu.memory_space<vmem>>, vector<1x1x512xf32>
    %get3A_112 = vector.shape_cast %get3A_111 : vector<1x1x512xf32> to vector<512xf32>
    %mul3A_113 = arith.constant 3.14159274 : f32
    %mul3A_114 = vector.broadcast %mul3A_113 : f32 to vector<512xf32>
    %mul3A_115 = arith.mulf %mul3A_114, %get3A_112 : vector<512xf32>
    %div3A_116 = arith.constant 5.000000e+00 : f32
    %div3A_117 = vector.broadcast %div3A_116 : f32 to vector<512xf32>
    %div3A_118 = arith.divf %mul3A_115, %div3A_117 : vector<512xf32>
    %cos3A_119 = math.cos %div3A_118 : vector<512xf32>
    %add3A_120 = arith.constant 1.000000e+00 : f32
    %add3A_121 = vector.broadcast %add3A_120 : f32 to vector<512xf32>
    %add3A_122 = arith.addf %cos3A_119, %add3A_121 : vector<512xf32>
    %mul3A_123 = arith.constant 5.000000e-01 : f32
    %mul3A_124 = vector.broadcast %mul3A_123 : f32 to vector<512xf32>
    %mul3A_125 = arith.mulf %mul3A_124, %add3A_122 : vector<512xf32>
    %lt3A_126 = arith.constant 5.000000e+00 : f32
    %lt3A_127 = vector.broadcast %lt3A_126 : f32 to vector<512xf32>
    %lt3A_128 = arith.cmpf olt, %get3A_112, %lt3A_127 : vector<512xf32>
    %convert_element_type3A_129 = arith.extui %lt3A_128 : vector<512xi1> to vector<512xi32>
    %convert_element_type3A_130 = arith.sitofp %convert_element_type3A_129 : vector<512xi32> to vector<512xf32>
    %mul3A_131 = arith.mulf %mul3A_125, %convert_element_type3A_130 : vector<512xf32>
    %get3A_132 = arith.constant 0 : index
    %get3A_133 = arith.constant 1024 : index
    %get3A_134 = vector.load %arg1[%get3A_132, %get3A_133] : memref<16x2560xf32, #tpu.memory_space<vmem>>, vector<16x512xf32>
    %get3A_135 = arith.constant 0 : index
    %get3A_136 = arith.constant 0 : index
    %get3A_137 = vector.load %arg4[%get3A_135, %get3A_136] : memref<16x128xf32, #tpu.memory_space<vmem>>, vector<16x128xf32>
    %dot_general3A_138 = arith.constant dense<0.000000e+00> : vector<512x128xf32>
    %dot_general3A_139 = tpu.matmul %get3A_134, %get3A_137, %dot_general3A_138 {dimension_numbers = #tpu.dot_dimension_numbers<[0], [0], [1], [1], [0, 1, 1, 1], [], []>, transpose_lhs_hint = false} : vector<16x512xf32>, vector<16x128xf32>, vector<512x128xf32> -> vector<512x128xf32>
    %get3A_140 = arith.constant 0 : index
    %get3A_141 = arith.constant 0 : index
    %get3A_142 = vector.load %arg5[%get3A_140, %get3A_141] : memref<1x128xf32, #tpu.memory_space<vmem>>, vector<1x128xf32>
    %add3A_143 = vector.broadcast %get3A_142 : vector<1x128xf32> to vector<512x128xf32>
    %add3A_144 = arith.addf %dot_general3A_139, %add3A_143 : vector<512x128xf32>
    %iota3A_145 = tpu.iota {dimensions = array<i32: 0>} : vector<128x512xi32>
    %get3A_146 = arith.constant 0 : index
    %get3A_147 = arith.constant 0 : index
    %get3A_148 = arith.constant 1024 : index
    %get3A_149 = vector.load %arg3[%get3A_146, %get3A_147, %get3A_148] : memref<1x1x2560xi32, #tpu.memory_space<vmem>>, vector<1x1x512xi32>
    %get3A_150 = vector.shape_cast %get3A_149 : vector<1x1x512xi32> to vector<512xi32>
    %broadcast_in_dim3A_151 = vector.shape_cast %get3A_150 : vector<512xi32> to vector<1x512xi32>
    %eq3A_152 = vector.broadcast %broadcast_in_dim3A_151 : vector<1x512xi32> to vector<128x512xi32>
    %eq3A_153 = arith.cmpi eq, %iota3A_145, %eq3A_152 : vector<128x512xi32>
    %convert_element_type3A_154 = arith.extui %eq3A_153 : vector<128x512xi1> to vector<128x512xi32>
    %convert_element_type3A_155 = arith.sitofp %convert_element_type3A_154 : vector<128x512xi32> to vector<128x512xf32>
    %broadcast_in_dim3A_156 = vector.shape_cast %mul3A_131 : vector<512xf32> to vector<1x512xf32>
    %mul3A_157 = vector.broadcast %broadcast_in_dim3A_156 : vector<1x512xf32> to vector<128x512xf32>
    %mul3A_158 = arith.mulf %convert_element_type3A_155, %mul3A_157 : vector<128x512xf32>
    %get3A_159 = arith.constant 0 : index
    %get3A_160 = arith.constant 0 : index
    %get3A_161 = vector.load %arg6[%get3A_159, %get3A_160] : memref<128x128xf32, #tpu.memory_space<vmem>>, vector<128x128xf32>
    %dot_general3A_162 = arith.constant dense<0.000000e+00> : vector<512x128xf32>
    %dot_general3A_163 = tpu.matmul %mul3A_158, %get3A_161, %dot_general3A_162 {dimension_numbers = #tpu.dot_dimension_numbers<[0], [0], [1], [1], [0, 1, 1, 1], [], []>, transpose_lhs_hint = false} : vector<128x512xf32>, vector<128x128xf32>, vector<512x128xf32> -> vector<512x128xf32>
    %mul3A_164 = arith.mulf %add3A_144, %dot_general3A_163 : vector<512x128xf32>
    %swap3A_165 = arith.constant 1024 : index
    %swap3A_166 = arith.constant 0 : index
    %swap3A_167 = vector.load %arg7[%swap3A_165, %swap3A_166] : memref<2560x128xf32, #tpu.memory_space<vmem>>, vector<512x128xf32>
    tpu.vector_store %arg7[%swap3A_165, %swap3A_166], %mul3A_164 {strides = array<i32>} : memref<2560x128xf32, #tpu.memory_space<vmem>>, vector<512x128xf32>,
    %get3A_168 = arith.constant 0 : index
    %get3A_169 = arith.constant 0 : index
    %get3A_170 = arith.constant 1536 : index
    %get3A_171 = vector.load %arg2[%get3A_168, %get3A_169, %get3A_170] : memref<1x1x2560xf32, #tpu.memory_space<vmem>>, vector<1x1x512xf32>
    %get3A_172 = vector.shape_cast %get3A_171 : vector<1x1x512xf32> to vector<512xf32>
    %mul3A_173 = arith.constant 3.14159274 : f32
    %mul3A_174 = vector.broadcast %mul3A_173 : f32 to vector<512xf32>
    %mul3A_175 = arith.mulf %mul3A_174, %get3A_172 : vector<512xf32>
    %div3A_176 = arith.constant 5.000000e+00 : f32
    %div3A_177 = vector.broadcast %div3A_176 : f32 to vector<512xf32>
    %div3A_178 = arith.divf %mul3A_175, %div3A_177 : vector<512xf32>
    %cos3A_179 = math.cos %div3A_178 : vector<512xf32>
    %add3A_180 = arith.constant 1.000000e+00 : f32
    %add3A_181 = vector.broadcast %add3A_180 : f32 to vector<512xf32>
    %add3A_182 = arith.addf %cos3A_179, %add3A_181 : vector<512xf32>
    %mul3A_183 = arith.constant 5.000000e-01 : f32
    %mul3A_184 = vector.broadcast %mul3A_183 : f32 to vector<512xf32>
    %mul3A_185 = arith.mulf %mul3A_184, %add3A_182 : vector<512xf32>
    %lt3A_186 = arith.constant 5.000000e+00 : f32
    %lt3A_187 = vector.broadcast %lt3A_186 : f32 to vector<512xf32>
    %lt3A_188 = arith.cmpf olt, %get3A_172, %lt3A_187 : vector<512xf32>
    %convert_element_type3A_189 = arith.extui %lt3A_188 : vector<512xi1> to vector<512xi32>
    %convert_element_type3A_190 = arith.sitofp %convert_element_type3A_189 : vector<512xi32> to vector<512xf32>
    %mul3A_191 = arith.mulf %mul3A_185, %convert_element_type3A_190 : vector<512xf32>
    %get3A_192 = arith.constant 0 : index
    %get3A_193 = arith.constant 1536 : index
    %get3A_194 = vector.load %arg1[%get3A_192, %get3A_193] : memref<16x2560xf32, #tpu.memory_space<vmem>>, vector<16x512xf32>
    %get3A_195 = arith.constant 0 : index
    %get3A_196 = arith.constant 0 : index
    %get3A_197 = vector.load %arg4[%get3A_195, %get3A_196] : memref<16x128xf32, #tpu.memory_space<vmem>>, vector<16x128xf32>
    %dot_general3A_198 = arith.constant dense<0.000000e+00> : vector<512x128xf32>
    %dot_general3A_199 = tpu.matmul %get3A_194, %get3A_197, %dot_general3A_198 {dimension_numbers = #tpu.dot_dimension_numbers<[0], [0], [1], [1], [0, 1, 1, 1], [], []>, transpose_lhs_hint = false} : vector<16x512xf32>, vector<16x128xf32>, vector<512x128xf32> -> vector<512x128xf32>
    %get3A_200 = arith.constant 0 : index
    %get3A_201 = arith.constant 0 : index
    %get3A_202 = vector.load %arg5[%get3A_200, %get3A_201] : memref<1x128xf32, #tpu.memory_space<vmem>>, vector<1x128xf32>
    %add3A_203 = vector.broadcast %get3A_202 : vector<1x128xf32> to vector<512x128xf32>
    %add3A_204 = arith.addf %dot_general3A_199, %add3A_203 : vector<512x128xf32>
    %iota3A_205 = tpu.iota {dimensions = array<i32: 0>} : vector<128x512xi32>
    %get3A_206 = arith.constant 0 : index
    %get3A_207 = arith.constant 0 : index
    %get3A_208 = arith.constant 1536 : index
    %get3A_209 = vector.load %arg3[%get3A_206, %get3A_207, %get3A_208] : memref<1x1x2560xi32, #tpu.memory_space<vmem>>, vector<1x1x512xi32>
    %get3A_210 = vector.shape_cast %get3A_209 : vector<1x1x512xi32> to vector<512xi32>
    %broadcast_in_dim3A_211 = vector.shape_cast %get3A_210 : vector<512xi32> to vector<1x512xi32>
    %eq3A_212 = vector.broadcast %broadcast_in_dim3A_211 : vector<1x512xi32> to vector<128x512xi32>
    %eq3A_213 = arith.cmpi eq, %iota3A_205, %eq3A_212 : vector<128x512xi32>
    %convert_element_type3A_214 = arith.extui %eq3A_213 : vector<128x512xi1> to vector<128x512xi32>
    %convert_element_type3A_215 = arith.sitofp %convert_element_type3A_214 : vector<128x512xi32> to vector<128x512xf32>
    %broadcast_in_dim3A_216 = vector.shape_cast %mul3A_191 : vector<512xf32> to vector<1x512xf32>
    %mul3A_217 = vector.broadcast %broadcast_in_dim3A_216 : vector<1x512xf32> to vector<128x512xf32>
    %mul3A_218 = arith.mulf %convert_element_type3A_215, %mul3A_217 : vector<128x512xf32>
    %get3A_219 = arith.constant 0 : index
    %get3A_220 = arith.constant 0 : index
    %get3A_221 = vector.load %arg6[%get3A_219, %get3A_220] : memref<128x128xf32, #tpu.memory_space<vmem>>, vector<128x128xf32>
    %dot_general3A_222 = arith.constant dense<0.000000e+00> : vector<512x128xf32>
    %dot_general3A_223 = tpu.matmul %mul3A_218, %get3A_221, %dot_general3A_222 {dimension_numbers = #tpu.dot_dimension_numbers<[0], [0], [1], [1], [0, 1, 1, 1], [], []>, transpose_lhs_hint = false} : vector<128x512xf32>, vector<128x128xf32>, vector<512x128xf32> -> vector<512x128xf32>
    %mul3A_224 = arith.mulf %add3A_204, %dot_general3A_223 : vector<512x128xf32>
    %swap3A_225 = arith.constant 1536 : index
    %swap3A_226 = arith.constant 0 : index
    %swap3A_227 = vector.load %arg7[%swap3A_225, %swap3A_226] : memref<2560x128xf32, #tpu.memory_space<vmem>>, vector<512x128xf32>
    tpu.vector_store %arg7[%swap3A_225, %swap3A_226], %mul3A_224 {strides = array<i32>} : memref<2560x128xf32, #tpu.memory_space<vmem>>, vector<512x128xf32>,
    %get3A_228 = arith.constant 0 : index
    %get3A_229 = arith.constant 0 : index
    %get3A_230 = arith.constant 2048 : index
    %get3A_231 = vector.load %arg2[%get3A_228, %get3A_229, %get3A_230] : memref<1x1x2560xf32, #tpu.memory_space<vmem>>, vector<1x1x512xf32>
    %get3A_232 = vector.shape_cast %get3A_231 : vector<1x1x512xf32> to vector<512xf32>
    %mul3A_233 = arith.constant 3.14159274 : f32
    %mul3A_234 = vector.broadcast %mul3A_233 : f32 to vector<512xf32>
    %mul3A_235 = arith.mulf %mul3A_234, %get3A_232 : vector<512xf32>
    %div3A_236 = arith.constant 5.000000e+00 : f32
    %div3A_237 = vector.broadcast %div3A_236 : f32 to vector<512xf32>
    %div3A_238 = arith.divf %mul3A_235, %div3A_237 : vector<512xf32>
    %cos3A_239 = math.cos %div3A_238 : vector<512xf32>
    %add3A_240 = arith.constant 1.000000e+00 : f32
    %add3A_241 = vector.broadcast %add3A_240 : f32 to vector<512xf32>
    %add3A_242 = arith.addf %cos3A_239, %add3A_241 : vector<512xf32>
    %mul3A_243 = arith.constant 5.000000e-01 : f32
    %mul3A_244 = vector.broadcast %mul3A_243 : f32 to vector<512xf32>
    %mul3A_245 = arith.mulf %mul3A_244, %add3A_242 : vector<512xf32>
    %lt3A_246 = arith.constant 5.000000e+00 : f32
    %lt3A_247 = vector.broadcast %lt3A_246 : f32 to vector<512xf32>
    %lt3A_248 = arith.cmpf olt, %get3A_232, %lt3A_247 : vector<512xf32>
    %convert_element_type3A_249 = arith.extui %lt3A_248 : vector<512xi1> to vector<512xi32>
    %convert_element_type3A_250 = arith.sitofp %convert_element_type3A_249 : vector<512xi32> to vector<512xf32>
    %mul3A_251 = arith.mulf %mul3A_245, %convert_element_type3A_250 : vector<512xf32>
    %get3A_252 = arith.constant 0 : index
    %get3A_253 = arith.constant 2048 : index
    %get3A_254 = vector.load %arg1[%get3A_252, %get3A_253] : memref<16x2560xf32, #tpu.memory_space<vmem>>, vector<16x512xf32>
    %get3A_255 = arith.constant 0 : index
    %get3A_256 = arith.constant 0 : index
    %get3A_257 = vector.load %arg4[%get3A_255, %get3A_256] : memref<16x128xf32, #tpu.memory_space<vmem>>, vector<16x128xf32>
    %dot_general3A_258 = arith.constant dense<0.000000e+00> : vector<512x128xf32>
    %dot_general3A_259 = tpu.matmul %get3A_254, %get3A_257, %dot_general3A_258 {dimension_numbers = #tpu.dot_dimension_numbers<[0], [0], [1], [1], [0, 1, 1, 1], [], []>, transpose_lhs_hint = false} : vector<16x512xf32>, vector<16x128xf32>, vector<512x128xf32> -> vector<512x128xf32>
    %get3A_260 = arith.constant 0 : index
    %get3A_261 = arith.constant 0 : index
    %get3A_262 = vector.load %arg5[%get3A_260, %get3A_261] : memref<1x128xf32, #tpu.memory_space<vmem>>, vector<1x128xf32>
    %add3A_263 = vector.broadcast %get3A_262 : vector<1x128xf32> to vector<512x128xf32>
    %add3A_264 = arith.addf %dot_general3A_259, %add3A_263 : vector<512x128xf32>
    %iota3A_265 = tpu.iota {dimensions = array<i32: 0>} : vector<128x512xi32>
    %get3A_266 = arith.constant 0 : index
    %get3A_267 = arith.constant 0 : index
    %get3A_268 = arith.constant 2048 : index
    %get3A_269 = vector.load %arg3[%get3A_266, %get3A_267, %get3A_268] : memref<1x1x2560xi32, #tpu.memory_space<vmem>>, vector<1x1x512xi32>
    %get3A_270 = vector.shape_cast %get3A_269 : vector<1x1x512xi32> to vector<512xi32>
    %broadcast_in_dim3A_271 = vector.shape_cast %get3A_270 : vector<512xi32> to vector<1x512xi32>
    %eq3A_272 = vector.broadcast %broadcast_in_dim3A_271 : vector<1x512xi32> to vector<128x512xi32>
    %eq3A_273 = arith.cmpi eq, %iota3A_265, %eq3A_272 : vector<128x512xi32>
    %convert_element_type3A_274 = arith.extui %eq3A_273 : vector<128x512xi1> to vector<128x512xi32>
    %convert_element_type3A_275 = arith.sitofp %convert_element_type3A_274 : vector<128x512xi32> to vector<128x512xf32>
    %broadcast_in_dim3A_276 = vector.shape_cast %mul3A_251 : vector<512xf32> to vector<1x512xf32>
    %mul3A_277 = vector.broadcast %broadcast_in_dim3A_276 : vector<1x512xf32> to vector<128x512xf32>
    %mul3A_278 = arith.mulf %convert_element_type3A_275, %mul3A_277 : vector<128x512xf32>
    %get3A_279 = arith.constant 0 : index
    %get3A_280 = arith.constant 0 : index
    %get3A_281 = vector.load %arg6[%get3A_279, %get3A_280] : memref<128x128xf32, #tpu.memory_space<vmem>>, vector<128x128xf32>
    %dot_general3A_282 = arith.constant dense<0.000000e+00> : vector<512x128xf32>
    %dot_general3A_283 = tpu.matmul %mul3A_278, %get3A_281, %dot_general3A_282 {dimension_numbers = #tpu.dot_dimension_numbers<[0], [0], [1], [1], [0, 1, 1, 1], [], []>, transpose_lhs_hint = false} : vector<128x512xf32>, vector<128x128xf32>, vector<512x128xf32> -> vector<512x128xf32>
    %mul3A_284 = arith.mulf %add3A_264, %dot_general3A_283 : vector<512x128xf32>
    %swap3A_285 = arith.constant 2048 : index
    %swap3A_286 = arith.constant 0 : index
    %swap3A_287 = vector.load %arg7[%swap3A_285, %swap3A_286] : memref<2560x128xf32, #tpu.memory_space<vmem>>, vector<512x128xf32>
    tpu.vector_store %arg7[%swap3A_285, %swap3A_286], %mul3A_284 {strides = array<i32>} : memref<2560x128xf32, #tpu.memory_space<vmem>>, vector<512x128xf32>,
    return
  }
  func.func @transform_0(%arg0: i32) -> (i32, i32) {
    %add3A = arith.constant 0 : i32
    %add3A_0 = arith.addi %arg0, %add3A : i32
    %c0_i32 = arith.constant 0 : i32
    %c0_i32_1 = arith.constant 0 : i32
    return %c0_i32, %add3A_0 : i32, i32
  }
  func.func @transform_1(%arg0: i32) -> (i32, i32, i32) {
    %add3A = arith.constant 0 : i32
    %add3A_0 = arith.addi %arg0, %add3A : i32
    %c0_i32 = arith.constant 0 : i32
    %c0_i32_1 = arith.constant 0 : i32
    %c0_i32_2 = arith.constant 0 : i32
    return %add3A_0, %c0_i32, %c0_i32_1 : i32, i32, i32
  }
  func.func @transform_2(%arg0: i32) -> (i32, i32, i32) {
    %c0_i32 = arith.constant 0 : i32
    %c0_i32_0 = arith.constant 0 : i32
    %c0_i32_1 = arith.constant 0 : i32
    return %arg0, %c0_i32, %c0_i32_0 : i32, i32, i32
  }
  func.func @transform_3(%arg0: i32) -> (i32, i32) {
    %c0_i32 = arith.constant 0 : i32
    %c0_i32_0 = arith.constant 0 : i32
    %c0_i32_1 = arith.constant 0 : i32
    return %c0_i32, %c0_i32_0 : i32, i32
  }
  func.func @transform_4(%arg0: i32) -> (i32, i32) {
    %c0_i32 = arith.constant 0 : i32
    %c0_i32_0 = arith.constant 0 : i32
    %c0_i32_1 = arith.constant 0 : i32
    return %c0_i32, %c0_i32_0 : i32, i32
  }
  func.func @transform_5(%arg0: i32) -> (i32, i32) {
    %c0_i32 = arith.constant 0 : i32
    %c0_i32_0 = arith.constant 0 : i32
    %c0_i32_1 = arith.constant 0 : i32
    return %c0_i32, %c0_i32_0 : i32, i32
  }
  func.func @transform_6(%arg0: i32) -> (i32, i32) {
    %c0_i32 = arith.constant 0 : i32
    %c0_i32_0 = arith.constant 0 : i32
    return %arg0, %c0_i32 : i32, i32
  }
}

module attributes {stable_mosaic.version = 14 : i64} {
  func.func @_out_body(%arg0: i32, %arg1: memref<1000x1xi32, #tpu.memory_space<vmem>>, %arg2: memref<1000x128xf32, #tpu.memory_space<vmem>>, %arg3: memref<1000x128xf32, #tpu.memory_space<vmem>>, %arg4: memref<1000x128xf32, #tpu.memory_space<vmem>>, %arg5: memref<1000x128xf32, #tpu.memory_space<vmem>>, %arg6: memref<128x128xf32, #tpu.memory_space<vmem>>, %arg7: memref<128x128xf32, #tpu.memory_space<vmem>>, %arg8: memref<128x128xf32, #tpu.memory_space<vmem>>, %arg9: memref<1x128xf32, #tpu.memory_space<vmem>>, %arg10: memref<1000x128xf32, #tpu.memory_space<vmem>>) attributes {dimension_semantics = [#tpu.dimension_semantics<arbitrary>], iteration_bounds = array<i64: 10>, scalar_prefetch = 0 : i64, scratch_operands = 0 : i64, tpu.core_type = #tpu.core_type<tc>, window_params = [{transform_indices = @transform_0, window_bounds = array<i64: 1000, 1>}, {transform_indices = @transform_1, window_bounds = array<i64: 1000, 128>}, {transform_indices = @transform_2, window_bounds = array<i64: 1000, 128>}, {transform_indices = @transform_3, window_bounds = array<i64: 1000, 128>}, {transform_indices = @transform_4, window_bounds = array<i64: 1000, 128>}, {pipeline_mode = #tpu.pipeline_mode<synchronous>, transform_indices = @transform_5, window_bounds = array<i64: 128, 128>}, {pipeline_mode = #tpu.pipeline_mode<synchronous>, transform_indices = @transform_6, window_bounds = array<i64: 128, 128>}, {pipeline_mode = #tpu.pipeline_mode<synchronous>, transform_indices = @transform_7, window_bounds = array<i64: 128, 128>}, {pipeline_mode = #tpu.pipeline_mode<synchronous>, transform_indices = @transform_8, window_bounds = array<i64: 1, 128>}, {transform_indices = @transform_9, window_bounds = array<i64: 1000, 128>}]} {
    %get3A = arith.constant 0 : index
    %get3A_0 = arith.constant 0 : index
    %get3A_1 = vector.load %arg1[%get3A, %get3A_0] : memref<1000x1xi32, #tpu.memory_space<vmem>>, vector<1000x1xi32>
    %iota3A = tpu.iota {dimensions = array<i32: 1>} : vector<1x128xi32>
    %eq3A = vector.broadcast %get3A_1 : vector<1000x1xi32> to vector<1000x128xi32>
    %eq3A_2 = vector.broadcast %iota3A : vector<1x128xi32> to vector<1000x128xi32>
    %eq3A_3 = arith.cmpi eq, %eq3A, %eq3A_2 : vector<1000x128xi32>
    %convert_element_type3A = arith.extui %eq3A_3 : vector<1000x128xi1> to vector<1000x128xi32>
    %convert_element_type3A_4 = arith.sitofp %convert_element_type3A : vector<1000x128xi32> to vector<1000x128xf32>
    %get3A_5 = arith.constant 0 : index
    %get3A_6 = arith.constant 0 : index
    %get3A_7 = vector.load %arg6[%get3A_5, %get3A_6] : memref<128x128xf32, #tpu.memory_space<vmem>>, vector<128x128xf32>
    %get3A_8 = arith.constant 0 : index
    %get3A_9 = arith.constant 0 : index
    %get3A_10 = vector.load %arg7[%get3A_8, %get3A_9] : memref<128x128xf32, #tpu.memory_space<vmem>>, vector<128x128xf32>
    %dot_general3A = arith.constant dense<0.000000e+00> : vector<128x128xf32>
    %dot_general3A_11 = tpu.matmul %get3A_7, %get3A_10, %dot_general3A {dimension_numbers = #tpu.dot_dimension_numbers<[1], [0], [0], [1], [0, 0, 1, 1], [], []>, transpose_lhs_hint = false} : vector<128x128xf32>, vector<128x128xf32>, vector<128x128xf32> -> vector<128x128xf32>
    %get3A_12 = arith.constant 0 : index
    %get3A_13 = arith.constant 0 : index
    %get3A_14 = vector.load %arg2[%get3A_12, %get3A_13] : memref<1000x128xf32, #tpu.memory_space<vmem>>, vector<1000x128xf32>
    %get3A_15 = arith.constant 0 : index
    %get3A_16 = arith.constant 0 : index
    %get3A_17 = vector.load %arg3[%get3A_15, %get3A_16] : memref<1000x128xf32, #tpu.memory_space<vmem>>, vector<1000x128xf32>
    %add3A = arith.addf %get3A_14, %get3A_17 : vector<1000x128xf32>
    %get3A_18 = arith.constant 0 : index
    %get3A_19 = arith.constant 0 : index
    %get3A_20 = vector.load %arg4[%get3A_18, %get3A_19] : memref<1000x128xf32, #tpu.memory_space<vmem>>, vector<1000x128xf32>
    %get3A_21 = arith.constant 0 : index
    %get3A_22 = arith.constant 0 : index
    %get3A_23 = vector.load %arg5[%get3A_21, %get3A_22] : memref<1000x128xf32, #tpu.memory_space<vmem>>, vector<1000x128xf32>
    %add3A_24 = arith.addf %get3A_20, %get3A_23 : vector<1000x128xf32>
    %add3A_25 = arith.addf %add3A, %add3A_24 : vector<1000x128xf32>
    %dot_general3A_26 = arith.constant dense<0.000000e+00> : vector<1000x128xf32>
    %dot_general3A_27 = tpu.matmul %convert_element_type3A_4, %dot_general3A_11, %dot_general3A_26 {dimension_numbers = #tpu.dot_dimension_numbers<[1], [0], [0], [1], [0, 0, 1, 1], [], []>, transpose_lhs_hint = false} : vector<1000x128xf32>, vector<128x128xf32>, vector<1000x128xf32> -> vector<1000x128xf32>
    %get3A_28 = arith.constant 0 : index
    %get3A_29 = arith.constant 0 : index
    %get3A_30 = vector.load %arg8[%get3A_28, %get3A_29] : memref<128x128xf32, #tpu.memory_space<vmem>>, vector<128x128xf32>
    %dot_general3A_31 = arith.constant dense<0.000000e+00> : vector<1000x128xf32>
    %dot_general3A_32 = tpu.matmul %add3A_25, %get3A_30, %dot_general3A_31 {dimension_numbers = #tpu.dot_dimension_numbers<[1], [0], [0], [1], [0, 0, 1, 1], [], []>, transpose_lhs_hint = false} : vector<1000x128xf32>, vector<128x128xf32>, vector<1000x128xf32> -> vector<1000x128xf32>
    %add3A_33 = arith.addf %dot_general3A_27, %dot_general3A_32 : vector<1000x128xf32>
    %get3A_34 = arith.constant 0 : index
    %get3A_35 = arith.constant 0 : index
    %get3A_36 = vector.load %arg9[%get3A_34, %get3A_35] : memref<1x128xf32, #tpu.memory_space<vmem>>, vector<1x128xf32>
    %add3A_37 = vector.broadcast %get3A_36 : vector<1x128xf32> to vector<1000x128xf32>
    %add3A_38 = arith.addf %add3A_33, %add3A_37 : vector<1000x128xf32>
    %swap3A = arith.constant 0 : index
    %swap3A_39 = arith.constant 0 : index
    %swap3A_40 = vector.load %arg10[%swap3A, %swap3A_39] : memref<1000x128xf32, #tpu.memory_space<vmem>>, vector<1000x128xf32>
    tpu.vector_store %arg10[%swap3A, %swap3A_39], %add3A_38 {strides = array<i32>} : memref<1000x128xf32, #tpu.memory_space<vmem>>, vector<1000x128xf32>,
    return
  }
  func.func @transform_0(%arg0: i32) -> (i32, i32) {
    %c0_i32 = arith.constant 0 : i32
    %c0_i32_0 = arith.constant 0 : i32
    return %arg0, %c0_i32 : i32, i32
  }
  func.func @transform_1(%arg0: i32) -> (i32, i32) {
    %c0_i32 = arith.constant 0 : i32
    %c0_i32_0 = arith.constant 0 : i32
    return %arg0, %c0_i32 : i32, i32
  }
  func.func @transform_2(%arg0: i32) -> (i32, i32) {
    %c0_i32 = arith.constant 0 : i32
    %c0_i32_0 = arith.constant 0 : i32
    return %arg0, %c0_i32 : i32, i32
  }
  func.func @transform_3(%arg0: i32) -> (i32, i32) {
    %c0_i32 = arith.constant 0 : i32
    %c0_i32_0 = arith.constant 0 : i32
    return %arg0, %c0_i32 : i32, i32
  }
  func.func @transform_4(%arg0: i32) -> (i32, i32) {
    %c0_i32 = arith.constant 0 : i32
    %c0_i32_0 = arith.constant 0 : i32
    return %arg0, %c0_i32 : i32, i32
  }
  func.func @transform_5(%arg0: i32) -> (i32, i32) {
    %c0_i32 = arith.constant 0 : i32
    %c0_i32_0 = arith.constant 0 : i32
    %c0_i32_1 = arith.constant 0 : i32
    return %c0_i32, %c0_i32_0 : i32, i32
  }
  func.func @transform_6(%arg0: i32) -> (i32, i32) {
    %c0_i32 = arith.constant 0 : i32
    %c0_i32_0 = arith.constant 0 : i32
    %c0_i32_1 = arith.constant 0 : i32
    return %c0_i32, %c0_i32_0 : i32, i32
  }
  func.func @transform_7(%arg0: i32) -> (i32, i32) {
    %c0_i32 = arith.constant 0 : i32
    %c0_i32_0 = arith.constant 0 : i32
    %c0_i32_1 = arith.constant 0 : i32
    return %c0_i32, %c0_i32_0 : i32, i32
  }
  func.func @transform_8(%arg0: i32) -> (i32, i32) {
    %c0_i32 = arith.constant 0 : i32
    %c0_i32_0 = arith.constant 0 : i32
    %c0_i32_1 = arith.constant 0 : i32
    return %c0_i32, %c0_i32_0 : i32, i32
  }
  func.func @transform_9(%arg0: i32) -> (i32, i32) {
    %c0_i32 = arith.constant 0 : i32
    %c0_i32_0 = arith.constant 0 : i32
    return %arg0, %c0_i32 : i32, i32
  }
}

</mosaic_0001>

<sc_bundles>
// kernel: kernel.12.cloned.1.call-start
scs
__scs_entry_jumppad:
0x0: {  	(pc) =	sbr.rel $0x88, $3  }
0x1: {  	(tag) =	ssettag $0x0;
	lr =	simm.s32 $0x1  }
0x2: {  	[smem:$0x3F97] =	sst lr;
	_ =	strace $0xD0000000  }
0x3: {  	_ = 	snop  }
0x4: {  	_ = 	snop  }
0x5: {  	_ = 	snop  }
0x6: {  	_ = 	snop  }
0x7: {  	_ = 	snop  }
__scs_overlays_trampoline_lowered:
0x8: {  	[smem:$0x3FA6] =	sst s0  }
0x9: {  	[smem:$0x3FA7] =	sst s1  }
0xa: {  	[smem:$0x3FA8] =	sst s2  }
0xb: {  	[smem:$0x3FA9] =	sst s3  }
0xc: {  	[smem:$0x3FAA] =	sst s4  }
0xd: {  	[smem:$0x3FAB] =	sst s5  }
0xe: {  	[smem:$0x3FAC] =	sst s6  }
0xf: {  	[smem:$0x3FAD] =	sst s7  }
0x10: {  	[smem:$0x3FAE] =	sst s8  }
0x11: {  	[smem:$0x3FAF] =	sst s9;
	s0 =	simm.s32 @!p0 $0x0  }
0x12: {  	s1 =	sld [smem:$0x3F95];
	s0 =	simm.s32 @p0 $0x1  }
0x13: {  	[smem:$0x3FB0] =	sst s0;
	s0 =	simm.s32 @!p1 $0x0  }
0x14: {  	s2 =	sld [smem:$0x3F94];
	s0 =	simm.s32 @p1 $0x1  }
0x15: {  	[smem:$0x3FB1] =	sst s0;
	s0 =	simm.s32 @!p2 $0x0  }
0x16: {  	s3 =	sld [smem:$0x3FDB];
	s0 =	simm.s32 @p2 $0x1  }
0x17: {  	s4 =	simm.s32 $0x1BF5;
	[smem:$0x3FB3] =	sst s0  }
0x18: {  	s0 =	sld [smem:$0x3F96];
	_ =	swait.ge [sflag:s4], $0x0  }
0x19: {  	s7 =	sld [smem:$0x3F97]  }
0x1a: {  	s8 =	sadd.s32 $0xFFFFE003, lr  }
0x1b: {  	s9 =	sadd.s32 $0xFFFFFEF7, lr;
	s5 =	simm.s32 $0xFFFFFFFF;
	p2 =	slt.u32 s8, $0xFFFFF086  }
0x1c: {  	p1 =	slt.u32 s9, $0xF7A;
	s5 =	simm.s32 @!p2 $0x0  }
0x1d: {  	s5 =	simm.s32 @p1 $0x1;
	p0 =	seq.s32 s7, s2  }
0x1e: {  	s7 =	smul.u32 @!p0 $0xF7A, s2;
	p2 =	seq.s32 @!p0 s5, $0x0  }
0x1f: {  	s9 =	smul.u32 $0xF7A, s1;
	s8 =	simm.s32 @!p0 $0x1BF5;
	p2 =	por !p2, p0  }
0x20: {  	[sflag:s8] =	ssyncset.s32 @!p0 $0xFFFFF086;
	s6 =	sadd.s32 @!p0 s3, s7;
	s7 =	simm.s32 @!p0 $0x108  }
0x21: {  	s3 =	sadd.s32 s3, s9;
	s6 =	sadd.s32 @!p0 $0x88, s6;
	s7 =	simm.s32 @p2 $0x1082  }
0x22: {  	[simem:s7], [sflag:s8] =	dma.local @!p0 [hbm:s6], $0xF7A  }
0x23: {  	s9 =	sor.u32 $0xD0000000, s2;
	s6 =	simm.s32 $0x108;
	_ =	swait.ge @!p0 [sflag:s8], $0x0  }
0x24: {  	s3 =	sadd.s32 $0x88, s3;
	s6 =	simm.s32 @!p1 $0x1082;
	[sflag:s4] =	ssyncset.s32 $0xFFFFF086  }
0x25: {  	[simem:s6], [sflag:s4] =	dma.local [hbm:s3], $0xF7A  }
0x26: {  	[smem:$0x3F97] =	sst s1;
	(tag) =	ssettag s2;
	_ =	strace s9  }
0x27: {  	s1 =	sld [smem:$0x3FA7]  }
0x28: {  	s2 =	sld [smem:$0x3FA8]  }
0x29: {  	s4 =	sld [smem:$0x3FAA]  }
0x2a: {  	p0 =	seq.s32 s5, $0x0;
	s5 =	sld [smem:$0x3FAB]  }
0x2b: {  	s6 =	sld [smem:$0x3FAC]  }
0x2c: {  	s7 =	sld [smem:$0x3FAD]  }
0x2d: {  	s3 =	simm.s32 $0x108;
	s8 =	sld [smem:$0x3FAE]  }
0x2e: {  	s3 =	simm.s32 @!p0 $0x1082;
	s9 =	sld [smem:$0x3FAF]  }
0x2f: {  	lr =	sadd.s32 s0, s3;
	s0 =	sld [smem:$0x3FA6]  }
0x30: {  	s3 =	sld [smem:$0x3FA9]  }
0x31: {  	[smem:$0x3FB2] =	sst s10  }
0x32: {  	s10 =	sld [smem:$0x3FB0];
	_ =	sdelay $0x3  }
0x33: {  	p0 =	seq.s32 s10, $0x1;
	s10 =	sld [smem:$0x3FB2];
	_ =	sdelay $0x3  }
0x34: {  	[smem:$0x3FB2] =	sst s10  }
0x35: {  	s10 =	sld [smem:$0x3FB1];
	_ =	sdelay $0x3  }
0x36: {  	p1 =	seq.s32 s10, $0x1;
	s10 =	sld [smem:$0x3FB2];
	_ =	sdelay $0x3  }
0x37: {  	[smem:$0x3FB2] =	sst s10  }
0x38: {  	s10 =	sld [smem:$0x3FB3]  }
0x39: {  	_ = 	snop;
	(pc) =	sbr.ind lr, $3  }
0x3a: {  	_ = 	snop  }
0x3b: {  	_ = 	snop  }
0x3c: {  	p2 =	seq.s32 s10, $0x1;
	s10 =	sld [smem:$0x3FB2]  }
0x3d: {  	_ =	shalt  }
0x3e: {  	_ =	shalt  }
0x3f: {  	_ =	shalt  }
0x40: {  	_ =	shalt  }
0x41: {  	_ =	shalt  }
0x42: {  	_ =	shalt  }
0x43: {  	_ =	shalt  }
0x44: {  	_ =	shalt  }
0x45: {  	_ =	shalt  }
0x46: {  	_ =	shalt  }
0x47: {  	_ =	shalt  }
0x48: {  	_ =	shalt  }
0x49: {  	_ =	shalt  }
0x4a: {  	_ =	shalt  }
0x4b: {  	_ =	shalt  }
0x4c: {  	_ =	shalt  }
0x4d: {  	_ =	shalt  }
0x4e: {  	_ =	shalt  }
0x4f: {  	_ =	shalt  }
0x50: {  	_ =	shalt  }
0x51: {  	_ =	shalt  }
0x52: {  	_ =	shalt  }
0x53: {  	_ =	shalt  }
0x54: {  	_ =	shalt  }
0x55: {  	_ =	shalt  }
0x56: {  	_ =	shalt  }
0x57: {  	_ =	shalt  }
0x58: {  	_ =	shalt  }
0x59: {  	_ =	shalt  }
0x5a: {  	_ =	shalt  }
0x5b: {  	_ =	shalt  }
0x5c: {  	_ =	shalt  }
0x5d: {  	_ =	shalt  }
0x5e: {  	_ =	shalt  }
0x5f: {  	_ =	shalt  }
0x60: {  	_ =	shalt  }
0x61: {  	_ =	shalt  }
0x62: {  	_ =	shalt  }
0x63: {  	_ =	shalt  }
0x64: {  	_ =	shalt  }
0x65: {  	_ =	shalt  }
0x66: {  	_ =	shalt  }
0x67: {  	_ =	shalt  }
0x68: {  	_ =	shalt  }
0x69: {  	_ =	shalt  }
0x6a: {  	_ =	shalt  }
0x6b: {  	_ =	shalt  }
0x6c: {  	_ =	shalt  }
0x6d: {  	_ =	shalt  }
0x6e: {  	_ =	shalt  }
0x6f: {  	_ =	shalt  }
0x70: {  	_ =	shalt  }
0x71: {  	_ =	shalt  }
0x72: {  	_ =	shalt  }
0x73: {  	_ =	shalt  }
0x74: {  	_ =	shalt  }
0x75: {  	_ =	shalt  }
0x76: {  	_ =	shalt  }
0x77: {  	_ =	shalt  }
0x78: {  	_ =	shalt  }
0x79: {  	_ =	shalt  }
0x7a: {  	_ =	shalt  }
0x7b: {  	_ =	shalt  }
0x7c: {  	_ =	shalt  }
0x7d: {  	_ =	shalt  }
0x7e: {  	_ =	shalt  }
0x7f: {  	_ =	shalt  }
0x80: {  	_ =	shalt  }
0x81: {  	_ =	shalt  }
0x82: {  	_ =	shalt  }
0x83: {  	_ =	shalt  }
0x84: {  	_ =	shalt  }
0x85: {  	_ =	shalt  }
0x86: {  	_ =	shalt  }
0x87: {  	_ =	shalt  }
.Lfunc_end0:
.L_simem_size_0:
called_computation.1_lowered:
.L_overlay_start_0:
0x88: {  	s2 =	sld [smem:$0x3FD9]  }
0x89: {  	s3 =	sld [smem:$0x3FFE];
	_ =	sdelay $0x1  }
0x8a: {  	s1 =	srdreg.scid  }
0x8b: {  	s0 =	sand.u32 $0x1, s1  }
0x8c: {  	s17 =	sshll.u32 s0, $0xA;
	s2 =	sadd.s32 s3, s2  }
0x8d: {  	s2 =	sadd.s32 s2, s17  }
0x8e: {  	[smem:$0x3FBE] =	sst s2  }
0x8f: {  	_ = 	snop  }
0x90: {  	s2 =	sld [smem:$0x3FC9]  }
0x91: {  	s18 =	sld [smem:$0x3FD0];
	(tm) =	ssettm $0x1  }
0x92: {  	s4 =	sld [smem:$0x3FFB];
	_ =	sdelay $0x3  }
0x93: {  	_ =	strace s4  }
0x94: {  	s4 =	sld [smem:$0x3FFC];
	_ =	sdelay $0x3  }
0x95: {  	_ =	strace s4  }
0x96: {  	s4 =	sld [smem:$0x3FFD];
	_ =	sdelay $0x3  }
0x97: {  	_ =	strace s4  }
0x98: {  	_ =	strace $0x8FFFFFFF  }
0x99: {  	s19 =	sld [smem:$0x3FDB];
	_ =	sdelay $0x1  }
0x9a: {  	s5 =	simm.s32 $_scs_section_size  }
0x9b: {  	s6 =	simm.s32 $_size__tile_overlayer_lowered;
	s7 =	simm.s32 $_tile_overlayer_lowered  }
0x9c: {  	s22 =	simm.s32 $0x1BFF;
	s21 =	sshll.u32 s7, $0x1;
	s4 =	sadd.s32 s5, s19  }
0x9d: {  	s8 =	simm.s32 $0x0;
	s20 =	sshll.u32 s6, $0x1;
	s6 =	sadd.s32 s21, s4  }
0x9e: {  	[timem:s8], [sflag:s22] =	dma.local [hbm:s6], s20  }
0x9f: {  	_ =	swait.ge [sflag:s22], s20  }
0xa0: {  	s5 =	ssub.s32 $0x0, s20;
	[sflag:s22] =	ssyncset.done $0x0  }
0xa1: {  	[sflag:s22] =	ssyncadd.s32 s5;
	_ =	sdelay $0x1  }
0xa2: {  	s23 =	simm.s32 $0x1B8B  }
0xa3: {  	_ =	swait.ge [sflag:s23], $0x1  }
0xa4: {  	[sflag:s23] =	ssyncset.done $0x0  }
0xa5: {  	s25 =	simm.s32 $0x1B8E;
	s24 =	sld [smem:$0x3FFE];
	[sflag:s23] =	ssyncadd.s32 $0xFFFFFFFF  }
0xa6: {  	s26 =	simm.s32 $execute0_lowered;
	[smem:$0x3FD2] =	sst s25  }
0xa7: {  	s6 =	sshll.u32 s26, $0x1;
	_ =	strace $0x80000046;
	[dreg:$0x1] =	wrdreg $0xFFFFFFFF  }
0xa8: {  	s28 =	simm.s32 $_size_execute0_lowered;
	s4 =	sadd.s32 s4, s6;
	[dreg:$0x0] =	wrdreg $0x0  }
0xa9: {  	s6 =	sshll.u32 s28, $0x1;
	[dreg:$0x2] =	wrdreg s4  }
0xaa: {  	[dreg:$0x3] =	wrdreg s6  }
0xab: {  	[dreg:$0x4] =	wrdreg $0xC0  }
0xac: {  	_ =	task [dreg:s8], $0x5FFFF  }
0xad: {  	[dreg:$0x1] =	wrdreg $0xFFFFFFFF  }
0xae: {  	[dreg:$0x0] =	wrdreg $0x60  }
0xaf: {  	[dreg:$0x2] =	wrdreg s2  }
0xb0: {  	[dreg:$0x3] =	wrdreg s18  }
0xb1: {  	[dreg:$0x4] =	wrdreg s24  }
0xb2: {  	[dreg:$0x5] =	wrdreg $0xA  }
0xb3: {  	_ =	task.clear_ibuf [dreg:s8], $0x6FFFF;
	_ =	strace $0x90000046  }
0xb4: {  	s29 =	simm.s32 $0xA;
	_ =	strace $0x80000048  }
0xb5: {  	_ =	swait.ge [sflag:s29], $0x1  }
0xb6: {  	[sflag:s29] =	ssyncadd.s32 $0xFFFFFFFF  }
0xb7: {  	_ =	strace $0x90000048  }
0xb8: {  	_ =	sfence  }
0xb9: {  	s30 =	sld [smem:$0x0];
	_ =	sdelay $0x2  }
0xba: {  	s31 =	sshll.u32 s1, $0xD;
	s1 =	sshrl.u32 s1, $0x2  }
0xbb: {  	s3 =	sand.u32 $0x4000, s31;
	s1 =	sadd.s32 s1, s30  }
0xbc: {  	s0 =	sor.u32 s3, s0;
	s1 =	sshll.u32 s1, $0x11  }
0xbd: {  	s0 =	sor.u32 s1, s0  }
0xbe: {  	s0 =	sadd.s32 $0x8F2B, s0  }
0xbf: {  	[sflag:s0] =	ssyncadd.remote.s32 $0x1  }
0xc0: {  	_ =	sfence.sel $0xFFFF  }
0xc1: {  	[dreg:$0x0] =	wrdreg $0xFFFFFFFF;
	(pc) =	sbr.abs _section_cstart, $3  }
0xc2: {  	[dreg:$0x1] =	wrdreg $0xFFFFFFFF  }
0xc3: {  	_ =	task.clear_ibuf [dreg:s8], $0x2FFFF;
	_ =	strace $0x9FFFFFFF  }
0xc4: {  	(tm) =	ssettm $0x7FFFFFFF  }
0xc5: {  	_ =	shalt  }
tec
execute0_lowered:
.L_overlay_start_1:
0x0: {  	(tag) =	ssettag $0x1  }
0x1: {  	s1 =	rddreg [dreg:$0x0]  }
0x2: {  	s4 =	rddreg [dreg:$0x1];
	s2 =	srdreg.scid  }
0x3: {  	s0 =	stileid.u32;
	s7 =	rddreg [dreg:$0x2];
	s9 =	simm.s32 $0x2  }
0x4: {  	s10 =	simm.s32 $0x50;
	s11 =	simm.s32 $0x1480;
	s12 =	simm.s32 $0x14D0  }
0x5: {  	s13 =	simm.s32 $0xA0;
	s14 =	simm.s32 $0x1520;
	s15 =	simm.s32 $0xF0  }
0x6: {  	s16 =	simm.s32 $0x1570;
	s17 =	simm.s32 $0x140;
	s18 =	simm.s32 $0x15C0  }
0x7: {  	s19 =	simm.s32 $0x1;
	s20 =	simm.s32 $0x0;
	s5 =	sand.u32 $0x1, s2  }
0x8: {  	s29 =	sshrl.u32 s0, $0x2;
	s3 =	sshll.u32 s0, $0x8;
	s2 =	rddreg [dreg:$0x3]  }
0x9: {  	s6 =	smul.u32 $0xA400, s29;
	s30 =	sshll.u32 s5, $0x7;
	s3 =	sand.u32 $0x300, s3  }
0xa: {  	s5 =	ssub.s32 $0x2, s5;
	s8 =	sor.u32 s30, s3;
	s3 =	simm.s32 $0x0  }
0xb: {  	s31 =	sshrl.u32 s5, $0x1;
	s6 =	sor.u32 s6, s8;
	[smem:$0x7FF] =	sst s3  }
0xc: {  	s8 =	ssub.s32 s5, s31;
	s6 =	sshrl.u32 s6, $0x3;
	_ =	strace $0x80000047  }
0xd: {  	s7 =	sadd.s32 s6, s7;
	s4 =	sadd.s32 s4, s6;
	s6 =	smax.u32 s8, $0x1  }
0xe: {  	s8 =	simm.s32 $0x400;
	s5 =	sadd.s32 $0x1400, s7;
	s7 =	simm.s32 $0x80  }
.LBB2_1:
0xf: {  	[tilespmem:s3], [sflag:$0x2] =	stream.strided.gather [hbm4b:s4+s7], $0x1480, s8, s7, $0x38;
	[tilespmem:$0x2900] =	vst v63  }
0x10: {  	_ =	swait.ge [sflag:s9], $0x1480  }
0x11: {  	[sflag:s9] =	ssyncset.done $0x0  }
0x12: {  	[sflag:s9] =	ssyncadd.s32 $0xFFFFEB80  }
0x13: {  	[tilespmem:s11], [sflag:$0x1] =	stream.indirect.gather [hbm4b:s1+s10], $0x1, s3, s10, $0xb8;
	[tilespmem:$0x2900] =	vst v63  }
0x14: {  	_ = 	snop  }
0x15: {  	[tilespmem:s12], [sflag:$0x1] =	stream.indirect.gather [hbm4b:s1+s10], $0x1, s10, s10, $0xb8;
	[tilespmem:$0x2900] =	vst v63  }
0x16: {  	_ = 	snop  }
0x17: {  	[tilespmem:s14], [sflag:$0x1] =	stream.indirect.gather [hbm4b:s1+s10], $0x1, s13, s10, $0xb8;
	[tilespmem:$0x2900] =	vst v63  }
0x18: {  	_ = 	snop  }
0x19: {  	[tilespmem:s16], [sflag:$0x1] =	stream.indirect.gather [hbm4b:s1+s10], $0x1, s15, s10, $0xb8;
	[tilespmem:$0x2900] =	vst v63  }
0x1a: {  	_ = 	snop  }
0x1b: {  	[tilespmem:s18], [sflag:$0x1] =	stream.indirect.gather [hbm4b:s1+s10], $0x1, s17, s10, $0xb8;
	[tilespmem:$0x2900] =	vst v63  }
0x1c: {  	s21 =	simm.s32 $0x1610;
	s22 =	simm.s32 $0x190  }
0x1d: {  	[tilespmem:s21], [sflag:$0x1] =	stream.indirect.gather [hbm4b:s1+s10], $0x1, s22, s10, $0xb8;
	[tilespmem:$0x2900] =	vst v63  }
0x1e: {  	s23 =	simm.s32 $0x1660;
	s24 =	simm.s32 $0x1E0  }
0x1f: {  	[tilespmem:s23], [sflag:$0x1] =	stream.indirect.gather [hbm4b:s1+s10], $0x1, s24, s10, $0xb8;
	[tilespmem:$0x2900] =	vst v63  }
0x20: {  	s25 =	simm.s32 $0x16B0;
	s26 =	simm.s32 $0x230  }
0x21: {  	[tilespmem:s25], [sflag:$0x1] =	stream.indirect.gather [hbm4b:s1+s10], $0x1, s26, s10, $0xb8;
	[tilespmem:$0x2900] =	vst v63  }
0x22: {  	s28 =	simm.s32 $0x1700;
	s29 =	simm.s32 $0x280  }
0x23: {  	[tilespmem:s28], [sflag:$0x1] =	stream.indirect.gather [hbm4b:s1+s10], $0x1, s29, s10, $0xb8;
	[tilespmem:$0x2900] =	vst v63  }
0x24: {  	s30 =	simm.s32 $0x1750;
	s31 =	simm.s32 $0x2D0  }
0x25: {  	[tilespmem:s30], [sflag:$0x1] =	stream.indirect.gather [hbm4b:s1+s10], $0x1, s31, s10, $0xb8;
	[tilespmem:$0x2900] =	vst v63  }
0x26: {  	_ =	swait.ge [sflag:s19], $0x50  }
0x27: {  	[sflag:s19] =	ssyncset.done $0x0  }
0x28: {  	[sflag:s19] =	ssyncadd.s32 $0xFFFFFFB0  }
0x29: {  	_ =	swait.ge [sflag:s19], $0x50  }
0x2a: {  	[sflag:s19] =	ssyncset.done $0x0  }
0x2b: {  	[sflag:s19] =	ssyncadd.s32 $0xFFFFFFB0  }
0x2c: {  	_ =	swait.ge [sflag:s19], $0x50  }
0x2d: {  	[sflag:s19] =	ssyncset.done $0x0  }
0x2e: {  	[sflag:s19] =	ssyncadd.s32 $0xFFFFFFB0  }
0x2f: {  	_ =	swait.ge [sflag:s19], $0x50  }
0x30: {  	[sflag:s19] =	ssyncset.done $0x0  }
0x31: {  	[sflag:s19] =	ssyncadd.s32 $0xFFFFFFB0  }
0x32: {  	_ =	swait.ge [sflag:s19], $0x50  }
0x33: {  	s22 =	simm.s32 $0xC80;
	s21 =	simm.s32 $0x190;
	[sflag:s19] =	ssyncset.done $0x0  }
.LBB2_2:
0x34: {  	s23 =	sadd.s32 $0x1610, s21  }
0x35: {  	s24 =	sadd.s32 $0x190, s21;
	[sflag:s19] =	ssyncadd.s32 $0xFFFFFFB0;
	s25 =	smov.u32 s22  }
0x36: {  	[tilespmem:s23], [sflag:$0x1] =	stream.indirect.gather [hbm4b:s1+s10], $0x1, s24, s10, $0xb8;
	[tilespmem:$0x2900] =	vst v63  }
0x37: {  	s26 =	sadd.s32 $0x1E0, s21;
	s23 =	sadd.s32 $0x640, s22;
	s24 =	sadd.s32 $0x1660, s21  }
0x38: {  	[tilespmem:s24], [sflag:$0x1] =	stream.indirect.gather [hbm4b:s1+s10], $0x1, s26, s10, $0xb8;
	[tilespmem:$0x2900] =	vst v63  }
0x39: {  	p0 =	sne.s32 s22, $0x44C0;
	s22 =	sadd.s32 $0x16B0, s21;
	s24 =	sadd.s32 $0x230, s21  }
0x3a: {  	[tilespmem:s22], [sflag:$0x1] =	stream.indirect.gather [hbm4b:s1+s10], $0x1, s24, s10, $0xb8;
	[tilespmem:$0x2900] =	vst v63  }
0x3b: {  	s22 =	sadd.s32 $0x1700, s21;
	s24 =	sadd.s32 $0x280, s21  }
0x3c: {  	[tilespmem:s22], [sflag:$0x1] =	stream.indirect.gather [hbm4b:s1+s10], $0x1, s24, s10, $0xb8;
	[tilespmem:$0x2900] =	vst v63  }
0x3d: {  	s22 =	sadd.s32 $0x1750, s21;
	s21 =	sadd.s32 $0x2D0, s21  }
0x3e: {  	[tilespmem:s22], [sflag:$0x1] =	stream.indirect.gather [hbm4b:s1+s10], $0x1, s21, s10, $0xb8;
	[tilespmem:$0x2900] =	vst v63  }
0x3f: {  	_ =	swait.ge [sflag:s19], $0x50  }
0x40: {  	[sflag:s19] =	ssyncset.done $0x0  }
0x41: {  	[sflag:s19] =	ssyncadd.s32 $0xFFFFFFB0  }
0x42: {  	_ =	swait.ge [sflag:s19], $0x50  }
0x43: {  	[sflag:s19] =	ssyncset.done $0x0  }
0x44: {  	[sflag:s19] =	ssyncadd.s32 $0xFFFFFFB0  }
0x45: {  	_ =	swait.ge [sflag:s19], $0x50  }
0x46: {  	[sflag:s19] =	ssyncset.done $0x0  }
0x47: {  	[sflag:s19] =	ssyncadd.s32 $0xFFFFFFB0  }
.Ltmp0:
0x48: {  	_ =	swait.ge [sflag:s19], $0x50;
	(pc) =	sbr.rel @p0 .LBB2_2-.Ltmp0, $4  }
0x49: {  	[sflag:s19] =	ssyncset.done $0x0  }
0x4a: {  	[sflag:s19] =	ssyncadd.s32 $0xFFFFFFB0  }
0x4b: {  	_ =	swait.ge [sflag:s19], $0x50  }
0x4c: {  	s21 =	sshra.s32 s25, $0x2;
	s22 =	smov.u32 s23;
	[sflag:s19] =	ssyncset.done $0x0  }
0x4d: {  	s22 =	sadd.s32 $0x1610, s21;
	s23 =	sadd.s32 $0x190, s21;
	[sflag:s19] =	ssyncadd.s32 $0xFFFFFFB0  }
0x4e: {  	[tilespmem:s22], [sflag:$0x1] =	stream.indirect.gather [hbm4b:s1+s10], $0x1, s23, s10, $0xb8;
	[tilespmem:$0x2900] =	vst v63  }
0x4f: {  	s24 =	sadd.s32 $0x1E0, s21;
	s23 =	sadd.s32 $0x1660, s21  }
0x50: {  	[tilespmem:s23], [sflag:$0x1] =	stream.indirect.gather [hbm4b:s1+s10], $0x1, s24, s10, $0xb8;
	[tilespmem:$0x2900] =	vst v63  }
0x51: {  	s25 =	sadd.s32 $0x16B0, s21;
	s26 =	sadd.s32 $0x230, s21  }
0x52: {  	[tilespmem:s25], [sflag:$0x1] =	stream.indirect.gather [hbm4b:s1+s10], $0x1, s26, s10, $0xb8;
	[tilespmem:$0x2900] =	vst v63  }
0x53: {  	s28 =	sadd.s32 $0x1700, s21;
	s29 =	sadd.s32 $0x280, s21  }
0x54: {  	[tilespmem:s28], [sflag:$0x1] =	stream.indirect.gather [hbm4b:s1+s10], $0x1, s29, s10, $0xb8;
	[tilespmem:$0x2900] =	vst v63  }
0x55: {  	s30 =	sadd.s32 $0x1750, s21;
	s31 =	sadd.s32 $0x2D0, s21  }
0x56: {  	[tilespmem:s30], [sflag:$0x1] =	stream.indirect.gather [hbm4b:s1+s10], $0x1, s31, s10, $0xb8;
	[tilespmem:$0x2900] =	vst v63  }
0x57: {  	_ =	swait.ge [sflag:s19], $0x50  }
0x58: {  	[sflag:s19] =	ssyncset.done $0x0  }
0x59: {  	[sflag:s19] =	ssyncadd.s32 $0xFFFFFFB0  }
0x5a: {  	_ =	swait.ge [sflag:s19], $0x50  }
0x5b: {  	[sflag:s19] =	ssyncset.done $0x0  }
0x5c: {  	[sflag:s19] =	ssyncadd.s32 $0xFFFFFFB0  }
0x5d: {  	_ =	swait.ge [sflag:s19], $0x50  }
0x5e: {  	[sflag:s19] =	ssyncset.done $0x0  }
0x5f: {  	[sflag:s19] =	ssyncadd.s32 $0xFFFFFFB0  }
0x60: {  	_ =	swait.ge [sflag:s19], $0x50  }
0x61: {  	[sflag:s19] =	ssyncset.done $0x0  }
0x62: {  	[sflag:s19] =	ssyncadd.s32 $0xFFFFFFB0  }
0x63: {  	_ =	swait.ge [sflag:s19], $0x50  }
0x64: {  	[sflag:s19] =	ssyncset.done $0x0  }
0x65: {  	[sflag:s19] =	ssyncadd.s32 $0xFFFFFFB0  }
0x66: {  	_ =	swait.ge [sflag:s19], $0x50  }
0x67: {  	[sflag:s19] =	ssyncset.done $0x0  }
0x68: {  	[sflag:s19] =	ssyncadd.s32 $0xFFFFFFB0  }
0x69: {  	_ =	swait.ge [sflag:s19], $0x50  }
0x6a: {  	[sflag:s19] =	ssyncset.done $0x0  }
0x6b: {  	[sflag:s19] =	ssyncadd.s32 $0xFFFFFFB0  }
0x6c: {  	_ =	swait.ge [sflag:s19], $0x50  }
0x6d: {  	[sflag:s19] =	ssyncset.done $0x0  }
0x6e: {  	[sflag:s19] =	ssyncadd.s32 $0xFFFFFFB0  }
0x6f: {  	_ =	swait.ge [sflag:s19], $0x50  }
0x70: {  	[sflag:s19] =	ssyncset.done $0x0  }
0x71: {  	[sflag:s19] =	ssyncadd.s32 $0xFFFFFFB0  }
0x72: {  	s20 =	sadd.s32 $0x1, s20;
	_ =	swait.ge [sflag:s19], $0x50  }
0x73: {  	p0 =	sne.s32 s20, s6;
	[sflag:s19] =	ssyncset.done $0x0  }
.Ltmp1:
0x74: {  	[sflag:s19] =	ssyncadd.s32 $0xFFFFFFB0;
	(pc) =	sbr.rel @p0 .LBB2_1-.Ltmp1, $4  }
0x75: {  	[hbm4b:s5+s7] =	stream.strided.scatter [tilespmem:s11], [sflag:$0x2], $0x1480, s8, s7, $0x38;
	[tilespmem:$0x2900] =	vst v63  }
0x76: {  	_ =	swait.ge [sflag:s9], $0x1480  }
0x77: {  	[sflag:s9] =	ssyncset.done $0x0  }
0x78: {  	[sflag:s9] =	ssyncadd.s32 $0xFFFFEB80  }
0x79: {  	_ =	sfence.sel $0x180000  }
0x7a: {  	[bflag:$0x0] =	sbarrier.arrive $0xFFFF  }
0x7b: {  	p0 =	sne.s32 s0, $0x0;
	_ =	strace $0x90000047  }
0x7c: {  	s0 =	sadd.s32 @!p0 $0x100000, s2;
	[bflag:$0x2] =	sbarrier.arrive $0xFFFF  }
0x7d: {  	[sflag:s0] =	ssyncadd.tile.s32 @!p0 $0x1;
	_ =	shalt  }
.Lfunc_end2:
_tile_overlayer_lowered:
.L_overlay_start_2:
0x7e: {  	(tag) =	ssettag $0x2  }
0x7f: {  	s0 =	rddreg [dreg:$0x0];
	s2 =	stileid.u32  }
0x80: {  	s1 =	rddreg [dreg:$0x1];
	p0 =	sne.s32 s2, $0x0  }
0x81: {  	s3 =	rddreg [dreg:$0x2];
	[bflag:$0x3] =	sbarrier.arrive $0xFFFF;
	s2 =	simm.s32 @!p0 $0x1C02  }
0x82: {  	[timem:s3], [sflag:s2] =	dma.local @!p0 [hbm:s0], s1  }
0x83: {  	s0 =	simm.s32 @!p0 $0x2  }
0x84: {  	_ =	swait.ge @!p0 [sflag:s0], s1  }
0x85: {  	s1 =	ssub.s32 @!p0 $0x0, s1;
	[sflag:s0] =	ssyncset.done @!p0 $0x0  }
0x86: {  	[sflag:s0] =	ssyncadd.s32 @!p0 s1  }
0x87: {  	[bflag:$0x3] =	sbarrier.arrive $0xFFFF  }
0x88: {  	_ =	shalt  }

// kernel: kernel.15.cloned.1.call-start
scs
__scs_entry_jumppad:
0x0: {  	(pc) =	sbr.rel $0x88, $3  }
0x1: {  	(tag) =	ssettag $0x0;
	lr =	simm.s32 $0x1  }
0x2: {  	[smem:$0x3F97] =	sst lr;
	_ =	strace $0xD0000000  }
0x3: {  	_ = 	snop  }
0x4: {  	_ = 	snop  }
0x5: {  	_ = 	snop  }
0x6: {  	_ = 	snop  }
0x7: {  	_ = 	snop  }
__scs_overlays_trampoline_lowered:
0x8: {  	[smem:$0x3FA6] =	sst s0  }
0x9: {  	[smem:$0x3FA7] =	sst s1  }
0xa: {  	[smem:$0x3FA8] =	sst s2  }
0xb: {  	[smem:$0x3FA9] =	sst s3  }
0xc: {  	[smem:$0x3FAA] =	sst s4  }
0xd: {  	[smem:$0x3FAB] =	sst s5  }
0xe: {  	[smem:$0x3FAC] =	sst s6  }
0xf: {  	[smem:$0x3FAD] =	sst s7  }
0x10: {  	[smem:$0x3FAE] =	sst s8  }
0x11: {  	[smem:$0x3FAF] =	sst s9;
	s0 =	simm.s32 @!p0 $0x0  }
0x12: {  	s1 =	sld [smem:$0x3F95];
	s0 =	simm.s32 @p0 $0x1  }
0x13: {  	[smem:$0x3FB0] =	sst s0;
	s0 =	simm.s32 @!p1 $0x0  }
0x14: {  	s2 =	sld [smem:$0x3F94];
	s0 =	simm.s32 @p1 $0x1  }
0x15: {  	[smem:$0x3FB1] =	sst s0;
	s0 =	simm.s32 @!p2 $0x0  }
0x16: {  	s3 =	sld [smem:$0x3FDB];
	s0 =	simm.s32 @p2 $0x1  }
0x17: {  	s4 =	simm.s32 $0x1BF5;
	[smem:$0x3FB3] =	sst s0  }
0x18: {  	s0 =	sld [smem:$0x3F96];
	_ =	swait.ge [sflag:s4], $0x0  }
0x19: {  	s7 =	sld [smem:$0x3F97]  }
0x1a: {  	s8 =	sadd.s32 $0xFFFFE003, lr  }
0x1b: {  	s9 =	sadd.s32 $0xFFFFFEF7, lr;
	s5 =	simm.s32 $0xFFFFFFFF;
	p2 =	slt.u32 s8, $0xFFFFF086  }
0x1c: {  	p1 =	slt.u32 s9, $0xF7A;
	s5 =	simm.s32 @!p2 $0x0  }
0x1d: {  	s5 =	simm.s32 @p1 $0x1;
	p0 =	seq.s32 s7, s2  }
0x1e: {  	s7 =	smul.u32 @!p0 $0xF7A, s2;
	p2 =	seq.s32 @!p0 s5, $0x0  }
0x1f: {  	s9 =	smul.u32 $0xF7A, s1;
	s8 =	simm.s32 @!p0 $0x1BF5;
	p2 =	por !p2, p0  }
0x20: {  	[sflag:s8] =	ssyncset.s32 @!p0 $0xFFFFF086;
	s6 =	sadd.s32 @!p0 s3, s7;
	s7 =	simm.s32 @!p0 $0x108  }
0x21: {  	s3 =	sadd.s32 s3, s9;
	s6 =	sadd.s32 @!p0 $0x88, s6;
	s7 =	simm.s32 @p2 $0x1082  }
0x22: {  	[simem:s7], [sflag:s8] =	dma.local @!p0 [hbm:s6], $0xF7A  }
0x23: {  	s9 =	sor.u32 $0xD0000000, s2;
	s6 =	simm.s32 $0x108;
	_ =	swait.ge @!p0 [sflag:s8], $0x0  }
0x24: {  	s3 =	sadd.s32 $0x88, s3;
	s6 =	simm.s32 @!p1 $0x1082;
	[sflag:s4] =	ssyncset.s32 $0xFFFFF086  }
0x25: {  	[simem:s6], [sflag:s4] =	dma.local [hbm:s3], $0xF7A  }
0x26: {  	[smem:$0x3F97] =	sst s1;
	(tag) =	ssettag s2;
	_ =	strace s9  }
0x27: {  	s1 =	sld [smem:$0x3FA7]  }
0x28: {  	s2 =	sld [smem:$0x3FA8]  }
0x29: {  	s4 =	sld [smem:$0x3FAA]  }
0x2a: {  	p0 =	seq.s32 s5, $0x0;
	s5 =	sld [smem:$0x3FAB]  }
0x2b: {  	s6 =	sld [smem:$0x3FAC]  }
0x2c: {  	s7 =	sld [smem:$0x3FAD]  }
0x2d: {  	s3 =	simm.s32 $0x108;
	s8 =	sld [smem:$0x3FAE]  }
0x2e: {  	s3 =	simm.s32 @!p0 $0x1082;
	s9 =	sld [smem:$0x3FAF]  }
0x2f: {  	lr =	sadd.s32 s0, s3;
	s0 =	sld [smem:$0x3FA6]  }
0x30: {  	s3 =	sld [smem:$0x3FA9]  }
0x31: {  	[smem:$0x3FB2] =	sst s10  }
0x32: {  	s10 =	sld [smem:$0x3FB0];
	_ =	sdelay $0x3  }
0x33: {  	p0 =	seq.s32 s10, $0x1;
	s10 =	sld [smem:$0x3FB2];
	_ =	sdelay $0x3  }
0x34: {  	[smem:$0x3FB2] =	sst s10  }
0x35: {  	s10 =	sld [smem:$0x3FB1];
	_ =	sdelay $0x3  }
0x36: {  	p1 =	seq.s32 s10, $0x1;
	s10 =	sld [smem:$0x3FB2];
	_ =	sdelay $0x3  }
0x37: {  	[smem:$0x3FB2] =	sst s10  }
0x38: {  	s10 =	sld [smem:$0x3FB3]  }
0x39: {  	_ = 	snop;
	(pc) =	sbr.ind lr, $3  }
0x3a: {  	_ = 	snop  }
0x3b: {  	_ = 	snop  }
0x3c: {  	p2 =	seq.s32 s10, $0x1;
	s10 =	sld [smem:$0x3FB2]  }
0x3d: {  	_ =	shalt  }
0x3e: {  	_ =	shalt  }
0x3f: {  	_ =	shalt  }
0x40: {  	_ =	shalt  }
0x41: {  	_ =	shalt  }
0x42: {  	_ =	shalt  }
0x43: {  	_ =	shalt  }
0x44: {  	_ =	shalt  }
0x45: {  	_ =	shalt  }
0x46: {  	_ =	shalt  }
0x47: {  	_ =	shalt  }
0x48: {  	_ =	shalt  }
0x49: {  	_ =	shalt  }
0x4a: {  	_ =	shalt  }
0x4b: {  	_ =	shalt  }
0x4c: {  	_ =	shalt  }
0x4d: {  	_ =	shalt  }
0x4e: {  	_ =	shalt  }
0x4f: {  	_ =	shalt  }
0x50: {  	_ =	shalt  }
0x51: {  	_ =	shalt  }
0x52: {  	_ =	shalt  }
0x53: {  	_ =	shalt  }
0x54: {  	_ =	shalt  }
0x55: {  	_ =	shalt  }
0x56: {  	_ =	shalt  }
0x57: {  	_ =	shalt  }
0x58: {  	_ =	shalt  }
0x59: {  	_ =	shalt  }
0x5a: {  	_ =	shalt  }
0x5b: {  	_ =	shalt  }
0x5c: {  	_ =	shalt  }
0x5d: {  	_ =	shalt  }
0x5e: {  	_ =	shalt  }
0x5f: {  	_ =	shalt  }
0x60: {  	_ =	shalt  }
0x61: {  	_ =	shalt  }
0x62: {  	_ =	shalt  }
0x63: {  	_ =	shalt  }
0x64: {  	_ =	shalt  }
0x65: {  	_ =	shalt  }
0x66: {  	_ =	shalt  }
0x67: {  	_ =	shalt  }
0x68: {  	_ =	shalt  }
0x69: {  	_ =	shalt  }
0x6a: {  	_ =	shalt  }
0x6b: {  	_ =	shalt  }
0x6c: {  	_ =	shalt  }
0x6d: {  	_ =	shalt  }
0x6e: {  	_ =	shalt  }
0x6f: {  	_ =	shalt  }
0x70: {  	_ =	shalt  }
0x71: {  	_ =	shalt  }
0x72: {  	_ =	shalt  }
0x73: {  	_ =	shalt  }
0x74: {  	_ =	shalt  }
0x75: {  	_ =	shalt  }
0x76: {  	_ =	shalt  }
0x77: {  	_ =	shalt  }
0x78: {  	_ =	shalt  }
0x79: {  	_ =	shalt  }
0x7a: {  	_ =	shalt  }
0x7b: {  	_ =	shalt  }
0x7c: {  	_ =	shalt  }
0x7d: {  	_ =	shalt  }
0x7e: {  	_ =	shalt  }
0x7f: {  	_ =	shalt  }
0x80: {  	_ =	shalt  }
0x81: {  	_ =	shalt  }
0x82: {  	_ =	shalt  }
0x83: {  	_ =	shalt  }
0x84: {  	_ =	shalt  }
0x85: {  	_ =	shalt  }
0x86: {  	_ =	shalt  }
0x87: {  	_ =	shalt  }
.Lfunc_end0:
.L_simem_size_0:
called_computation.2_lowered:
.L_overlay_start_0:
0x88: {  	s2 =	sld [smem:$0x3FD9]  }
0x89: {  	s3 =	sld [smem:$0x3FFE];
	_ =	sdelay $0x1  }
0x8a: {  	s1 =	srdreg.scid  }
0x8b: {  	s0 =	sand.u32 $0x1, s1  }
0x8c: {  	s17 =	sshll.u32 s0, $0xA;
	s2 =	sadd.s32 s3, s2  }
0x8d: {  	s2 =	sadd.s32 s2, s17  }
0x8e: {  	[smem:$0x3FBE] =	sst s2  }
0x8f: {  	_ = 	snop  }
0x90: {  	s18 =	sld [smem:$0x3FD0];
	(tm) =	ssettm $0x1  }
0x91: {  	s19 =	sld [smem:$0x3FFB];
	_ =	sdelay $0x3  }
0x92: {  	_ =	strace s19  }
0x93: {  	s2 =	sld [smem:$0x3FFC];
	_ =	sdelay $0x3  }
0x94: {  	_ =	strace s2  }
0x95: {  	s2 =	sld [smem:$0x3FFD];
	_ =	sdelay $0x3  }
0x96: {  	_ =	strace s2  }
0x97: {  	_ =	strace $0x8FFFFFFF  }
0x98: {  	s20 =	sld [smem:$0x3FDB];
	_ =	sdelay $0x1  }
0x99: {  	s4 =	simm.s32 $_scs_section_size  }
0x9a: {  	s5 =	simm.s32 $_size__tile_overlayer_lowered;
	s6 =	simm.s32 $_tile_overlayer_lowered  }
0x9b: {  	s7 =	simm.s32 $0x1BFF;
	s21 =	sshll.u32 s6, $0x1;
	s4 =	sadd.s32 s4, s20  }
0x9c: {  	s22 =	simm.s32 $0x0;
	s5 =	sshll.u32 s5, $0x1;
	s6 =	sadd.s32 s21, s4  }
0x9d: {  	[timem:s22], [sflag:s7] =	dma.local [hbm:s6], s5  }
0x9e: {  	_ =	swait.ge [sflag:s7], s5  }
0x9f: {  	s5 =	ssub.s32 $0x0, s5;
	[sflag:s7] =	ssyncset.done $0x0  }
0xa0: {  	[sflag:s7] =	ssyncadd.s32 s5;
	_ =	sdelay $0x1  }
0xa1: {  	s23 =	simm.s32 $0x1B8B  }
0xa2: {  	_ =	swait.ge [sflag:s23], $0x1  }
0xa3: {  	[sflag:s23] =	ssyncset.done $0x0  }
0xa4: {  	[sflag:s23] =	ssyncadd.s32 $0xFFFFFFFF  }
0xa5: {  	s5 =	sld [smem:$0x0]  }
0xa6: {  	s6 =	sand.u32 $0xFFFFFFFE, s1  }
0xa7: {  	p0 =	sne.s32 s1, s6  }
0xa8: {  	s6 =	sshll.u32 @p0 s6, $0xE  }
0xa9: {  	s6 =	sadd.s32 @p0 $0x11B8D, s6;
	s7 =	sshll.u32 @p0 s5, $0x11  }
0xaa: {  	s6 =	sor.u32 @p0 s7, s6  }
0xab: {  	[sflag:s6] =	ssyncadd.remote.s32 @p0 $0x1;
	_ =	sdelay $0x1  }
0xac: {  	s6 =	simm.s32 @p0 $0x1B8D  }
0xad: {  	_ =	swait.eq @p0 [sflag:s6], $0x1  }
0xae: {  	[sflag:s6] =	ssyncadd.s32 @p0 $0xFFFFFFFF  }
0xaf: {  	s7 =	sshll.u32 @!p0 s1, $0xE  }
0xb0: {  	s7 =	sor.u32 @!p0 $0x4000, s7;
	s6 =	simm.s32 @!p0 $0x1B8D  }
0xb1: {  	s5 =	sshll.u32 @!p0 s5, $0x11;
	s7 =	sadd.s32 @!p0 $0x11B8D, s7;
	_ =	swait.eq @!p0 [sflag:s6], $0x1  }
0xb2: {  	s5 =	sor.u32 @!p0 s5, s7;
	[sflag:s6] =	ssyncadd.s32 @!p0 $0xFFFFFFFF  }
0xb3: {  	s25 =	simm.s32 $0x1B8E;
	s24 =	sld [smem:$0x3FFE];
	[sflag:s5] =	ssyncadd.remote.s32 @!p0 $0x1  }
0xb4: {  	s26 =	simm.s32 $execute0_lowered;
	[smem:$0x3FD2] =	sst s25  }
0xb5: {  	s6 =	sshll.u32 s26, $0x1;
	_ =	strace $0x8000004F;
	[dreg:$0x1] =	wrdreg $0xFFFFFFFF  }
0xb6: {  	s28 =	simm.s32 $_size_execute0_lowered;
	s4 =	sadd.s32 s4, s6;
	[dreg:$0x0] =	wrdreg $0x0  }
0xb7: {  	s6 =	sshll.u32 s28, $0x1;
	[dreg:$0x2] =	wrdreg s4  }
0xb8: {  	[dreg:$0x3] =	wrdreg s6  }
0xb9: {  	[dreg:$0x4] =	wrdreg $0xC0  }
0xba: {  	_ =	task [dreg:s22], $0x5FFFF  }
0xbb: {  	[dreg:$0x1] =	wrdreg $0xFFFFFFFF  }
0xbc: {  	[dreg:$0x0] =	wrdreg $0x60  }
0xbd: {  	[dreg:$0x2] =	wrdreg s24  }
0xbe: {  	[dreg:$0x3] =	wrdreg s18  }
0xbf: {  	[dreg:$0x4] =	wrdreg $0x70000  }
0xc0: {  	[dreg:$0x5] =	wrdreg $0x9  }
0xc1: {  	_ =	task.clear_ibuf [dreg:s22], $0x6FFFF;
	_ =	strace $0x9000004F  }
0xc2: {  	s29 =	simm.s32 $0x9;
	_ =	strace $0x80000051  }
0xc3: {  	_ =	swait.ge [sflag:s29], $0x1  }
0xc4: {  	[sflag:s29] =	ssyncadd.s32 $0xFFFFFFFF  }
0xc5: {  	_ =	strace $0x90000051  }
0xc6: {  	_ =	sfence  }
0xc7: {  	s30 =	sld [smem:$0x0];
	_ =	sdelay $0x2  }
0xc8: {  	s31 =	sshll.u32 s1, $0xD;
	s1 =	sshrl.u32 s1, $0x2  }
0xc9: {  	s4 =	sand.u32 $0x4000, s31;
	s1 =	sadd.s32 s1, s30  }
0xca: {  	s0 =	sor.u32 s4, s0;
	s1 =	sshll.u32 s1, $0x11  }
0xcb: {  	s0 =	sor.u32 s1, s0  }
0xcc: {  	s0 =	sadd.s32 $0x8F2B, s0  }
0xcd: {  	[sflag:s0] =	ssyncadd.remote.s32 $0x1  }
0xce: {  	_ =	sfence.sel $0xFFFF  }
0xcf: {  	[dreg:$0x0] =	wrdreg $0xFFFFFFFF;
	(pc) =	sbr.abs _section_cstart, $3  }
0xd0: {  	[dreg:$0x1] =	wrdreg $0xFFFFFFFF  }
0xd1: {  	_ =	task.clear_ibuf [dreg:s22], $0x2FFFF;
	_ =	strace $0x9FFFFFFF  }
0xd2: {  	(tm) =	ssettm $0x7FFFFFFF  }
0xd3: {  	_ =	shalt  }
tec
execute0_lowered:
.L_overlay_start_1:
0x0: {  	(tag) =	ssettag $0x1  }
0x1: {  	s4 =	rddreg [dreg:$0x0]  }
0x2: {  	s5 =	rddreg [dreg:$0x1]  }
0x3: {  	s2 =	rddreg [dreg:$0x2]  }
0x4: {  	s0 =	rddreg [dreg:$0x3];
	s6 =	srdreg.scid  }
0x5: {  	s1 =	stileid.u32;
	s3 =	simm.s32 $0x0;
	s18 =	simm.s32 $0x1  }
0x6: {  	s19 =	simm.s32 $0x4800;
	s20 =	simm.s32 $0x50;
	s21 =	simm.s32 $0x4  }
0x7: {  	s22 =	simm.s32 $0x2;
	s23 =	simm.s32 $0x1D00;
	s8 =	smul.u32 $0x4E000, s1  }
0x8: {  	s9 =	sand.u32 $0x1, s6;
	s24 =	sshll.u32 s1, $0x1;
	s10 =	smul.u32 $0x2700, s1  }
0x9: {  	[smem:$0x7FF] =	sst s3;
	s11 =	sadd.s32 $0x2F9000, s4;
	s28 =	smul.u32 $0x13800, s1  }
0xa: {  	s12 =	sadd.s32 $0x551000, s4;
	s17 =	sadd.s32 $0x124800, s2;
	s30 =	smul.u32 $0x25800, s1  }
0xb: {  	p0 =	seq.s32 s1, $0xF;
	s6 =	sor.u32 s9, s24;
	s14 =	smul.u32 $0x138800, s9  }
0xc: {  	_ =	strace $0x80000050;
	s25 =	ssub.s32 $0x2, s9;
	s31 =	smul.u32 $0x12C00, s9  }
0xd: {  	s24 =	simm.s32 $0x1D80;
	s7 =	sshll.u32 s6, $0xA;
	s13 =	smul.u32 $0x12C00, s6  }
0xe: {  	s26 =	sshrl.u32 s25, $0x1;
	s8 =	sshrl.u32 s8, $0x2;
	s7 =	sadd.s32 s7, s4  }
0xf: {  	s15 =	ssub.s32 s25, s26;
	s16 =	sadd.s32 s8, s2;
	s4 =	sadd.s32 s5, s10  }
0x10: {  	s5 =	sadd.s32 $0x24900, s5;
	s8 =	sadd.s32 s28, s14;
	s29 =	sshrl.u32 s14, $0x3  }
0x11: {  	s14 =	sshll.u32 @!p0 s1, $0x6;
	s25 =	simm.s32 $0x0;
	s6 =	sadd.s32 $0x2F1000, s7  }
0x12: {  	s7 =	sadd.s32 s11, s13;
	s8 =	sshrl.u32 s8, $0x3;
	s10 =	sadd.s32 s12, s29  }
0x13: {  	s13 =	sadd.s32 s30, s11;
	s14 =	sor.u32 @!p0 $0x1C03, s14;
	s8 =	sadd.s32 s12, s8  }
0x14: {  	s9 =	sadd.s32 $0x24900, s10;
	s10 =	smax.u32 s15, $0x1;
	s11 =	sadd.s32 $0x12700, s7  }
0x15: {  	s12 =	sadd.s32 s31, s13;
	s13 =	sshrl.u32 @p0 s17, $0x3;
	s15 =	sshrl.u32 @!p0 s16, $0x3  }
0x16: {  	s16 =	simm.s32 $0x3;
	s17 =	simm.s32 $0x2000;
	s12 =	sadd.s32 $0x500, s12  }
.LBB2_1:
0x17: {  	s26 =	simm.s32 @p0 $0x1FC3  }
0x18: {  	[spmem:s13], [sflag:s26] =	dma.local @p0 [hbm:s5], $0x2800  }
0x19: {  	s26 =	simm.s32 @p0 $0x3  }
0x1a: {  	_ =	swait.ge @p0 [sflag:s26], $0x2800  }
0x1b: {  	[sflag:s26] =	ssyncset.done @p0 $0x0  }
0x1c: {  	[sflag:s26] =	ssyncadd.s32 @p0 $0xFFFFD800;
	s26 =	simm.s32 @!p0 $0x3  }
0x1d: {  	[spmem:s15], [sflag:s14] =	dma.local @!p0 [hbm:s4], $0x2700  }
0x1e: {  	_ =	swait.ge @!p0 [sflag:s26], $0x2700  }
0x1f: {  	[sflag:s26] =	ssyncset.done @!p0 $0x0  }
0x20: {  	[sflag:s26] =	ssyncadd.s32 @!p0 $0xFFFFD900  }
0x21: {  	[tilespmem:s3], [sflag:$0x3] =	stream.linear.gather [hbm4b:s6+s3], $0x1E00, $0x38;
	[tilespmem:$0x1A880] =	vst v63  }
0x22: {  	_ =	swait.ge [sflag:s16], $0x1E00  }
0x23: {  	[sflag:s16] =	ssyncset.done $0x0  }
0x24: {  	[sflag:s16] =	ssyncadd.s32 $0xFFFFE200  }
0x25: {  	[bflag:$0x0] =	sbarrier.arrive $0xFFFF  }
0x26: {  	[tilespmem:s17], [sflag:$0x1] =	stream.linear.gather [hbm4b:s7+s3], $0x2800, $0x38;
	[tilespmem:$0x1A880] =	vst v63  }
0x27: {  	_ =	swait.ge [sflag:s18], $0x2800  }
0x28: {  	[sflag:s18] =	ssyncset.done $0x0  }
0x29: {  	[sflag:s18] =	ssyncadd.s32 $0xFFFFD800  }
0x2a: {  	[tilespmem:s19], [sflag:$0x2] =	stream.linear.gather [hbm4b:s12+s3], $0x2800, $0x38;
	[tilespmem:$0x1A880] =	vst v63  }
0x2b: {  	s29 =	simm.s32 $0x0  }
0x2c: {  	[spmem:s2] =	stream.indirect.scatter.add.f32 [tilespmem:s17], [sflag:$0x4], $0x80, s29, s20, $0xb8;
	[tilespmem:$0x1A880] =	vst v63  }
0x2d: {  	_ =	swait.ge [sflag:s21], $0x2800  }
0x2e: {  	[sflag:s21] =	ssyncset.done $0x0  }
0x2f: {  	[sflag:s21] =	ssyncadd.s32 $0xFFFFD800  }
0x30: {  	_ =	swait.ge [sflag:s22], $0x2800  }
0x31: {  	[sflag:s22] =	ssyncset.done $0x0  }
0x32: {  	s30 =	sadd.s32 $0x500, s12;
	[sflag:s22] =	ssyncadd.s32 $0xFFFFD800  }
0x33: {  	[tilespmem:s17], [sflag:$0x1] =	stream.linear.gather [hbm4b:s30+s3], $0x2800, $0x38;
	[tilespmem:$0x1A880] =	vst v63  }
0x34: {  	s31 =	simm.s32 $0x80  }
0x35: {  	[spmem:s2] =	stream.indirect.scatter.add.f32 [tilespmem:s19], [sflag:$0x3], $0x80, s31, s20, $0xb8;
	[tilespmem:$0x1A880] =	vst v63  }
0x36: {  	_ =	swait.ge [sflag:s16], $0x2800  }
0x37: {  	s28 =	smov.u32 s12;
	s26 =	simm.s32 $0x400;
	[sflag:s16] =	ssyncset.done $0x0  }
.LBB2_2:
0x38: {  	p1 =	sne.s32 s26, $0x7000;
	[sflag:s16] =	ssyncadd.s32 $0xFFFFD800;
	s28 =	sadd.s32 $0xA00, s28  }
0x39: {  	s29 =	smov.u32 s26;
	s26 =	sadd.s32 $0x400, s26  }
0x3a: {  	_ =	swait.ge [sflag:s18], $0x2800  }
0x3b: {  	[sflag:s18] =	ssyncset.done $0x0  }
0x3c: {  	[sflag:s18] =	ssyncadd.s32 $0xFFFFD800  }
0x3d: {  	[tilespmem:s19], [sflag:$0x2] =	stream.linear.gather [hbm4b:s28+s3], $0x2800, $0x38;
	[tilespmem:$0x1A880] =	vst v63  }
0x3e: {  	s29 =	sshra.s32 s29, $0x2  }
0x3f: {  	[spmem:s2] =	stream.indirect.scatter.add.f32 [tilespmem:s17], [sflag:$0x4], $0x80, s29, s20, $0xb8;
	[tilespmem:$0x1A880] =	vst v63  }
0x40: {  	_ =	swait.ge [sflag:s21], $0x2800  }
0x41: {  	[sflag:s21] =	ssyncset.done $0x0  }
0x42: {  	[sflag:s21] =	ssyncadd.s32 $0xFFFFD800  }
0x43: {  	_ =	swait.ge [sflag:s22], $0x2800  }
0x44: {  	[sflag:s22] =	ssyncset.done $0x0  }
0x45: {  	s30 =	sadd.s32 $0x500, s28;
	[sflag:s22] =	ssyncadd.s32 $0xFFFFD800  }
0x46: {  	[tilespmem:s17], [sflag:$0x1] =	stream.linear.gather [hbm4b:s30+s3], $0x2800, $0x38;
	[tilespmem:$0x1A880] =	vst v63  }
.Ltmp0:
0x47: {  	_ = 	snop;
	(pc) =	sbr.rel @p1 .LBB2_2-.Ltmp0, $4  }
0x48: {  	s29 =	sadd.s32 $0x80, s29  }
0x49: {  	[spmem:s2] =	stream.indirect.scatter.add.f32 [tilespmem:s19], [sflag:$0x3], $0x80, s29, s20, $0xb8;
	[tilespmem:$0x1A880] =	vst v63  }
0x4a: {  	_ =	swait.ge [sflag:s16], $0x2800  }
0x4b: {  	[sflag:s16] =	ssyncset.done $0x0  }
0x4c: {  	[sflag:s16] =	ssyncadd.s32 $0xFFFFD800  }
0x4d: {  	_ =	swait.ge [sflag:s18], $0x2800  }
0x4e: {  	[sflag:s18] =	ssyncset.done $0x0  }
0x4f: {  	[sflag:s18] =	ssyncadd.s32 $0xFFFFD800  }
0x50: {  	[tilespmem:s19], [sflag:$0x2] =	stream.linear.gather [hbm4b:s11+s3], $0x2800, $0x38;
	[tilespmem:$0x1A880] =	vst v63  }
0x51: {  	_ = 	snop  }
0x52: {  	[spmem:s2] =	stream.indirect.scatter.add.f32 [tilespmem:s17], [sflag:$0x4], $0x80, s23, s20, $0xb8;
	[tilespmem:$0x1A880] =	vst v63  }
0x53: {  	_ =	swait.ge [sflag:s21], $0x2800  }
0x54: {  	[sflag:s21] =	ssyncset.done $0x0  }
0x55: {  	[sflag:s21] =	ssyncadd.s32 $0xFFFFD800  }
0x56: {  	_ =	swait.ge [sflag:s22], $0x2800  }
0x57: {  	[sflag:s22] =	ssyncset.done $0x0  }
0x58: {  	[sflag:s22] =	ssyncadd.s32 $0xFFFFD800  }
0x59: {  	[spmem:s2] =	stream.indirect.scatter.add.f32 [tilespmem:s19], [sflag:$0x3], $0x80, s24, s20, $0xb8;
	[tilespmem:$0x1A880] =	vst v63  }
0x5a: {  	_ =	swait.ge [sflag:s16], $0x2800  }
0x5b: {  	[sflag:s16] =	ssyncset.done $0x0  }
0x5c: {  	[sflag:s16] =	ssyncadd.s32 $0xFFFFD800  }
0x5d: {  	s26 =	simm.s32 @p0 $0x1FC3;
	[bflag:$0x0] =	sbarrier.arrive $0xFFFF  }
0x5e: {  	[hbm:s9], [sflag:s26] =	dma.local @p0 [spmem:s13], $0x2800  }
0x5f: {  	s26 =	simm.s32 @p0 $0x3  }
0x60: {  	s25 =	sadd.s32 $0x1, s25;
	_ =	swait.ge @p0 [sflag:s26], $0x2800  }
0x61: {  	p1 =	sne.s32 s25, s10;
	[sflag:s26] =	ssyncset.done @p0 $0x0  }
.Ltmp1:
0x62: {  	[sflag:s26] =	ssyncadd.s32 @p0 $0xFFFFD800;
	s26 =	simm.s32 @!p0 $0x3;
	(pc) =	sbr.rel @p1 .LBB2_1-.Ltmp1, $4  }
0x63: {  	[hbm:s8], [sflag:s14] =	dma.local @!p0 [spmem:s15], $0x2700  }
0x64: {  	_ =	swait.ge @!p0 [sflag:s26], $0x2700  }
0x65: {  	[sflag:s26] =	ssyncset.done @!p0 $0x0  }
0x66: {  	[sflag:s26] =	ssyncadd.s32 @!p0 $0xFFFFD900  }
0x67: {  	_ =	sfence.sel $0x180000  }
0x68: {  	[bflag:$0x0] =	sbarrier.arrive $0xFFFF  }
0x69: {  	p0 =	sne.s32 s1, $0x0;
	_ =	strace $0x90000050  }
0x6a: {  	s0 =	sadd.s32 @!p0 $0x100000, s0;
	[bflag:$0x2] =	sbarrier.arrive $0xFFFF  }
0x6b: {  	[sflag:s0] =	ssyncadd.tile.s32 @!p0 $0x1;
	_ =	shalt  }
.Lfunc_end2:
_tile_overlayer_lowered:
.L_overlay_start_2:
0x6c: {  	(tag) =	ssettag $0x2  }
0x6d: {  	s0 =	rddreg [dreg:$0x0];
	s2 =	stileid.u32  }
0x6e: {  	s1 =	rddreg [dreg:$0x1];
	p0 =	sne.s32 s2, $0x0  }
0x6f: {  	s3 =	rddreg [dreg:$0x2];
	[bflag:$0x3] =	sbarrier.arrive $0xFFFF;
	s2 =	simm.s32 @!p0 $0x1C03  }
0x70: {  	[timem:s3], [sflag:s2] =	dma.local @!p0 [hbm:s0], s1  }
0x71: {  	s0 =	simm.s32 @!p0 $0x3  }
0x72: {  	_ =	swait.ge @!p0 [sflag:s0], s1  }
0x73: {  	s1 =	ssub.s32 @!p0 $0x0, s1;
	[sflag:s0] =	ssyncset.done @!p0 $0x0  }
0x74: {  	[sflag:s0] =	ssyncadd.s32 @!p0 s1  }
0x75: {  	[bflag:$0x3] =	sbarrier.arrive $0xFFFF  }
0x76: {  	_ =	shalt  }

// kernel: kernel.18.cloned.1.call-start
scs
__scs_entry_jumppad:
0x0: {  	(pc) =	sbr.rel $0x88, $3  }
0x1: {  	(tag) =	ssettag $0x0;
	lr =	simm.s32 $0x1  }
0x2: {  	[smem:$0x3F97] =	sst lr;
	_ =	strace $0xD0000000  }
0x3: {  	_ = 	snop  }
0x4: {  	_ = 	snop  }
0x5: {  	_ = 	snop  }
0x6: {  	_ = 	snop  }
0x7: {  	_ = 	snop  }
__scs_overlays_trampoline_lowered:
0x8: {  	[smem:$0x3FA6] =	sst s0  }
0x9: {  	[smem:$0x3FA7] =	sst s1  }
0xa: {  	[smem:$0x3FA8] =	sst s2  }
0xb: {  	[smem:$0x3FA9] =	sst s3  }
0xc: {  	[smem:$0x3FAA] =	sst s4  }
0xd: {  	[smem:$0x3FAB] =	sst s5  }
0xe: {  	[smem:$0x3FAC] =	sst s6  }
0xf: {  	[smem:$0x3FAD] =	sst s7  }
0x10: {  	[smem:$0x3FAE] =	sst s8  }
0x11: {  	[smem:$0x3FAF] =	sst s9;
	s0 =	simm.s32 @!p0 $0x0  }
0x12: {  	s1 =	sld [smem:$0x3F95];
	s0 =	simm.s32 @p0 $0x1  }
0x13: {  	[smem:$0x3FB0] =	sst s0;
	s0 =	simm.s32 @!p1 $0x0  }
0x14: {  	s2 =	sld [smem:$0x3F94];
	s0 =	simm.s32 @p1 $0x1  }
0x15: {  	[smem:$0x3FB1] =	sst s0;
	s0 =	simm.s32 @!p2 $0x0  }
0x16: {  	s3 =	sld [smem:$0x3FDB];
	s0 =	simm.s32 @p2 $0x1  }
0x17: {  	s4 =	simm.s32 $0x1BF5;
	[smem:$0x3FB3] =	sst s0  }
0x18: {  	s0 =	sld [smem:$0x3F96];
	_ =	swait.ge [sflag:s4], $0x0  }
0x19: {  	s7 =	sld [smem:$0x3F97]  }
0x1a: {  	s8 =	sadd.s32 $0xFFFFE003, lr  }
0x1b: {  	s9 =	sadd.s32 $0xFFFFFEF7, lr;
	s5 =	simm.s32 $0xFFFFFFFF;
	p2 =	slt.u32 s8, $0xFFFFF086  }
0x1c: {  	p1 =	slt.u32 s9, $0xF7A;
	s5 =	simm.s32 @!p2 $0x0  }
0x1d: {  	s5 =	simm.s32 @p1 $0x1;
	p0 =	seq.s32 s7, s2  }
0x1e: {  	s7 =	smul.u32 @!p0 $0xF7A, s2;
	p2 =	seq.s32 @!p0 s5, $0x0  }
0x1f: {  	s9 =	smul.u32 $0xF7A, s1;
	s8 =	simm.s32 @!p0 $0x1BF5;
	p2 =	por !p2, p0  }
0x20: {  	[sflag:s8] =	ssyncset.s32 @!p0 $0xFFFFF086;
	s6 =	sadd.s32 @!p0 s3, s7;
	s7 =	simm.s32 @!p0 $0x108  }
0x21: {  	s3 =	sadd.s32 s3, s9;
	s6 =	sadd.s32 @!p0 $0x88, s6;
	s7 =	simm.s32 @p2 $0x1082  }
0x22: {  	[simem:s7], [sflag:s8] =	dma.local @!p0 [hbm:s6], $0xF7A  }
0x23: {  	s9 =	sor.u32 $0xD0000000, s2;
	s6 =	simm.s32 $0x108;
	_ =	swait.ge @!p0 [sflag:s8], $0x0  }
0x24: {  	s3 =	sadd.s32 $0x88, s3;
	s6 =	simm.s32 @!p1 $0x1082;
	[sflag:s4] =	ssyncset.s32 $0xFFFFF086  }
0x25: {  	[simem:s6], [sflag:s4] =	dma.local [hbm:s3], $0xF7A  }
0x26: {  	[smem:$0x3F97] =	sst s1;
	(tag) =	ssettag s2;
	_ =	strace s9  }
0x27: {  	s1 =	sld [smem:$0x3FA7]  }
0x28: {  	s2 =	sld [smem:$0x3FA8]  }
0x29: {  	s4 =	sld [smem:$0x3FAA]  }
0x2a: {  	p0 =	seq.s32 s5, $0x0;
	s5 =	sld [smem:$0x3FAB]  }
0x2b: {  	s6 =	sld [smem:$0x3FAC]  }
0x2c: {  	s7 =	sld [smem:$0x3FAD]  }
0x2d: {  	s3 =	simm.s32 $0x108;
	s8 =	sld [smem:$0x3FAE]  }
0x2e: {  	s3 =	simm.s32 @!p0 $0x1082;
	s9 =	sld [smem:$0x3FAF]  }
0x2f: {  	lr =	sadd.s32 s0, s3;
	s0 =	sld [smem:$0x3FA6]  }
0x30: {  	s3 =	sld [smem:$0x3FA9]  }
0x31: {  	[smem:$0x3FB2] =	sst s10  }
0x32: {  	s10 =	sld [smem:$0x3FB0];
	_ =	sdelay $0x3  }
0x33: {  	p0 =	seq.s32 s10, $0x1;
	s10 =	sld [smem:$0x3FB2];
	_ =	sdelay $0x3  }
0x34: {  	[smem:$0x3FB2] =	sst s10  }
0x35: {  	s10 =	sld [smem:$0x3FB1];
	_ =	sdelay $0x3  }
0x36: {  	p1 =	seq.s32 s10, $0x1;
	s10 =	sld [smem:$0x3FB2];
	_ =	sdelay $0x3  }
0x37: {  	[smem:$0x3FB2] =	sst s10  }
0x38: {  	s10 =	sld [smem:$0x3FB3]  }
0x39: {  	_ = 	snop;
	(pc) =	sbr.ind lr, $3  }
0x3a: {  	_ = 	snop  }
0x3b: {  	_ = 	snop  }
0x3c: {  	p2 =	seq.s32 s10, $0x1;
	s10 =	sld [smem:$0x3FB2]  }
0x3d: {  	_ =	shalt  }
0x3e: {  	_ =	shalt  }
0x3f: {  	_ =	shalt  }
0x40: {  	_ =	shalt  }
0x41: {  	_ =	shalt  }
0x42: {  	_ =	shalt  }
0x43: {  	_ =	shalt  }
0x44: {  	_ =	shalt  }
0x45: {  	_ =	shalt  }
0x46: {  	_ =	shalt  }
0x47: {  	_ =	shalt  }
0x48: {  	_ =	shalt  }
0x49: {  	_ =	shalt  }
0x4a: {  	_ =	shalt  }
0x4b: {  	_ =	shalt  }
0x4c: {  	_ =	shalt  }
0x4d: {  	_ =	shalt  }
0x4e: {  	_ =	shalt  }
0x4f: {  	_ =	shalt  }
0x50: {  	_ =	shalt  }
0x51: {  	_ =	shalt  }
0x52: {  	_ =	shalt  }
0x53: {  	_ =	shalt  }
0x54: {  	_ =	shalt  }
0x55: {  	_ =	shalt  }
0x56: {  	_ =	shalt  }
0x57: {  	_ =	shalt  }
0x58: {  	_ =	shalt  }
0x59: {  	_ =	shalt  }
0x5a: {  	_ =	shalt  }
0x5b: {  	_ =	shalt  }
0x5c: {  	_ =	shalt  }
0x5d: {  	_ =	shalt  }
0x5e: {  	_ =	shalt  }
0x5f: {  	_ =	shalt  }
0x60: {  	_ =	shalt  }
0x61: {  	_ =	shalt  }
0x62: {  	_ =	shalt  }
0x63: {  	_ =	shalt  }
0x64: {  	_ =	shalt  }
0x65: {  	_ =	shalt  }
0x66: {  	_ =	shalt  }
0x67: {  	_ =	shalt  }
0x68: {  	_ =	shalt  }
0x69: {  	_ =	shalt  }
0x6a: {  	_ =	shalt  }
0x6b: {  	_ =	shalt  }
0x6c: {  	_ =	shalt  }
0x6d: {  	_ =	shalt  }
0x6e: {  	_ =	shalt  }
0x6f: {  	_ =	shalt  }
0x70: {  	_ =	shalt  }
0x71: {  	_ =	shalt  }
0x72: {  	_ =	shalt  }
0x73: {  	_ =	shalt  }
0x74: {  	_ =	shalt  }
0x75: {  	_ =	shalt  }
0x76: {  	_ =	shalt  }
0x77: {  	_ =	shalt  }
0x78: {  	_ =	shalt  }
0x79: {  	_ =	shalt  }
0x7a: {  	_ =	shalt  }
0x7b: {  	_ =	shalt  }
0x7c: {  	_ =	shalt  }
0x7d: {  	_ =	shalt  }
0x7e: {  	_ =	shalt  }
0x7f: {  	_ =	shalt  }
0x80: {  	_ =	shalt  }
0x81: {  	_ =	shalt  }
0x82: {  	_ =	shalt  }
0x83: {  	_ =	shalt  }
0x84: {  	_ =	shalt  }
0x85: {  	_ =	shalt  }
0x86: {  	_ =	shalt  }
0x87: {  	_ =	shalt  }
.Lfunc_end0:
.L_simem_size_0:
called_computation.3_lowered:
.L_overlay_start_0:
0x88: {  	s2 =	sld [smem:$0x3FD9]  }
0x89: {  	s3 =	sld [smem:$0x3FFE];
	_ =	sdelay $0x1  }
0x8a: {  	s1 =	srdreg.scid  }
0x8b: {  	s0 =	sand.u32 $0x1, s1  }
0x8c: {  	s17 =	sshll.u32 s0, $0xA;
	s2 =	sadd.s32 s3, s2  }
0x8d: {  	s2 =	sadd.s32 s2, s17  }
0x8e: {  	[smem:$0x3FBE] =	sst s2  }
0x8f: {  	_ = 	snop  }
0x90: {  	s18 =	sld [smem:$0x3FD0];
	(tm) =	ssettm $0x1  }
0x91: {  	s19 =	sld [smem:$0x3FFB];
	_ =	sdelay $0x3  }
0x92: {  	_ =	strace s19  }
0x93: {  	s2 =	sld [smem:$0x3FFC];
	_ =	sdelay $0x3  }
0x94: {  	_ =	strace s2  }
0x95: {  	s2 =	sld [smem:$0x3FFD];
	_ =	sdelay $0x3  }
0x96: {  	_ =	strace s2  }
0x97: {  	_ =	strace $0x8FFFFFFF  }
0x98: {  	s20 =	sld [smem:$0x3FDB];
	_ =	sdelay $0x1  }
0x99: {  	s4 =	simm.s32 $_scs_section_size  }
0x9a: {  	s5 =	simm.s32 $_size__tile_overlayer_lowered;
	s6 =	simm.s32 $_tile_overlayer_lowered  }
0x9b: {  	s7 =	simm.s32 $0x1BFF;
	s21 =	sshll.u32 s6, $0x1;
	s4 =	sadd.s32 s4, s20  }
0x9c: {  	s22 =	simm.s32 $0x0;
	s5 =	sshll.u32 s5, $0x1;
	s6 =	sadd.s32 s21, s4  }
0x9d: {  	[timem:s22], [sflag:s7] =	dma.local [hbm:s6], s5  }
0x9e: {  	_ =	swait.ge [sflag:s7], s5  }
0x9f: {  	s5 =	ssub.s32 $0x0, s5;
	[sflag:s7] =	ssyncset.done $0x0  }
0xa0: {  	[sflag:s7] =	ssyncadd.s32 s5;
	_ =	sdelay $0x1  }
0xa1: {  	s23 =	simm.s32 $0x1B8B  }
0xa2: {  	_ =	swait.ge [sflag:s23], $0x1  }
0xa3: {  	[sflag:s23] =	ssyncset.done $0x0  }
0xa4: {  	[sflag:s23] =	ssyncadd.s32 $0xFFFFFFFF  }
0xa5: {  	s5 =	sld [smem:$0x0]  }
0xa6: {  	s6 =	sand.u32 $0xFFFFFFFE, s1  }
0xa7: {  	p0 =	sne.s32 s1, s6  }
0xa8: {  	s6 =	sshll.u32 @p0 s6, $0xE  }
0xa9: {  	s6 =	sadd.s32 @p0 $0x11B8D, s6;
	s7 =	sshll.u32 @p0 s5, $0x11  }
0xaa: {  	s6 =	sor.u32 @p0 s7, s6  }
0xab: {  	[sflag:s6] =	ssyncadd.remote.s32 @p0 $0x1;
	_ =	sdelay $0x1  }
0xac: {  	s6 =	simm.s32 @p0 $0x1B8D  }
0xad: {  	_ =	swait.eq @p0 [sflag:s6], $0x1  }
0xae: {  	[sflag:s6] =	ssyncadd.s32 @p0 $0xFFFFFFFF  }
0xaf: {  	s7 =	sshll.u32 @!p0 s1, $0xE  }
0xb0: {  	s7 =	sor.u32 @!p0 $0x4000, s7;
	s6 =	simm.s32 @!p0 $0x1B8D  }
0xb1: {  	s5 =	sshll.u32 @!p0 s5, $0x11;
	s7 =	sadd.s32 @!p0 $0x11B8D, s7;
	_ =	swait.eq @!p0 [sflag:s6], $0x1  }
0xb2: {  	s5 =	sor.u32 @!p0 s5, s7;
	[sflag:s6] =	ssyncadd.s32 @!p0 $0xFFFFFFFF  }
0xb3: {  	s25 =	simm.s32 $0x1B8E;
	s24 =	sld [smem:$0x3FFE];
	[sflag:s5] =	ssyncadd.remote.s32 @!p0 $0x1  }
0xb4: {  	s26 =	simm.s32 $execute0_lowered;
	[smem:$0x3FD2] =	sst s25  }
0xb5: {  	s6 =	sshll.u32 s26, $0x1;
	_ =	strace $0x8000004C;
	[dreg:$0x1] =	wrdreg $0xFFFFFFFF  }
0xb6: {  	s28 =	simm.s32 $_size_execute0_lowered;
	s4 =	sadd.s32 s4, s6;
	[dreg:$0x0] =	wrdreg $0x0  }
0xb7: {  	s6 =	sshll.u32 s28, $0x1;
	[dreg:$0x2] =	wrdreg s4  }
0xb8: {  	[dreg:$0x3] =	wrdreg s6  }
0xb9: {  	[dreg:$0x4] =	wrdreg $0xC0  }
0xba: {  	_ =	task [dreg:s22], $0x5FFFF  }
0xbb: {  	[dreg:$0x1] =	wrdreg $0xFFFFFFFF  }
0xbc: {  	[dreg:$0x0] =	wrdreg $0x60  }
0xbd: {  	[dreg:$0x2] =	wrdreg s24  }
0xbe: {  	[dreg:$0x3] =	wrdreg s18  }
0xbf: {  	[dreg:$0x4] =	wrdreg $0x74000  }
0xc0: {  	[dreg:$0x5] =	wrdreg $0xA  }
0xc1: {  	_ =	task.clear_ibuf [dreg:s22], $0x6FFFF;
	_ =	strace $0x9000004C  }
0xc2: {  	s29 =	simm.s32 $0xA;
	_ =	strace $0x8000004E  }
0xc3: {  	_ =	swait.ge [sflag:s29], $0x1  }
0xc4: {  	[sflag:s29] =	ssyncadd.s32 $0xFFFFFFFF  }
0xc5: {  	_ =	strace $0x9000004E  }
0xc6: {  	_ =	sfence  }
0xc7: {  	s30 =	sld [smem:$0x0];
	_ =	sdelay $0x2  }
0xc8: {  	s31 =	sshll.u32 s1, $0xD;
	s1 =	sshrl.u32 s1, $0x2  }
0xc9: {  	s4 =	sand.u32 $0x4000, s31;
	s1 =	sadd.s32 s1, s30  }
0xca: {  	s0 =	sor.u32 s4, s0;
	s1 =	sshll.u32 s1, $0x11  }
0xcb: {  	s0 =	sor.u32 s1, s0  }
0xcc: {  	s0 =	sadd.s32 $0x8F2B, s0  }
0xcd: {  	[sflag:s0] =	ssyncadd.remote.s32 $0x1  }
0xce: {  	_ =	sfence.sel $0xFFFF  }
0xcf: {  	[dreg:$0x0] =	wrdreg $0xFFFFFFFF;
	(pc) =	sbr.abs _section_cstart, $3  }
0xd0: {  	[dreg:$0x1] =	wrdreg $0xFFFFFFFF  }
0xd1: {  	_ =	task.clear_ibuf [dreg:s22], $0x2FFFF;
	_ =	strace $0x9FFFFFFF  }
0xd2: {  	(tm) =	ssettm $0x7FFFFFFF  }
0xd3: {  	_ =	shalt  }
tec
execute0_lowered:
.L_overlay_start_1:
0x0: {  	(tag) =	ssettag $0x1  }
0x1: {  	s4 =	rddreg [dreg:$0x0]  }
0x2: {  	s5 =	rddreg [dreg:$0x1];
	s1 =	srdreg.scid  }
0x3: {  	s0 =	stileid.u32;
	s2 =	rddreg [dreg:$0x2];
	s3 =	simm.s32 $0x0  }
0x4: {  	s18 =	simm.s32 $0x4C00;
	s19 =	simm.s32 $0x50;
	s20 =	simm.s32 $0x4  }
0x5: {  	s21 =	simm.s32 $0x2;
	s22 =	simm.s32 $0x2000;
	s10 =	smul.u32 $0x4E000, s0  }
0x6: {  	s23 =	simm.s32 $0x0;
	s8 =	sand.u32 $0x1, s1;
	s12 =	smul.u32 $0x2700, s0  }
0x7: {  	s6 =	sshll.u32 s0, $0x1;
	[smem:$0x7FF] =	sst s3;
	s29 =	smul.u32 $0x13800, s0  }
0x8: {  	s9 =	sadd.s32 $0x18E00, s4;
	s13 =	sadd.s32 $0x2A2E00, s4;
	s30 =	smul.u32 $0x28A00, s0  }
0x9: {  	s1 =	rddreg [dreg:$0x3];
	s16 =	sadd.s32 $0x124800, s2;
	s28 =	smul.u32 $0x138800, s8  }
0xa: {  	p0 =	seq.s32 s0, $0xF;
	s6 =	sor.u32 s8, s6;
	s17 =	smul.u32 $0x14500, s8  }
0xb: {  	_ =	strace $0x8000004D;
	s11 =	ssub.s32 $0x2, s8;
	s7 =	smul.u32 $0x480, s6  }
0xc: {  	s25 =	sshrl.u32 s11, $0x1;
	s14 =	smul.u32 $0x14500, s6;
	s26 =	sshrl.u32 s10, $0x2  }
0xd: {  	s31 =	sadd.s32 s30, s9;
	s11 =	ssub.s32 s11, s25;
	s15 =	sadd.s32 s26, s2  }
0xe: {  	s10 =	sshrl.u32 s28, $0x3;
	s7 =	sadd.s32 s7, s4;
	s4 =	sadd.s32 s5, s12  }
0xf: {  	s5 =	sadd.s32 $0x24900, s5;
	s12 =	sadd.s32 s29, s28;
	s10 =	sadd.s32 s13, s10  }
0x10: {  	s6 =	sadd.s32 $0xFE00, s7;
	s7 =	sadd.s32 s9, s14;
	s12 =	sshrl.u32 s12, $0x3  }
0x11: {  	s9 =	sadd.s32 $0x24900, s10;
	s10 =	smax.u32 s11, $0x1;
	s14 =	sshrl.u32 @!p0 s15, $0x3  }
0x12: {  	s15 =	simm.s32 $0x3;
	s8 =	sadd.s32 s13, s12;
	s12 =	sadd.s32 s17, s31  }
0x13: {  	s13 =	sshll.u32 @!p0 s0, $0x6;
	s17 =	simm.s32 $0x1;
	s11 =	sadd.s32 $0x500, s12  }
0x14: {  	s12 =	sshrl.u32 @p0 s16, $0x3;
	s13 =	sor.u32 @!p0 $0x1C03, s13;
	s16 =	simm.s32 $0x2400  }
.LBB2_1:
0x15: {  	s24 =	simm.s32 @p0 $0x1FC3  }
0x16: {  	[spmem:s12], [sflag:s24] =	dma.local @p0 [hbm:s5], $0x2800  }
0x17: {  	s24 =	simm.s32 @p0 $0x3  }
0x18: {  	_ =	swait.ge @p0 [sflag:s24], $0x2800  }
0x19: {  	[sflag:s24] =	ssyncset.done @p0 $0x0  }
0x1a: {  	[sflag:s24] =	ssyncadd.s32 @p0 $0xFFFFD800;
	s24 =	simm.s32 @!p0 $0x3  }
0x1b: {  	[spmem:s14], [sflag:s13] =	dma.local @!p0 [hbm:s4], $0x2700  }
0x1c: {  	_ =	swait.ge @!p0 [sflag:s24], $0x2700  }
0x1d: {  	[sflag:s24] =	ssyncset.done @!p0 $0x0  }
0x1e: {  	[sflag:s24] =	ssyncadd.s32 @!p0 $0xFFFFD900  }
0x1f: {  	[tilespmem:s3], [sflag:$0x3] =	stream.linear.gather [hbm4b:s6+s3], $0x2080, $0x38;
	[tilespmem:$0x1AC80] =	vst v63  }
0x20: {  	_ =	swait.ge [sflag:s15], $0x2080  }
0x21: {  	[sflag:s15] =	ssyncset.done $0x0  }
0x22: {  	[sflag:s15] =	ssyncadd.s32 $0xFFFFDF80  }
0x23: {  	[bflag:$0x0] =	sbarrier.arrive $0xFFFF  }
0x24: {  	[tilespmem:s16], [sflag:$0x1] =	stream.linear.gather [hbm4b:s7+s3], $0x2800, $0x38;
	[tilespmem:$0x1AC80] =	vst v63  }
0x25: {  	_ =	swait.ge [sflag:s17], $0x2800  }
0x26: {  	[sflag:s17] =	ssyncset.done $0x0  }
0x27: {  	[sflag:s17] =	ssyncadd.s32 $0xFFFFD800  }
0x28: {  	[tilespmem:s18], [sflag:$0x2] =	stream.linear.gather [hbm4b:s11+s3], $0x2800, $0x38;
	[tilespmem:$0x1AC80] =	vst v63  }
0x29: {  	s29 =	simm.s32 $0x0  }
0x2a: {  	[spmem:s2] =	stream.indirect.scatter.add.f32 [tilespmem:s16], [sflag:$0x4], $0x80, s29, s19, $0xb8;
	[tilespmem:$0x1AC80] =	vst v63  }
0x2b: {  	_ =	swait.ge [sflag:s20], $0x2800  }
0x2c: {  	[sflag:s20] =	ssyncset.done $0x0  }
0x2d: {  	[sflag:s20] =	ssyncadd.s32 $0xFFFFD800  }
0x2e: {  	_ =	swait.ge [sflag:s21], $0x2800  }
0x2f: {  	[sflag:s21] =	ssyncset.done $0x0  }
0x30: {  	s30 =	sadd.s32 $0x500, s11;
	[sflag:s21] =	ssyncadd.s32 $0xFFFFD800  }
0x31: {  	[tilespmem:s16], [sflag:$0x1] =	stream.linear.gather [hbm4b:s30+s3], $0x2800, $0x38;
	[tilespmem:$0x1AC80] =	vst v63  }
0x32: {  	s31 =	simm.s32 $0x80  }
0x33: {  	[spmem:s2] =	stream.indirect.scatter.add.f32 [tilespmem:s18], [sflag:$0x3], $0x80, s31, s19, $0xb8;
	[tilespmem:$0x1AC80] =	vst v63  }
0x34: {  	_ =	swait.ge [sflag:s15], $0x2800  }
0x35: {  	s25 =	smov.u32 s11;
	s24 =	simm.s32 $0x400;
	[sflag:s15] =	ssyncset.done $0x0  }
.LBB2_2:
0x36: {  	p1 =	sne.s32 s24, $0x7C00;
	[sflag:s15] =	ssyncadd.s32 $0xFFFFD800;
	s25 =	sadd.s32 $0xA00, s25  }
0x37: {  	s26 =	smov.u32 s24;
	s24 =	sadd.s32 $0x400, s24  }
0x38: {  	_ =	swait.ge [sflag:s17], $0x2800  }
0x39: {  	[sflag:s17] =	ssyncset.done $0x0  }
0x3a: {  	[sflag:s17] =	ssyncadd.s32 $0xFFFFD800  }
0x3b: {  	[tilespmem:s18], [sflag:$0x2] =	stream.linear.gather [hbm4b:s25+s3], $0x2800, $0x38;
	[tilespmem:$0x1AC80] =	vst v63  }
0x3c: {  	s26 =	sshra.s32 s26, $0x2  }
0x3d: {  	[spmem:s2] =	stream.indirect.scatter.add.f32 [tilespmem:s16], [sflag:$0x4], $0x80, s26, s19, $0xb8;
	[tilespmem:$0x1AC80] =	vst v63  }
0x3e: {  	_ =	swait.ge [sflag:s20], $0x2800  }
0x3f: {  	[sflag:s20] =	ssyncset.done $0x0  }
0x40: {  	[sflag:s20] =	ssyncadd.s32 $0xFFFFD800  }
0x41: {  	_ =	swait.ge [sflag:s21], $0x2800  }
0x42: {  	[sflag:s21] =	ssyncset.done $0x0  }
0x43: {  	s28 =	sadd.s32 $0x500, s25;
	[sflag:s21] =	ssyncadd.s32 $0xFFFFD800  }
0x44: {  	[tilespmem:s16], [sflag:$0x1] =	stream.linear.gather [hbm4b:s28+s3], $0x2800, $0x38;
	[tilespmem:$0x1AC80] =	vst v63  }
.Ltmp0:
0x45: {  	_ = 	snop;
	(pc) =	sbr.rel @p1 .LBB2_2-.Ltmp0, $4  }
0x46: {  	s26 =	sadd.s32 $0x80, s26  }
0x47: {  	[spmem:s2] =	stream.indirect.scatter.add.f32 [tilespmem:s18], [sflag:$0x3], $0x80, s26, s19, $0xb8;
	[tilespmem:$0x1AC80] =	vst v63  }
0x48: {  	_ =	swait.ge [sflag:s15], $0x2800  }
0x49: {  	[sflag:s15] =	ssyncset.done $0x0  }
0x4a: {  	[sflag:s15] =	ssyncadd.s32 $0xFFFFD800  }
0x4b: {  	_ =	swait.ge [sflag:s17], $0x2800  }
0x4c: {  	[sflag:s17] =	ssyncset.done $0x0  }
0x4d: {  	[sflag:s17] =	ssyncadd.s32 $0xFFFFD800  }
0x4e: {  	[spmem:s2] =	stream.indirect.scatter.add.f32 [tilespmem:s16], [sflag:$0x4], $0x80, s22, s19, $0xb8;
	[tilespmem:$0x1AC80] =	vst v63  }
0x4f: {  	_ =	swait.ge [sflag:s20], $0x2800  }
0x50: {  	[sflag:s20] =	ssyncset.done $0x0  }
0x51: {  	[sflag:s20] =	ssyncadd.s32 $0xFFFFD800  }
0x52: {  	s24 =	simm.s32 @p0 $0x1FC3;
	[bflag:$0x0] =	sbarrier.arrive $0xFFFF  }
0x53: {  	[hbm:s9], [sflag:s24] =	dma.local @p0 [spmem:s12], $0x2800  }
0x54: {  	s24 =	simm.s32 @p0 $0x3  }
0x55: {  	s23 =	sadd.s32 $0x1, s23;
	_ =	swait.ge @p0 [sflag:s24], $0x2800  }
0x56: {  	p1 =	sne.s32 s23, s10;
	[sflag:s24] =	ssyncset.done @p0 $0x0  }
.Ltmp1:
0x57: {  	[sflag:s24] =	ssyncadd.s32 @p0 $0xFFFFD800;
	s24 =	simm.s32 @!p0 $0x3;
	(pc) =	sbr.rel @p1 .LBB2_1-.Ltmp1, $4  }
0x58: {  	[hbm:s8], [sflag:s13] =	dma.local @!p0 [spmem:s14], $0x2700  }
0x59: {  	_ =	swait.ge @!p0 [sflag:s24], $0x2700  }
0x5a: {  	[sflag:s24] =	ssyncset.done @!p0 $0x0  }
0x5b: {  	[sflag:s24] =	ssyncadd.s32 @!p0 $0xFFFFD900  }
0x5c: {  	_ =	sfence.sel $0x180000  }
0x5d: {  	[bflag:$0x0] =	sbarrier.arrive $0xFFFF  }
0x5e: {  	p0 =	sne.s32 s0, $0x0;
	_ =	strace $0x9000004D  }
0x5f: {  	s0 =	sadd.s32 @!p0 $0x100000, s1;
	[bflag:$0x2] =	sbarrier.arrive $0xFFFF  }
0x60: {  	[sflag:s0] =	ssyncadd.tile.s32 @!p0 $0x1;
	_ =	shalt  }
.Lfunc_end2:
_tile_overlayer_lowered:
.L_overlay_start_2:
0x61: {  	(tag) =	ssettag $0x2  }
0x62: {  	s0 =	rddreg [dreg:$0x0];
	s2 =	stileid.u32  }
0x63: {  	s1 =	rddreg [dreg:$0x1];
	p0 =	sne.s32 s2, $0x0  }
0x64: {  	s3 =	rddreg [dreg:$0x2];
	[bflag:$0x3] =	sbarrier.arrive $0xFFFF;
	s2 =	simm.s32 @!p0 $0x1C03  }
0x65: {  	[timem:s3], [sflag:s2] =	dma.local @!p0 [hbm:s0], s1  }
0x66: {  	s0 =	simm.s32 @!p0 $0x3  }
0x67: {  	_ =	swait.ge @!p0 [sflag:s0], s1  }
0x68: {  	s1 =	ssub.s32 @!p0 $0x0, s1;
	[sflag:s0] =	ssyncset.done @!p0 $0x0  }
0x69: {  	[sflag:s0] =	ssyncadd.s32 @!p0 s1  }
0x6a: {  	[bflag:$0x3] =	sbarrier.arrive $0xFFFF  }
0x6b: {  	_ =	shalt  }

// kernel: kernel.9.cloned.1.call-start
scs
__scs_entry_jumppad:
0x0: {  	(pc) =	sbr.rel $0x88, $3  }
0x1: {  	(tag) =	ssettag $0x0;
	lr =	simm.s32 $0x1  }
0x2: {  	[smem:$0x3F97] =	sst lr;
	_ =	strace $0xD0000000  }
0x3: {  	_ = 	snop  }
0x4: {  	_ = 	snop  }
0x5: {  	_ = 	snop  }
0x6: {  	_ = 	snop  }
0x7: {  	_ = 	snop  }
__scs_overlays_trampoline_lowered:
0x8: {  	[smem:$0x3FA6] =	sst s0  }
0x9: {  	[smem:$0x3FA7] =	sst s1  }
0xa: {  	[smem:$0x3FA8] =	sst s2  }
0xb: {  	[smem:$0x3FA9] =	sst s3  }
0xc: {  	[smem:$0x3FAA] =	sst s4  }
0xd: {  	[smem:$0x3FAB] =	sst s5  }
0xe: {  	[smem:$0x3FAC] =	sst s6  }
0xf: {  	[smem:$0x3FAD] =	sst s7  }
0x10: {  	[smem:$0x3FAE] =	sst s8  }
0x11: {  	[smem:$0x3FAF] =	sst s9;
	s0 =	simm.s32 @!p0 $0x0  }
0x12: {  	s1 =	sld [smem:$0x3F95];
	s0 =	simm.s32 @p0 $0x1  }
0x13: {  	[smem:$0x3FB0] =	sst s0;
	s0 =	simm.s32 @!p1 $0x0  }
0x14: {  	s2 =	sld [smem:$0x3F94];
	s0 =	simm.s32 @p1 $0x1  }
0x15: {  	[smem:$0x3FB1] =	sst s0;
	s0 =	simm.s32 @!p2 $0x0  }
0x16: {  	s3 =	sld [smem:$0x3FDB];
	s0 =	simm.s32 @p2 $0x1  }
0x17: {  	s4 =	simm.s32 $0x1BF5;
	[smem:$0x3FB3] =	sst s0  }
0x18: {  	s0 =	sld [smem:$0x3F96];
	_ =	swait.ge [sflag:s4], $0x0  }
0x19: {  	s7 =	sld [smem:$0x3F97]  }
0x1a: {  	s8 =	sadd.s32 $0xFFFFE003, lr  }
0x1b: {  	s9 =	sadd.s32 $0xFFFFFEF7, lr;
	s5 =	simm.s32 $0xFFFFFFFF;
	p2 =	slt.u32 s8, $0xFFFFF086  }
0x1c: {  	p1 =	slt.u32 s9, $0xF7A;
	s5 =	simm.s32 @!p2 $0x0  }
0x1d: {  	s5 =	simm.s32 @p1 $0x1;
	p0 =	seq.s32 s7, s2  }
0x1e: {  	s7 =	smul.u32 @!p0 $0xF7A, s2;
	p2 =	seq.s32 @!p0 s5, $0x0  }
0x1f: {  	s9 =	smul.u32 $0xF7A, s1;
	s8 =	simm.s32 @!p0 $0x1BF5;
	p2 =	por !p2, p0  }
0x20: {  	[sflag:s8] =	ssyncset.s32 @!p0 $0xFFFFF086;
	s6 =	sadd.s32 @!p0 s3, s7;
	s7 =	simm.s32 @!p0 $0x108  }
0x21: {  	s3 =	sadd.s32 s3, s9;
	s6 =	sadd.s32 @!p0 $0x88, s6;
	s7 =	simm.s32 @p2 $0x1082  }
0x22: {  	[simem:s7], [sflag:s8] =	dma.local @!p0 [hbm:s6], $0xF7A  }
0x23: {  	s9 =	sor.u32 $0xD0000000, s2;
	s6 =	simm.s32 $0x108;
	_ =	swait.ge @!p0 [sflag:s8], $0x0  }
0x24: {  	s3 =	sadd.s32 $0x88, s3;
	s6 =	simm.s32 @!p1 $0x1082;
	[sflag:s4] =	ssyncset.s32 $0xFFFFF086  }
0x25: {  	[simem:s6], [sflag:s4] =	dma.local [hbm:s3], $0xF7A  }
0x26: {  	[smem:$0x3F97] =	sst s1;
	(tag) =	ssettag s2;
	_ =	strace s9  }
0x27: {  	s1 =	sld [smem:$0x3FA7]  }
0x28: {  	s2 =	sld [smem:$0x3FA8]  }
0x29: {  	s4 =	sld [smem:$0x3FAA]  }
0x2a: {  	p0 =	seq.s32 s5, $0x0;
	s5 =	sld [smem:$0x3FAB]  }
0x2b: {  	s6 =	sld [smem:$0x3FAC]  }
0x2c: {  	s7 =	sld [smem:$0x3FAD]  }
0x2d: {  	s3 =	simm.s32 $0x108;
	s8 =	sld [smem:$0x3FAE]  }
0x2e: {  	s3 =	simm.s32 @!p0 $0x1082;
	s9 =	sld [smem:$0x3FAF]  }
0x2f: {  	lr =	sadd.s32 s0, s3;
	s0 =	sld [smem:$0x3FA6]  }
0x30: {  	s3 =	sld [smem:$0x3FA9]  }
0x31: {  	[smem:$0x3FB2] =	sst s10  }
0x32: {  	s10 =	sld [smem:$0x3FB0];
	_ =	sdelay $0x3  }
0x33: {  	p0 =	seq.s32 s10, $0x1;
	s10 =	sld [smem:$0x3FB2];
	_ =	sdelay $0x3  }
0x34: {  	[smem:$0x3FB2] =	sst s10  }
0x35: {  	s10 =	sld [smem:$0x3FB1];
	_ =	sdelay $0x3  }
0x36: {  	p1 =	seq.s32 s10, $0x1;
	s10 =	sld [smem:$0x3FB2];
	_ =	sdelay $0x3  }
0x37: {  	[smem:$0x3FB2] =	sst s10  }
0x38: {  	s10 =	sld [smem:$0x3FB3]  }
0x39: {  	_ = 	snop;
	(pc) =	sbr.ind lr, $3  }
0x3a: {  	_ = 	snop  }
0x3b: {  	_ = 	snop  }
0x3c: {  	p2 =	seq.s32 s10, $0x1;
	s10 =	sld [smem:$0x3FB2]  }
0x3d: {  	_ =	shalt  }
0x3e: {  	_ =	shalt  }
0x3f: {  	_ =	shalt  }
0x40: {  	_ =	shalt  }
0x41: {  	_ =	shalt  }
0x42: {  	_ =	shalt  }
0x43: {  	_ =	shalt  }
0x44: {  	_ =	shalt  }
0x45: {  	_ =	shalt  }
0x46: {  	_ =	shalt  }
0x47: {  	_ =	shalt  }
0x48: {  	_ =	shalt  }
0x49: {  	_ =	shalt  }
0x4a: {  	_ =	shalt  }
0x4b: {  	_ =	shalt  }
0x4c: {  	_ =	shalt  }
0x4d: {  	_ =	shalt  }
0x4e: {  	_ =	shalt  }
0x4f: {  	_ =	shalt  }
0x50: {  	_ =	shalt  }
0x51: {  	_ =	shalt  }
0x52: {  	_ =	shalt  }
0x53: {  	_ =	shalt  }
0x54: {  	_ =	shalt  }
0x55: {  	_ =	shalt  }
0x56: {  	_ =	shalt  }
0x57: {  	_ =	shalt  }
0x58: {  	_ =	shalt  }
0x59: {  	_ =	shalt  }
0x5a: {  	_ =	shalt  }
0x5b: {  	_ =	shalt  }
0x5c: {  	_ =	shalt  }
0x5d: {  	_ =	shalt  }
0x5e: {  	_ =	shalt  }
0x5f: {  	_ =	shalt  }
0x60: {  	_ =	shalt  }
0x61: {  	_ =	shalt  }
0x62: {  	_ =	shalt  }
0x63: {  	_ =	shalt  }
0x64: {  	_ =	shalt  }
0x65: {  	_ =	shalt  }
0x66: {  	_ =	shalt  }
0x67: {  	_ =	shalt  }
0x68: {  	_ =	shalt  }
0x69: {  	_ =	shalt  }
0x6a: {  	_ =	shalt  }
0x6b: {  	_ =	shalt  }
0x6c: {  	_ =	shalt  }
0x6d: {  	_ =	shalt  }
0x6e: {  	_ =	shalt  }
0x6f: {  	_ =	shalt  }
0x70: {  	_ =	shalt  }
0x71: {  	_ =	shalt  }
0x72: {  	_ =	shalt  }
0x73: {  	_ =	shalt  }
0x74: {  	_ =	shalt  }
0x75: {  	_ =	shalt  }
0x76: {  	_ =	shalt  }
0x77: {  	_ =	shalt  }
0x78: {  	_ =	shalt  }
0x79: {  	_ =	shalt  }
0x7a: {  	_ =	shalt  }
0x7b: {  	_ =	shalt  }
0x7c: {  	_ =	shalt  }
0x7d: {  	_ =	shalt  }
0x7e: {  	_ =	shalt  }
0x7f: {  	_ =	shalt  }
0x80: {  	_ =	shalt  }
0x81: {  	_ =	shalt  }
0x82: {  	_ =	shalt  }
0x83: {  	_ =	shalt  }
0x84: {  	_ =	shalt  }
0x85: {  	_ =	shalt  }
0x86: {  	_ =	shalt  }
0x87: {  	_ =	shalt  }
.Lfunc_end0:
.L_simem_size_0:
called_computation_lowered:
.L_overlay_start_0:
0x88: {  	s2 =	sld [smem:$0x3FD9]  }
0x89: {  	s3 =	sld [smem:$0x3FFE];
	_ =	sdelay $0x1  }
0x8a: {  	s1 =	srdreg.scid  }
0x8b: {  	s0 =	sand.u32 $0x1, s1  }
0x8c: {  	s17 =	sshll.u32 s0, $0xA;
	s2 =	sadd.s32 s3, s2  }
0x8d: {  	s2 =	sadd.s32 s2, s17  }
0x8e: {  	[smem:$0x3FBE] =	sst s2  }
0x8f: {  	_ = 	snop  }
0x90: {  	s18 =	sld [smem:$0x3FC9];
	(tm) =	ssettm $0x1  }
0x91: {  	s19 =	sld [smem:$0x3FFB];
	_ =	sdelay $0x3  }
0x92: {  	_ =	strace s19  }
0x93: {  	s2 =	sld [smem:$0x3FFC];
	_ =	sdelay $0x3  }
0x94: {  	_ =	strace s2  }
0x95: {  	s2 =	sld [smem:$0x3FFD];
	_ =	sdelay $0x3  }
0x96: {  	_ =	strace s2  }
0x97: {  	_ =	strace $0x8FFFFFFF  }
0x98: {  	s20 =	sld [smem:$0x3FDB];
	_ =	sdelay $0x1  }
0x99: {  	s4 =	simm.s32 $_scs_section_size  }
0x9a: {  	s5 =	simm.s32 $_size__tile_overlayer_lowered;
	s6 =	simm.s32 $_tile_overlayer_lowered  }
0x9b: {  	s7 =	simm.s32 $0x1BFF;
	s21 =	sshll.u32 s6, $0x1;
	s4 =	sadd.s32 s4, s20  }
0x9c: {  	s22 =	simm.s32 $0x0;
	s5 =	sshll.u32 s5, $0x1;
	s6 =	sadd.s32 s21, s4  }
0x9d: {  	[timem:s22], [sflag:s7] =	dma.local [hbm:s6], s5  }
0x9e: {  	_ =	swait.ge [sflag:s7], s5  }
0x9f: {  	s5 =	ssub.s32 $0x0, s5;
	[sflag:s7] =	ssyncset.done $0x0  }
0xa0: {  	[sflag:s7] =	ssyncadd.s32 s5;
	_ =	sdelay $0x1  }
0xa1: {  	s23 =	simm.s32 $0x1B8B  }
0xa2: {  	_ =	swait.ge [sflag:s23], $0x1  }
0xa3: {  	[sflag:s23] =	ssyncset.done $0x0  }
0xa4: {  	[sflag:s23] =	ssyncadd.s32 $0xFFFFFFFF  }
0xa5: {  	s5 =	sld [smem:$0x0]  }
0xa6: {  	s6 =	sand.u32 $0xFFFFFFFE, s1  }
0xa7: {  	p0 =	sne.s32 s1, s6  }
0xa8: {  	s6 =	sshll.u32 @p0 s6, $0xE  }
0xa9: {  	s6 =	sadd.s32 @p0 $0x11B8D, s6;
	s7 =	sshll.u32 @p0 s5, $0x11  }
0xaa: {  	s6 =	sor.u32 @p0 s7, s6  }
0xab: {  	[sflag:s6] =	ssyncadd.remote.s32 @p0 $0x1;
	_ =	sdelay $0x1  }
0xac: {  	s6 =	simm.s32 @p0 $0x1B8D  }
0xad: {  	_ =	swait.eq @p0 [sflag:s6], $0x1  }
0xae: {  	[sflag:s6] =	ssyncadd.s32 @p0 $0xFFFFFFFF  }
0xaf: {  	s7 =	sshll.u32 @!p0 s1, $0xE  }
0xb0: {  	s7 =	sor.u32 @!p0 $0x4000, s7;
	s6 =	simm.s32 @!p0 $0x1B8D  }
0xb1: {  	s5 =	sshll.u32 @!p0 s5, $0x11;
	s7 =	sadd.s32 @!p0 $0x11B8D, s7;
	_ =	swait.eq @!p0 [sflag:s6], $0x1  }
0xb2: {  	s5 =	sor.u32 @!p0 s5, s7;
	[sflag:s6] =	ssyncadd.s32 @!p0 $0xFFFFFFFF  }
0xb3: {  	s25 =	simm.s32 $0x1B8E;
	s24 =	sld [smem:$0x3FFE];
	[sflag:s5] =	ssyncadd.remote.s32 @!p0 $0x1  }
0xb4: {  	s26 =	simm.s32 $execute0_lowered;
	[smem:$0x3FD2] =	sst s25  }
0xb5: {  	s6 =	sshll.u32 s26, $0x1;
	_ =	strace $0x80000049;
	[dreg:$0x1] =	wrdreg $0xFFFFFFFF  }
0xb6: {  	s28 =	simm.s32 $_size_execute0_lowered;
	s4 =	sadd.s32 s4, s6;
	[dreg:$0x0] =	wrdreg $0x0  }
0xb7: {  	s6 =	sshll.u32 s28, $0x1;
	[dreg:$0x2] =	wrdreg s4  }
0xb8: {  	[dreg:$0x3] =	wrdreg s6  }
0xb9: {  	[dreg:$0x4] =	wrdreg $0xC0  }
0xba: {  	_ =	task [dreg:s22], $0x5FFFF  }
0xbb: {  	[dreg:$0x1] =	wrdreg $0xFFFFFFFF  }
0xbc: {  	[dreg:$0x0] =	wrdreg $0x60  }
0xbd: {  	[dreg:$0x2] =	wrdreg s18  }
0xbe: {  	[dreg:$0x3] =	wrdreg s24  }
0xbf: {  	[dreg:$0x4] =	wrdreg $0x9  }
0xc0: {  	_ =	task.clear_ibuf [dreg:s22], $0x5FFFF;
	_ =	strace $0x90000049  }
0xc1: {  	s29 =	simm.s32 $0x9;
	_ =	strace $0x8000004B  }
0xc2: {  	_ =	swait.ge [sflag:s29], $0x1  }
0xc3: {  	[sflag:s29] =	ssyncadd.s32 $0xFFFFFFFF  }
0xc4: {  	_ =	strace $0x9000004B  }
0xc5: {  	_ =	sfence  }
0xc6: {  	s30 =	sld [smem:$0x0];
	_ =	sdelay $0x2  }
0xc7: {  	s31 =	sshll.u32 s1, $0xD;
	s1 =	sshrl.u32 s1, $0x2  }
0xc8: {  	s4 =	sand.u32 $0x4000, s31;
	s1 =	sadd.s32 s1, s30  }
0xc9: {  	s0 =	sor.u32 s4, s0;
	s1 =	sshll.u32 s1, $0x11  }
0xca: {  	s0 =	sor.u32 s1, s0  }
0xcb: {  	s0 =	sadd.s32 $0x8F2B, s0  }
0xcc: {  	[sflag:s0] =	ssyncadd.remote.s32 $0x1  }
0xcd: {  	_ =	sfence.sel $0xFFFF  }
0xce: {  	[dreg:$0x0] =	wrdreg $0xFFFFFFFF;
	(pc) =	sbr.abs _section_cstart, $3  }
0xcf: {  	[dreg:$0x1] =	wrdreg $0xFFFFFFFF  }
0xd0: {  	_ =	task.clear_ibuf [dreg:s22], $0x2FFFF;
	_ =	strace $0x9FFFFFFF  }
0xd1: {  	(tm) =	ssettm $0x7FFFFFFF  }
tec
execute0_lowered:
.L_overlay_start_1:
0x0: {  	(tag) =	ssettag $0x1  }
0x1: {  	s1 =	rddreg [dreg:$0x0];
	s2 =	srdreg.scid  }
0x2: {  	s0 =	stileid.u32;
	s6 =	rddreg [dreg:$0x1];
	s8 =	simm.s32 $0x400  }
0x3: {  	s9 =	simm.s32 $0x2;
	s10 =	simm.s32 $0x50;
	s11 =	simm.s32 $0x1300  }
0x4: {  	s12 =	simm.s32 $0x1350;
	s13 =	simm.s32 $0xA0;
	s14 =	simm.s32 $0x13A0  }
0x5: {  	s15 =	simm.s32 $0xF0;
	s16 =	simm.s32 $0x13F0;
	s17 =	simm.s32 $0x140  }
0x6: {  	s18 =	simm.s32 $0x1440;
	s19 =	simm.s32 $0x1;
	s20 =	simm.s32 $0x0  }
0x7: {  	s4 =	sand.u32 $0x1, s2;
	s29 =	sshrl.u32 s0, $0x2;
	s3 =	sshll.u32 s0, $0x8  }
0x8: {  	s5 =	smul.u32 $0x9800, s29;
	s30 =	sshll.u32 s4, $0x7;
	s3 =	sand.u32 $0x300, s3  }
0x9: {  	s2 =	rddreg [dreg:$0x2];
	s4 =	ssub.s32 $0x2, s4;
	s7 =	sor.u32 s30, s3  }
0xa: {  	s3 =	simm.s32 $0x0;
	s31 =	sshrl.u32 s4, $0x1;
	s5 =	sor.u32 s5, s7  }
0xb: {  	[smem:$0x7FF] =	sst s3;
	s7 =	simm.s32 $0x80;
	s5 =	sshrl.u32 s5, $0x3  }
0xc: {  	_ =	strace $0x8000004A;
	s5 =	sadd.s32 s5, s6;
	s6 =	ssub.s32 s4, s31  }
0xd: {  	s4 =	sadd.s32 $0x6600, s5;
	s5 =	sadd.s32 $0xB200, s5;
	s6 =	smax.u32 s6, $0x1  }
.LBB2_1:
0xe: {  	[tilespmem:s3], [sflag:$0x2] =	stream.strided.gather [hbm4b:s4+s7], $0x1300, s8, s7, $0x38;
	[tilespmem:$0x2600] =	vst v63  }
0xf: {  	_ =	swait.ge [sflag:s9], $0x1300  }
0x10: {  	[sflag:s9] =	ssyncset.done $0x0  }
0x11: {  	[sflag:s9] =	ssyncadd.s32 $0xFFFFED00  }
0x12: {  	[tilespmem:s11], [sflag:$0x1] =	stream.indirect.gather [hbm4b:s1+s10], $0x1, s3, s10, $0xb8;
	[tilespmem:$0x2600] =	vst v63  }
0x13: {  	_ = 	snop  }
0x14: {  	[tilespmem:s12], [sflag:$0x1] =	stream.indirect.gather [hbm4b:s1+s10], $0x1, s10, s10, $0xb8;
	[tilespmem:$0x2600] =	vst v63  }
0x15: {  	_ = 	snop  }
0x16: {  	[tilespmem:s14], [sflag:$0x1] =	stream.indirect.gather [hbm4b:s1+s10], $0x1, s13, s10, $0xb8;
	[tilespmem:$0x2600] =	vst v63  }
0x17: {  	_ = 	snop  }
0x18: {  	[tilespmem:s16], [sflag:$0x1] =	stream.indirect.gather [hbm4b:s1+s10], $0x1, s15, s10, $0xb8;
	[tilespmem:$0x2600] =	vst v63  }
0x19: {  	_ = 	snop  }
0x1a: {  	[tilespmem:s18], [sflag:$0x1] =	stream.indirect.gather [hbm4b:s1+s10], $0x1, s17, s10, $0xb8;
	[tilespmem:$0x2600] =	vst v63  }
0x1b: {  	s21 =	simm.s32 $0x1490;
	s22 =	simm.s32 $0x190  }
0x1c: {  	[tilespmem:s21], [sflag:$0x1] =	stream.indirect.gather [hbm4b:s1+s10], $0x1, s22, s10, $0xb8;
	[tilespmem:$0x2600] =	vst v63  }
0x1d: {  	s23 =	simm.s32 $0x14E0;
	s24 =	simm.s32 $0x1E0  }
0x1e: {  	[tilespmem:s23], [sflag:$0x1] =	stream.indirect.gather [hbm4b:s1+s10], $0x1, s24, s10, $0xb8;
	[tilespmem:$0x2600] =	vst v63  }
0x1f: {  	s25 =	simm.s32 $0x1530;
	s26 =	simm.s32 $0x230  }
0x20: {  	[tilespmem:s25], [sflag:$0x1] =	stream.indirect.gather [hbm4b:s1+s10], $0x1, s26, s10, $0xb8;
	[tilespmem:$0x2600] =	vst v63  }
0x21: {  	s28 =	simm.s32 $0x1580;
	s29 =	simm.s32 $0x280  }
0x22: {  	[tilespmem:s28], [sflag:$0x1] =	stream.indirect.gather [hbm4b:s1+s10], $0x1, s29, s10, $0xb8;
	[tilespmem:$0x2600] =	vst v63  }
0x23: {  	s30 =	simm.s32 $0x15D0;
	s31 =	simm.s32 $0x2D0  }
0x24: {  	[tilespmem:s30], [sflag:$0x1] =	stream.indirect.gather [hbm4b:s1+s10], $0x1, s31, s10, $0xb8;
	[tilespmem:$0x2600] =	vst v63  }
0x25: {  	_ =	swait.ge [sflag:s19], $0x50  }
0x26: {  	[sflag:s19] =	ssyncset.done $0x0  }
0x27: {  	[sflag:s19] =	ssyncadd.s32 $0xFFFFFFB0  }
0x28: {  	_ =	swait.ge [sflag:s19], $0x50  }
0x29: {  	[sflag:s19] =	ssyncset.done $0x0  }
0x2a: {  	[sflag:s19] =	ssyncadd.s32 $0xFFFFFFB0  }
0x2b: {  	_ =	swait.ge [sflag:s19], $0x50  }
0x2c: {  	[sflag:s19] =	ssyncset.done $0x0  }
0x2d: {  	[sflag:s19] =	ssyncadd.s32 $0xFFFFFFB0  }
0x2e: {  	_ =	swait.ge [sflag:s19], $0x50  }
0x2f: {  	[sflag:s19] =	ssyncset.done $0x0  }
0x30: {  	[sflag:s19] =	ssyncadd.s32 $0xFFFFFFB0  }
0x31: {  	_ =	swait.ge [sflag:s19], $0x50  }
0x32: {  	s22 =	simm.s32 $0xC80;
	s21 =	simm.s32 $0x190;
	[sflag:s19] =	ssyncset.done $0x0  }
.LBB2_2:
0x33: {  	s23 =	sadd.s32 $0x1490, s21  }
0x34: {  	s24 =	sadd.s32 $0x190, s21;
	[sflag:s19] =	ssyncadd.s32 $0xFFFFFFB0;
	s25 =	smov.u32 s22  }
0x35: {  	[tilespmem:s23], [sflag:$0x1] =	stream.indirect.gather [hbm4b:s1+s10], $0x1, s24, s10, $0xb8;
	[tilespmem:$0x2600] =	vst v63  }
0x36: {  	s26 =	sadd.s32 $0x1E0, s21;
	s23 =	sadd.s32 $0x640, s22;
	s24 =	sadd.s32 $0x14E0, s21  }
0x37: {  	[tilespmem:s24], [sflag:$0x1] =	stream.indirect.gather [hbm4b:s1+s10], $0x1, s26, s10, $0xb8;
	[tilespmem:$0x2600] =	vst v63  }
0x38: {  	p0 =	sne.s32 s22, $0x3E80;
	s22 =	sadd.s32 $0x1530, s21;
	s24 =	sadd.s32 $0x230, s21  }
0x39: {  	[tilespmem:s22], [sflag:$0x1] =	stream.indirect.gather [hbm4b:s1+s10], $0x1, s24, s10, $0xb8;
	[tilespmem:$0x2600] =	vst v63  }
0x3a: {  	s22 =	sadd.s32 $0x1580, s21;
	s24 =	sadd.s32 $0x280, s21  }
0x3b: {  	[tilespmem:s22], [sflag:$0x1] =	stream.indirect.gather [hbm4b:s1+s10], $0x1, s24, s10, $0xb8;
	[tilespmem:$0x2600] =	vst v63  }
0x3c: {  	s22 =	sadd.s32 $0x15D0, s21;
	s21 =	sadd.s32 $0x2D0, s21  }
0x3d: {  	[tilespmem:s22], [sflag:$0x1] =	stream.indirect.gather [hbm4b:s1+s10], $0x1, s21, s10, $0xb8;
	[tilespmem:$0x2600] =	vst v63  }
0x3e: {  	_ =	swait.ge [sflag:s19], $0x50  }
0x3f: {  	[sflag:s19] =	ssyncset.done $0x0  }
0x40: {  	[sflag:s19] =	ssyncadd.s32 $0xFFFFFFB0  }
0x41: {  	_ =	swait.ge [sflag:s19], $0x50  }
0x42: {  	[sflag:s19] =	ssyncset.done $0x0  }
0x43: {  	[sflag:s19] =	ssyncadd.s32 $0xFFFFFFB0  }
0x44: {  	_ =	swait.ge [sflag:s19], $0x50  }
0x45: {  	[sflag:s19] =	ssyncset.done $0x0  }
0x46: {  	[sflag:s19] =	ssyncadd.s32 $0xFFFFFFB0  }
.Ltmp0:
0x47: {  	_ =	swait.ge [sflag:s19], $0x50;
	(pc) =	sbr.rel @p0 .LBB2_2-.Ltmp0, $4  }
0x48: {  	[sflag:s19] =	ssyncset.done $0x0  }
0x49: {  	[sflag:s19] =	ssyncadd.s32 $0xFFFFFFB0  }
0x4a: {  	_ =	swait.ge [sflag:s19], $0x50  }
0x4b: {  	s21 =	sshra.s32 s25, $0x2;
	s22 =	smov.u32 s23;
	[sflag:s19] =	ssyncset.done $0x0  }
0x4c: {  	s22 =	sadd.s32 $0x1490, s21;
	s23 =	sadd.s32 $0x190, s21;
	[sflag:s19] =	ssyncadd.s32 $0xFFFFFFB0  }
0x4d: {  	[tilespmem:s22], [sflag:$0x1] =	stream.indirect.gather [hbm4b:s1+s10], $0x1, s23, s10, $0xb8;
	[tilespmem:$0x2600] =	vst v63  }
0x4e: {  	s24 =	sadd.s32 $0x1E0, s21;
	s23 =	sadd.s32 $0x14E0, s21  }
0x4f: {  	[tilespmem:s23], [sflag:$0x1] =	stream.indirect.gather [hbm4b:s1+s10], $0x1, s24, s10, $0xb8;
	[tilespmem:$0x2600] =	vst v63  }
0x50: {  	s25 =	sadd.s32 $0x1530, s21;
	s26 =	sadd.s32 $0x230, s21  }
0x51: {  	[tilespmem:s25], [sflag:$0x1] =	stream.indirect.gather [hbm4b:s1+s10], $0x1, s26, s10, $0xb8;
	[tilespmem:$0x2600] =	vst v63  }
0x52: {  	s28 =	sadd.s32 $0x1580, s21;
	s29 =	sadd.s32 $0x280, s21  }
0x53: {  	[tilespmem:s28], [sflag:$0x1] =	stream.indirect.gather [hbm4b:s1+s10], $0x1, s29, s10, $0xb8;
	[tilespmem:$0x2600] =	vst v63  }
0x54: {  	s30 =	sadd.s32 $0x15D0, s21;
	s31 =	sadd.s32 $0x2D0, s21  }
0x55: {  	[tilespmem:s30], [sflag:$0x1] =	stream.indirect.gather [hbm4b:s1+s10], $0x1, s31, s10, $0xb8;
	[tilespmem:$0x2600] =	vst v63  }
0x56: {  	_ =	swait.ge [sflag:s19], $0x50  }
0x57: {  	[sflag:s19] =	ssyncset.done $0x0  }
0x58: {  	[sflag:s19] =	ssyncadd.s32 $0xFFFFFFB0  }
0x59: {  	_ =	swait.ge [sflag:s19], $0x50  }
0x5a: {  	[sflag:s19] =	ssyncset.done $0x0  }
0x5b: {  	[sflag:s19] =	ssyncadd.s32 $0xFFFFFFB0  }
0x5c: {  	_ =	swait.ge [sflag:s19], $0x50  }
0x5d: {  	[sflag:s19] =	ssyncset.done $0x0  }
0x5e: {  	[sflag:s19] =	ssyncadd.s32 $0xFFFFFFB0  }
0x5f: {  	_ =	swait.ge [sflag:s19], $0x50  }
0x60: {  	[sflag:s19] =	ssyncset.done $0x0  }
0x61: {  	[sflag:s19] =	ssyncadd.s32 $0xFFFFFFB0  }
0x62: {  	_ =	swait.ge [sflag:s19], $0x50  }
0x63: {  	[sflag:s19] =	ssyncset.done $0x0  }
0x64: {  	[sflag:s19] =	ssyncadd.s32 $0xFFFFFFB0  }
0x65: {  	_ =	swait.ge [sflag:s19], $0x50  }
0x66: {  	[sflag:s19] =	ssyncset.done $0x0  }
0x67: {  	[sflag:s19] =	ssyncadd.s32 $0xFFFFFFB0  }
0x68: {  	_ =	swait.ge [sflag:s19], $0x50  }
0x69: {  	[sflag:s19] =	ssyncset.done $0x0  }
0x6a: {  	[sflag:s19] =	ssyncadd.s32 $0xFFFFFFB0  }
0x6b: {  	_ =	swait.ge [sflag:s19], $0x50  }
0x6c: {  	[sflag:s19] =	ssyncset.done $0x0  }
0x6d: {  	[sflag:s19] =	ssyncadd.s32 $0xFFFFFFB0  }
0x6e: {  	_ =	swait.ge [sflag:s19], $0x50  }
0x6f: {  	[sflag:s19] =	ssyncset.done $0x0  }
0x70: {  	[sflag:s19] =	ssyncadd.s32 $0xFFFFFFB0  }
0x71: {  	s20 =	sadd.s32 $0x1, s20;
	_ =	swait.ge [sflag:s19], $0x50  }
0x72: {  	p0 =	sne.s32 s20, s6;
	[sflag:s19] =	ssyncset.done $0x0  }
.Ltmp1:
0x73: {  	[sflag:s19] =	ssyncadd.s32 $0xFFFFFFB0;
	(pc) =	sbr.rel @p0 .LBB2_1-.Ltmp1, $4  }
0x74: {  	[hbm4b:s5+s7] =	stream.strided.scatter [tilespmem:s11], [sflag:$0x2], $0x1300, s8, s7, $0x38;
	[tilespmem:$0x2600] =	vst v63  }
0x75: {  	_ =	swait.ge [sflag:s9], $0x1300  }
0x76: {  	[sflag:s9] =	ssyncset.done $0x0  }
0x77: {  	[sflag:s9] =	ssyncadd.s32 $0xFFFFED00  }
0x78: {  	_ =	sfence.sel $0x180000  }
0x79: {  	[bflag:$0x0] =	sbarrier.arrive $0xFFFF  }
0x7a: {  	p0 =	sne.s32 s0, $0x0;
	_ =	strace $0x9000004A  }
0x7b: {  	s0 =	sadd.s32 @!p0 $0x100000, s2;
	[bflag:$0x2] =	sbarrier.arrive $0xFFFF  }
0x7c: {  	[sflag:s0] =	ssyncadd.tile.s32 @!p0 $0x1;
	_ =	shalt  }
.Lfunc_end2:
_tile_overlayer_lowered:
.L_overlay_start_2:
0x7d: {  	(tag) =	ssettag $0x2  }
0x7e: {  	s0 =	rddreg [dreg:$0x0];
	s2 =	stileid.u32  }
0x7f: {  	s1 =	rddreg [dreg:$0x1];
	p0 =	sne.s32 s2, $0x0  }
0x80: {  	s3 =	rddreg [dreg:$0x2];
	[bflag:$0x3] =	sbarrier.arrive $0xFFFF;
	s2 =	simm.s32 @!p0 $0x1C02  }
0x81: {  	[timem:s3], [sflag:s2] =	dma.local @!p0 [hbm:s0], s1  }
0x82: {  	s0 =	simm.s32 @!p0 $0x2  }
0x83: {  	_ =	swait.ge @!p0 [sflag:s0], s1  }
0x84: {  	s1 =	ssub.s32 @!p0 $0x0, s1;
	[sflag:s0] =	ssyncset.done @!p0 $0x0  }
0x85: {  	[sflag:s0] =	ssyncadd.s32 @!p0 s1  }
0x86: {  	[bflag:$0x3] =	sbarrier.arrive $0xFFFF  }
0x87: {  	_ =	shalt  }

</sc_bundles>
